<compile_context>
chip_gen: v7x
topology: tpu7x:2x2x1
jax: 0.10.2.dev20260603
libtpu: 0.0.44.dev20260713+nightly
codegen_flags: <defaults>
</compile_context>

<pallas_src>
import functools

import jax
import jax.numpy as jnp
from jax import lax
from jax.experimental import pallas as pl
from jax.experimental.pallas import tpu as pltpu
from jax.experimental.pallas import tpu_sc as plsc

N = 10000
E = 320000
D = 128
D_EDGE = 16
EPS = 1e-5

NC = 2
NS = 16
NW = NC * NS
E_PAD = 327680
NSLICE = 2
E_SL = E_PAD // NSLICE
EPW = E_SL // NW
G = 64
NCH_G = EPW // G
DEPTH = 4
GS = 128
NCH_S = EPW // GS
N_PAD = 10240
RPS = N_PAD // NS

_MESH = plsc.VectorSubcoreMesh(core_axis_name="c", subcore_axis_name="s")


def _pack_bf16_pairs(t):
    bh = lax.bitcast_convert_type(t[:, :D], jnp.int32)
    bl = lax.bitcast_convert_type(t[:, D:], jnp.int32)
    rh = bh + jnp.int32(0x7FFF) + ((bh >> 16) & 1)
    rl = bl + jnp.int32(0x7FFF) + ((bl >> 16) & 1)
    return (rh & jnp.int32(-65536)) | lax.shift_right_logical(rl, 16)


def _unpack_hi(p):
    return lax.bitcast_convert_type(p & jnp.int32(-65536), jnp.float32)


def _unpack_lo(p):
    return lax.bitcast_convert_type(p << 16, jnp.float32)


def _proj_body(x_ref, wd_ref, ws_ref, tdst_ref, tsrc_ref):
    x = x_ref[...]
    tdst_ref[...] = _pack_bf16_pairs(
        jnp.dot(x, wd_ref[...], preferred_element_type=jnp.float32))
    tsrc_ref[...] = _pack_bf16_pairs(
        jnp.dot(x, ws_ref[...], preferred_element_type=jnp.float32))


def _project(x, wd, wsrc):
    return pl.pallas_call(
        _proj_body,
        out_shape=(
            jax.ShapeDtypeStruct((N, D), jnp.int32),
            jax.ShapeDtypeStruct((N, D), jnp.int32),
        ),
    )(x, wd, wsrc)


def _gather(tdst, tsrc, dst_idx, src_idx):
    out_ty = (
        jax.ShapeDtypeStruct((E_SL, D), jnp.int32),
        jax.ShapeDtypeStruct((E_SL, D), jnp.int32),
    )

    @functools.partial(
        pl.kernel,
        out_type=out_ty,
        mesh=_MESH,
        scratch_types=(
            [pltpu.VMEM((EPW,), jnp.int32)] * 2
            + [pltpu.VMEM((G, D), jnp.int32)] * (2 * DEPTH)
            + [pltpu.SemaphoreType.DMA] * (2 * DEPTH)
        ),
    )
    def k(tdst_h, tsrc_h, di_h, si_h, a_h, b_h, idxd, idxs, *rest):
        bd = list(rest[0:DEPTH])
        bs = list(rest[DEPTH:2 * DEPTH])
        gsem = list(rest[2 * DEPTH:3 * DEPTH])
        wsem = list(rest[3 * DEPTH:4 * DEPTH])
        cid = lax.axis_index("c")
        sid = lax.axis_index("s")
        wid = sid * NC + cid
        base = wid * EPW
        pltpu.sync_copy(di_h.at[pl.ds(base, EPW)], idxd)
        pltpu.sync_copy(si_h.at[pl.ds(base, EPW)], idxs)

        def gstart(c, b):
            pltpu.async_copy(tdst_h.at[idxd.at[pl.ds(c * G, G)]], bd[b], gsem[b])
            pltpu.async_copy(tsrc_h.at[idxs.at[pl.ds(c * G, G)]], bs[b], gsem[b])

        def gwait(c, b):
            pltpu.make_async_copy(
                tdst_h.at[idxd.at[pl.ds(c * G, G)]], bd[b], gsem[b]).wait()
            pltpu.make_async_copy(
                tsrc_h.at[idxs.at[pl.ds(c * G, G)]], bs[b], gsem[b]).wait()

        def wstart(c, b):
            pltpu.async_copy(bd[b], a_h.at[pl.ds(base + c * G, G)], wsem[b])
            pltpu.async_copy(bs[b], b_h.at[pl.ds(base + c * G, G)], wsem[b])

        def wwait(c, b):
            pltpu.make_async_copy(
                bd[b], a_h.at[pl.ds(base + c * G, G)], wsem[b]).wait()
            pltpu.make_async_copy(
                bs[b], b_h.at[pl.ds(base + c * G, G)], wsem[b]).wait()

        for b in range(DEPTH):
            gstart(b, b)

        @pl.loop(0, NCH_G, step=DEPTH)
        def _(cc):
            for b in range(DEPTH):
                c = cc + b
                gwait(c, b)
                wstart(c, b)

                @pl.when(c + DEPTH < NCH_G)
                def _():
                    wwait(c, b)
                    gstart(c + DEPTH, b)

        for b in range(DEPTH):
            wwait(NCH_G - DEPTH + b, b)

    return k(tdst, tsrc, dst_idx, src_idx)


BE = 2048


def _mlp_body(base, a_ref, b_ref, ea_ref, wfe_ref, wse_ref, bf_ref, bs_ref,
              msg_ref):
    a = a_ref[...]
    b = b_ref[...]
    ea = ea_ref[...]
    ef = jnp.dot(ea, wfe_ref[...], preferred_element_type=jnp.float32)
    es = jnp.dot(ea, wse_ref[...], preferred_element_type=jnp.float32)
    zf = _unpack_hi(a) + _unpack_hi(b) + ef + bf_ref[...]
    zs = _unpack_lo(a) + _unpack_lo(b) + es + bs_ref[...]
    gate = jax.nn.sigmoid(zf)
    val = jnp.maximum(zs, 0.0) + jnp.log1p(jnp.exp(-jnp.abs(zs)))
    msg = gate * val
    row = (base + pl.program_id(0) * BE
           + lax.broadcasted_iota(jnp.int32, (BE, D), 0))
    msg_ref[...] = jnp.where(row < E, msg, 0.0)


def _mlp(base, a, b, ea, wfe, wse, bf, bs):
    nblk = E_SL // BE
    return pl.pallas_call(
        functools.partial(_mlp_body, base),
        grid=(nblk,),
        in_specs=[
            pl.BlockSpec((BE, D), lambda i: (i, 0)),
            pl.BlockSpec((BE, D), lambda i: (i, 0)),
            pl.BlockSpec((BE, D_EDGE), lambda i: (i, 0)),
            pl.BlockSpec((D_EDGE, D), lambda i: (0, 0)),
            pl.BlockSpec((D_EDGE, D), lambda i: (0, 0)),
            pl.BlockSpec((1, D), lambda i: (0, 0)),
            pl.BlockSpec((1, D), lambda i: (0, 0)),
        ],
        out_specs=pl.BlockSpec((BE, D), lambda i: (i, 0)),
        out_shape=jax.ShapeDtypeStruct((E_SL, D), jnp.float32),
        compiler_params=pltpu.CompilerParams(
            dimension_semantics=("parallel",)),
    )(a, b, ea, wfe, wse, bf, bs)


def _scatter(msgs, dst2d, zeros):
    out_ty = jax.ShapeDtypeStruct((NC, N_PAD, D), jnp.float32)

    IW = ((NCH_S + 7) // 8) * 8 + 8

    @functools.partial(
        pl.kernel,
        out_type=out_ty,
        mesh=_MESH,
        scratch_types=[
            pltpu.VMEM((NSLICE * IW, GS), jnp.int32),
            pltpu.VMEM((GS, D), jnp.float32),
            pltpu.VMEM((GS, D), jnp.float32),
            pltpu.VMEM_SHARED((N_PAD, D), jnp.float32),
            pltpu.SemaphoreType.DMA,
            pltpu.SemaphoreType.DMA,
        ],
    )
    def k(*refs):
        msg_hs = list(refs[:NSLICE])
        (dst_h, z_h, out_h, idx2, m0, m1, agg, s0, s1) = refs[NSLICE:]
        cid = lax.axis_index("c")
        sid = lax.axis_index("s")
        wid = sid * NC + cid
        offs = []
        for s in range(NSLICE):
            gstart = s * (E_SL // GS) + wid * NCH_S
            astart = (gstart // 8) * 8
            offs.append(gstart - astart)
            pltpu.sync_copy(dst_h.at[pl.ds(astart, IW)],
                            idx2.at[pl.ds(s * IW, IW)])
        pltpu.sync_copy(z_h.at[pl.ds(sid * RPS, RPS)],
                        agg.at[pl.ds(sid * RPS, RPS)])
        plsc.subcore_barrier()

        mbuf = [m0, m1]
        sem = [s0, s1]
        SD = 2

        for s in range(NSLICE):
            msg_h = msg_hs[s]
            ebase = wid * EPW

            def mstart(c, b):
                pltpu.async_copy(
                    msg_h.at[pl.ds(ebase + c * GS, GS)], mbuf[b], sem[b])

            def mwait(c, b):
                pltpu.make_async_copy(
                    msg_h.at[pl.ds(ebase + c * GS, GS)], mbuf[b], sem[b]).wait()

            for b in range(SD):
                mstart(b, b)

            @pl.loop(0, NCH_S, step=SD)
            def _(cc):
                for b in range(SD):
                    c = cc + b
                    mwait(c, b)
                    pltpu.sync_copy(mbuf[b],
                                    agg.at[idx2.at[s * IW + offs[s] + c]],
                                    add=True)

                    @pl.when(c + SD < NCH_S)
                    def _():
                        mstart(c + SD, b)

        plsc.subcore_barrier()
        pltpu.sync_copy(agg.at[pl.ds(sid * RPS, RPS)],
                        out_h.at[cid, pl.ds(sid * RPS, RPS)])

    return k(*msgs, dst2d, zeros)


NB_F = 1000


def _final_body(p_ref, x_ref, bng_ref, bnb_ref, lng_ref, lnb_ref, out_ref):
    agg = p_ref[0] + p_ref[1]
    x = x_ref[...]
    out = agg * (1.0 / jnp.sqrt(1.0 + EPS)) * bng_ref[...] + bnb_ref[...]
    out = out + x
    mu = jnp.mean(out, axis=-1, keepdims=True)
    var = jnp.mean(jnp.square(out - mu), axis=-1, keepdims=True)
    out = (out - mu) * jax.lax.rsqrt(var + EPS) * lng_ref[...] + lnb_ref[...]
    out = jnp.maximum(out, 0.0)
    out_ref[...] = out + x


def _final(partial, x, bng, bnb, lng, lnb):
    return pl.pallas_call(
        _final_body,
        grid=(N // NB_F,),
        in_specs=[
            pl.BlockSpec((NC, NB_F, D), lambda i: (0, i, 0)),
            pl.BlockSpec((NB_F, D), lambda i: (i, 0)),
            pl.BlockSpec((1, D), lambda i: (0, 0)),
            pl.BlockSpec((1, D), lambda i: (0, 0)),
            pl.BlockSpec((1, D), lambda i: (0, 0)),
            pl.BlockSpec((1, D), lambda i: (0, 0)),
        ],
        out_specs=pl.BlockSpec((NB_F, D), lambda i: (i, 0)),
        out_shape=jax.ShapeDtypeStruct((N, D), jnp.float32),
        compiler_params=pltpu.CompilerParams(
            dimension_semantics=("parallel",)),
    )(partial, x, bng, bnb, lng, lnb)


def kernel(x, edge_index, edge_attr, W_f, b_f, W_s, b_s,
           bn_gamma, bn_beta, ln_gamma, ln_beta):
    src = edge_index[0]
    dst = edge_index[1]
    pad = E_PAD - E
    dst_p = jnp.pad(dst, (0, pad))
    src_p = jnp.pad(src, (0, pad))
    ea_p = jnp.pad(edge_attr, ((0, pad), (0, 0)))

    wd = jnp.concatenate([W_f[:D], W_s[:D]], axis=1)
    wsrc = jnp.concatenate([W_f[D:2 * D], W_s[D:2 * D]], axis=1)
    wfe = W_f[2 * D:]
    wse = W_s[2 * D:]

    tdst, tsrc = _project(x, wd, wsrc)
    bf2 = b_f.reshape(1, D)
    bs2 = b_s.reshape(1, D)
    msgs = []
    for s in range(NSLICE):
        sl = slice(s * E_SL, (s + 1) * E_SL)
        a, b = _gather(tdst, tsrc, dst_p[sl], src_p[sl])
        msgs.append(_mlp(s * E_SL, a, b, ea_p[sl], wfe, wse, bf2, bs2))
    dst2d = jnp.pad(dst_p, (0, 8 * GS)).reshape(E_PAD // GS + 8, GS)
    partial = _scatter(msgs, dst2d, jnp.zeros((N_PAD, D), jnp.float32))
    return _final(partial, x, bn_gamma.reshape(1, D), bn_beta.reshape(1, D),
                  ln_gamma.reshape(1, D), ln_beta.reshape(1, D))

# --- scband reference (transcript-rebuilt; emitter-appended) ---
"""Pipeline reference for scband-residual-cgconv-block-22144851378806 (READ-ONLY COPY).

The authoritative reference and input builder live on the scoring server;
editing this copy changes nothing except your own understanding.
"""

import jax, jax.numpy as jnp
import numpy as np

N_NODES = 10000
N_EDGES = 320000
D = 128
D_EDGE = 16
EPS = 1e-5

def setup_inputs(seed: int = 0) -> dict:
    key = jax.random.key(seed)
    ks = jax.random.split(key, 8)
    x = jax.random.normal(ks[0], (N_NODES, D), dtype=jnp.float32)
    edge_index = jax.random.randint(ks[1], (2, N_EDGES), 0, N_NODES, dtype=jnp.int64 if jax.config.jax_enable_x64 else jnp.int32).astype(jnp.int32)
    edge_attr = jax.random.normal(ks[2], (N_EDGES, D_EDGE), dtype=jnp.float32)
    zin = 2 * D + D_EDGE
    W_f = jax.random.normal(ks[3], (zin, D), dtype=jnp.float32) * 0.05
    b_f = jnp.zeros((D,), dtype=jnp.float32)
    W_s = jax.random.normal(ks[4], (zin, D), dtype=jnp.float32) * 0.05
    b_s = jnp.zeros((D,), dtype=jnp.float32)
    bn_gamma = jnp.ones((D,), dtype=jnp.float32)
    bn_beta = jnp.zeros((D,), dtype=jnp.float32)
    ln_gamma = jnp.ones((D,), dtype=jnp.float32)
    ln_beta = jnp.zeros((D,), dtype=jnp.float32)
    return {"x": x, "edge_index": edge_index, "edge_attr": edge_attr,
            "W_f": W_f, "b_f": b_f, "W_s": W_s, "b_s": b_s,
            "bn_gamma": bn_gamma, "bn_beta": bn_beta,
            "ln_gamma": ln_gamma, "ln_beta": ln_beta}

def reference(x, edge_index, edge_attr, W_f, b_f, W_s, b_s, bn_gamma, bn_beta, ln_gamma, ln_beta):
    identity = x
    src = edge_index[0]
    dst = edge_index[1]
    x_j = jnp.take(x, src, axis=0)  # source features
    x_i = jnp.take(x, dst, axis=0)  # target features
    z = jnp.concatenate([x_i, x_j, edge_attr], axis=-1)
    gate = jax.nn.sigmoid(z @ W_f + b_f)
    val = jax.nn.softplus(z @ W_s + b_s)
    msg = gate * val
    agg = jax.ops.segment_sum(msg, dst, num_segments=N_NODES)
    # BatchNorm1d in eval mode: running_mean=0, running_var=1
    out = agg / jnp.sqrt(1.0 + EPS) * bn_gamma + bn_beta
    # CGConv internal residual
    out = out + x
    # LayerNorm
    mu = jnp.mean(out, axis=-1, keepdims=True)
    var = jnp.var(out, axis=-1, keepdims=True)
    out = (out - mu) / jnp.sqrt(var + EPS) * ln_gamma + ln_beta
    out = jax.nn.relu(out)
    # dropout is identity in eval mode
    return out + identity

if __name__ == "__main__":
    import jax
    _d = setup_inputs()
    print(jax.jit(kernel)(*tuple(_d.values())))

</pallas_src>

<mosaic_0001>
#map = affine_map<(d0, d1) -> (0, 0)>
#map1 = affine_map<(d0, d1) -> (0)>
module attributes {stable_mosaic.version = 14 : i64} {
  func.func @k(%arg0: i32, %arg1: i32, %arg2: memref<10000x128xi32, #tpu.memory_space<hbm>>, %arg3: memref<10000x128xi32, #tpu.memory_space<hbm>>, %arg4: memref<163840xi32, #tpu.memory_space<hbm>>, %arg5: memref<163840xi32, #tpu.memory_space<hbm>>, %arg6: memref<163840x128xi32, #tpu.memory_space<hbm>>, %arg7: memref<163840x128xi32, #tpu.memory_space<hbm>>, %arg8: memref<5120xi32, #tpu.memory_space<vmem>>, %arg9: memref<5120xi32, #tpu.memory_space<vmem>>, %arg10: memref<64x128xi32, #tpu.memory_space<vmem>>, %arg11: memref<64x128xi32, #tpu.memory_space<vmem>>, %arg12: memref<64x128xi32, #tpu.memory_space<vmem>>, %arg13: memref<64x128xi32, #tpu.memory_space<vmem>>, %arg14: memref<64x128xi32, #tpu.memory_space<vmem>>, %arg15: memref<64x128xi32, #tpu.memory_space<vmem>>, %arg16: memref<64x128xi32, #tpu.memory_space<vmem>>, %arg17: memref<64x128xi32, #tpu.memory_space<vmem>>, %arg18: memref<!tpu.dma_semaphore, #tpu.memory_space<semaphore_mem>>, %arg19: memref<!tpu.dma_semaphore, #tpu.memory_space<semaphore_mem>>, %arg20: memref<!tpu.dma_semaphore, #tpu.memory_space<semaphore_mem>>, %arg21: memref<!tpu.dma_semaphore, #tpu.memory_space<semaphore_mem>>, %arg22: memref<!tpu.dma_semaphore, #tpu.memory_space<semaphore_mem>>, %arg23: memref<!tpu.dma_semaphore, #tpu.memory_space<semaphore_mem>>, %arg24: memref<!tpu.dma_semaphore, #tpu.memory_space<semaphore_mem>>, %arg25: memref<!tpu.dma_semaphore, #tpu.memory_space<semaphore_mem>>) attributes {dimension_semantics = [#tpu.dimension_semantics<core_parallel>, #tpu.dimension_semantics<subcore_parallel>], iteration_bounds = array<i64: 2, 16>, scalar_prefetch = 0 : i64, scratch_operands = 18 : i64, tpu.core_type = #tpu.core_type<sc_vector_subcore>, window_params = [{transform_indices = #map}, {transform_indices = #map}, {transform_indices = #map1}, {transform_indices = #map1}, {transform_indices = #map}, {transform_indices = #map}]} {
    %mul3A = arith.constant 2 : i32
    %mul3A_0 = arith.muli %arg1, %mul3A : i32
    %add3A = arith.addi %mul3A_0, %arg0 : i32
    %mul3A_1 = arith.constant 5120 : i32
    %mul3A_2 = arith.muli %add3A, %mul3A_1 : i32
    "tpu.region"() ({
      %run_scoped3A = tpu.sem_alloc : memref<!tpu.dma_semaphore, #tpu.memory_space<semaphore_mem>>
      %dma_start3A_93 = tpu.memref_slice %arg4[%mul3A_2] : memref<163840xi32, #tpu.memory_space<hbm>> -> memref<5120xi32, #tpu.memory_space<hbm>>
      %dma_start3A_94 = tpu.memref_slice %arg4[%mul3A_2] : memref<163840xi32, #tpu.memory_space<hbm>> -> memref<5120xi32, #tpu.memory_space<hbm>>
      tpu.enqueue_dma source(%dma_start3A_94 : memref<5120xi32, #tpu.memory_space<hbm>>) target(%arg8 : memref<5120xi32, #tpu.memory_space<vmem>>) target_semaphore(%run_scoped3A : memref<!tpu.dma_semaphore, #tpu.memory_space<semaphore_mem>>)
      %dma_wait3A_95 = tpu.memref_slice %arg4[%mul3A_2] : memref<163840xi32, #tpu.memory_space<hbm>> -> memref<5120xi32, #tpu.memory_space<hbm>>
      %dma_wait3A_96 = tpu.memref_slice %arg4[%mul3A_2] : memref<163840xi32, #tpu.memory_space<hbm>> -> memref<5120xi32, #tpu.memory_space<hbm>>
      tpu.wait_dma2 semaphore(%run_scoped3A : memref<!tpu.dma_semaphore, #tpu.memory_space<semaphore_mem>>) src(%dma_wait3A_96 : memref<5120xi32, #tpu.memory_space<hbm>>) dst(%arg8 : memref<5120xi32, #tpu.memory_space<vmem>>)
      tpu.yield
    }) : () -> ()
    "tpu.region"() ({
      %run_scoped3A = tpu.sem_alloc : memref<!tpu.dma_semaphore, #tpu.memory_space<semaphore_mem>>
      %dma_start3A_93 = tpu.memref_slice %arg5[%mul3A_2] : memref<163840xi32, #tpu.memory_space<hbm>> -> memref<5120xi32, #tpu.memory_space<hbm>>
      %dma_start3A_94 = tpu.memref_slice %arg5[%mul3A_2] : memref<163840xi32, #tpu.memory_space<hbm>> -> memref<5120xi32, #tpu.memory_space<hbm>>
      tpu.enqueue_dma source(%dma_start3A_94 : memref<5120xi32, #tpu.memory_space<hbm>>) target(%arg9 : memref<5120xi32, #tpu.memory_space<vmem>>) target_semaphore(%run_scoped3A : memref<!tpu.dma_semaphore, #tpu.memory_space<semaphore_mem>>)
      %dma_wait3A_95 = tpu.memref_slice %arg5[%mul3A_2] : memref<163840xi32, #tpu.memory_space<hbm>> -> memref<5120xi32, #tpu.memory_space<hbm>>
      %dma_wait3A_96 = tpu.memref_slice %arg5[%mul3A_2] : memref<163840xi32, #tpu.memory_space<hbm>> -> memref<5120xi32, #tpu.memory_space<hbm>>
      tpu.wait_dma2 semaphore(%run_scoped3A : memref<!tpu.dma_semaphore, #tpu.memory_space<semaphore_mem>>) src(%dma_wait3A_96 : memref<5120xi32, #tpu.memory_space<hbm>>) dst(%arg9 : memref<5120xi32, #tpu.memory_space<vmem>>)
      tpu.yield
    }) : () -> ()
    %dma_start3A = arith.constant 0 : i32
    %dma_start3A_3 = tpu.memref_slice %arg8[%dma_start3A] : memref<5120xi32, #tpu.memory_space<vmem>> -> memref<64xi32, #tpu.memory_space<vmem>>
    %dma_start3A_4 = arith.constant 0 : i32
    %dma_start3A_5 = arith.constant 0 : i32
    %dma_start3A_6 = tpu.memref_slice %arg2[%dma_start3A_4, %dma_start3A_5] : memref<10000x128xi32, #tpu.memory_space<hbm>> -> memref<10000x128xi32, #tpu.memory_space<hbm>>
    tpu.enqueue_indirect_dma source(%dma_start3A_6 : memref<10000x128xi32, #tpu.memory_space<hbm>>) target(%arg10 : memref<64x128xi32, #tpu.memory_space<vmem>>) offsets(%dma_start3A_3 : memref<64xi32, #tpu.memory_space<vmem>>) semaphore(%arg18 : memref<!tpu.dma_semaphore, #tpu.memory_space<semaphore_mem>>)
    %dma_start3A_7 = arith.constant 0 : i32
    %dma_start3A_8 = tpu.memref_slice %arg9[%dma_start3A_7] : memref<5120xi32, #tpu.memory_space<vmem>> -> memref<64xi32, #tpu.memory_space<vmem>>
    %dma_start3A_9 = arith.constant 0 : i32
    %dma_start3A_10 = arith.constant 0 : i32
    %dma_start3A_11 = tpu.memref_slice %arg3[%dma_start3A_9, %dma_start3A_10] : memref<10000x128xi32, #tpu.memory_space<hbm>> -> memref<10000x128xi32, #tpu.memory_space<hbm>>
    tpu.enqueue_indirect_dma source(%dma_start3A_11 : memref<10000x128xi32, #tpu.memory_space<hbm>>) target(%arg14 : memref<64x128xi32, #tpu.memory_space<vmem>>) offsets(%dma_start3A_8 : memref<64xi32, #tpu.memory_space<vmem>>) semaphore(%arg18 : memref<!tpu.dma_semaphore, #tpu.memory_space<semaphore_mem>>)
    %dma_start3A_12 = arith.constant 64 : i32
    %dma_start3A_13 = tpu.memref_slice %arg8[%dma_start3A_12] : memref<5120xi32, #tpu.memory_space<vmem>> -> memref<64xi32, #tpu.memory_space<vmem>>
    %dma_start3A_14 = arith.constant 0 : i32
    %dma_start3A_15 = arith.constant 0 : i32
    %dma_start3A_16 = tpu.memref_slice %arg2[%dma_start3A_14, %dma_start3A_15] : memref<10000x128xi32, #tpu.memory_space<hbm>> -> memref<10000x128xi32, #tpu.memory_space<hbm>>
    tpu.enqueue_indirect_dma source(%dma_start3A_16 : memref<10000x128xi32, #tpu.memory_space<hbm>>) target(%arg11 : memref<64x128xi32, #tpu.memory_space<vmem>>) offsets(%dma_start3A_13 : memref<64xi32, #tpu.memory_space<vmem>>) semaphore(%arg19 : memref<!tpu.dma_semaphore, #tpu.memory_space<semaphore_mem>>)
    %dma_start3A_17 = arith.constant 64 : i32
    %dma_start3A_18 = tpu.memref_slice %arg9[%dma_start3A_17] : memref<5120xi32, #tpu.memory_space<vmem>> -> memref<64xi32, #tpu.memory_space<vmem>>
    %dma_start3A_19 = arith.constant 0 : i32
    %dma_start3A_20 = arith.constant 0 : i32
    %dma_start3A_21 = tpu.memref_slice %arg3[%dma_start3A_19, %dma_start3A_20] : memref<10000x128xi32, #tpu.memory_space<hbm>> -> memref<10000x128xi32, #tpu.memory_space<hbm>>
    tpu.enqueue_indirect_dma source(%dma_start3A_21 : memref<10000x128xi32, #tpu.memory_space<hbm>>) target(%arg15 : memref<64x128xi32, #tpu.memory_space<vmem>>) offsets(%dma_start3A_18 : memref<64xi32, #tpu.memory_space<vmem>>) semaphore(%arg19 : memref<!tpu.dma_semaphore, #tpu.memory_space<semaphore_mem>>)
    %dma_start3A_22 = arith.constant 128 : i32
    %dma_start3A_23 = tpu.memref_slice %arg8[%dma_start3A_22] : memref<5120xi32, #tpu.memory_space<vmem>> -> memref<64xi32, #tpu.memory_space<vmem>>
    %dma_start3A_24 = arith.constant 0 : i32
    %dma_start3A_25 = arith.constant 0 : i32
    %dma_start3A_26 = tpu.memref_slice %arg2[%dma_start3A_24, %dma_start3A_25] : memref<10000x128xi32, #tpu.memory_space<hbm>> -> memref<10000x128xi32, #tpu.memory_space<hbm>>
    tpu.enqueue_indirect_dma source(%dma_start3A_26 : memref<10000x128xi32, #tpu.memory_space<hbm>>) target(%arg12 : memref<64x128xi32, #tpu.memory_space<vmem>>) offsets(%dma_start3A_23 : memref<64xi32, #tpu.memory_space<vmem>>) semaphore(%arg20 : memref<!tpu.dma_semaphore, #tpu.memory_space<semaphore_mem>>)
    %dma_start3A_27 = arith.constant 128 : i32
    %dma_start3A_28 = tpu.memref_slice %arg9[%dma_start3A_27] : memref<5120xi32, #tpu.memory_space<vmem>> -> memref<64xi32, #tpu.memory_space<vmem>>
    %dma_start3A_29 = arith.constant 0 : i32
    %dma_start3A_30 = arith.constant 0 : i32
    %dma_start3A_31 = tpu.memref_slice %arg3[%dma_start3A_29, %dma_start3A_30] : memref<10000x128xi32, #tpu.memory_space<hbm>> -> memref<10000x128xi32, #tpu.memory_space<hbm>>
    tpu.enqueue_indirect_dma source(%dma_start3A_31 : memref<10000x128xi32, #tpu.memory_space<hbm>>) target(%arg16 : memref<64x128xi32, #tpu.memory_space<vmem>>) offsets(%dma_start3A_28 : memref<64xi32, #tpu.memory_space<vmem>>) semaphore(%arg20 : memref<!tpu.dma_semaphore, #tpu.memory_space<semaphore_mem>>)
    %dma_start3A_32 = arith.constant 192 : i32
    %dma_start3A_33 = tpu.memref_slice %arg8[%dma_start3A_32] : memref<5120xi32, #tpu.memory_space<vmem>> -> memref<64xi32, #tpu.memory_space<vmem>>
    %dma_start3A_34 = arith.constant 0 : i32
    %dma_start3A_35 = arith.constant 0 : i32
    %dma_start3A_36 = tpu.memref_slice %arg2[%dma_start3A_34, %dma_start3A_35] : memref<10000x128xi32, #tpu.memory_space<hbm>> -> memref<10000x128xi32, #tpu.memory_space<hbm>>
    tpu.enqueue_indirect_dma source(%dma_start3A_36 : memref<10000x128xi32, #tpu.memory_space<hbm>>) target(%arg13 : memref<64x128xi32, #tpu.memory_space<vmem>>) offsets(%dma_start3A_33 : memref<64xi32, #tpu.memory_space<vmem>>) semaphore(%arg21 : memref<!tpu.dma_semaphore, #tpu.memory_space<semaphore_mem>>)
    %dma_start3A_37 = arith.constant 192 : i32
    %dma_start3A_38 = tpu.memref_slice %arg9[%dma_start3A_37] : memref<5120xi32, #tpu.memory_space<vmem>> -> memref<64xi32, #tpu.memory_space<vmem>>
    %dma_start3A_39 = arith.constant 0 : i32
    %dma_start3A_40 = arith.constant 0 : i32
    %dma_start3A_41 = tpu.memref_slice %arg3[%dma_start3A_39, %dma_start3A_40] : memref<10000x128xi32, #tpu.memory_space<hbm>> -> memref<10000x128xi32, #tpu.memory_space<hbm>>
    tpu.enqueue_indirect_dma source(%dma_start3A_41 : memref<10000x128xi32, #tpu.memory_space<hbm>>) target(%arg17 : memref<64x128xi32, #tpu.memory_space<vmem>>) offsets(%dma_start3A_38 : memref<64xi32, #tpu.memory_space<vmem>>) semaphore(%arg21 : memref<!tpu.dma_semaphore, #tpu.memory_space<semaphore_mem>>)
    %scan3A = arith.constant 0 : i32
    %scan3A_42 = arith.constant 20 : i32
    %scan3A_43 = arith.addi %scan3A, %scan3A_42 : i32
    %scan3A_44 = arith.constant 1 : i32
    scf.for %scan3A_93 = %scan3A to %scan3A_43 step %scan3A_44  : i32 {
      %mul3A_94 = arith.constant 4 : i32
      %mul3A_95 = arith.muli %scan3A_93, %mul3A_94 : i32
      %add3A_96 = arith.constant 0 : i32
      %add3A_97 = arith.addi %add3A_96, %mul3A_95 : i32
      %add3A_98 = arith.constant 0 : i32
      %add3A_99 = arith.addi %add3A_97, %add3A_98 : i32
      %mul3A_100 = arith.constant 64 : i32
      %mul3A_101 = arith.muli %add3A_99, %mul3A_100 : i32
      %dma_wait3A_102 = tpu.memref_slice %arg8[%mul3A_101] : memref<5120xi32, #tpu.memory_space<vmem>> -> memref<64xi32, #tpu.memory_space<vmem>>
      %dma_wait3A_103 = arith.constant 0 : i32
      %dma_wait3A_104 = arith.constant 0 : i32
      %dma_wait3A_105 = tpu.memref_slice %arg2[%dma_wait3A_103, %dma_wait3A_104] : memref<10000x128xi32, #tpu.memory_space<hbm>> -> memref<10000x128xi32, #tpu.memory_space<hbm>>
      tpu.wait_indirect_dma semaphore(%arg18 : memref<!tpu.dma_semaphore, #tpu.memory_space<semaphore_mem>>) src(%dma_wait3A_105 : memref<10000x128xi32, #tpu.memory_space<hbm>>) dst(%arg10 : memref<64x128xi32, #tpu.memory_space<vmem>>)
      %mul3A_106 = arith.constant 64 : i32
      %mul3A_107 = arith.muli %add3A_99, %mul3A_106 : i32
      %dma_wait3A_108 = tpu.memref_slice %arg9[%mul3A_107] : memref<5120xi32, #tpu.memory_space<vmem>> -> memref<64xi32, #tpu.memory_space<vmem>>
      %dma_wait3A_109 = arith.constant 0 : i32
      %dma_wait3A_110 = arith.constant 0 : i32
      %dma_wait3A_111 = tpu.memref_slice %arg3[%dma_wait3A_109, %dma_wait3A_110] : memref<10000x128xi32, #tpu.memory_space<hbm>> -> memref<10000x128xi32, #tpu.memory_space<hbm>>
      tpu.wait_indirect_dma semaphore(%arg18 : memref<!tpu.dma_semaphore, #tpu.memory_space<semaphore_mem>>) src(%dma_wait3A_111 : memref<10000x128xi32, #tpu.memory_space<hbm>>) dst(%arg14 : memref<64x128xi32, #tpu.memory_space<vmem>>)
      %mul3A_112 = arith.constant 64 : i32
      %mul3A_113 = arith.muli %add3A_99, %mul3A_112 : i32
      %add3A_114 = arith.addi %mul3A_2, %mul3A_113 : i32
      %dma_start3A_115 = arith.constant 0 : i32
      %dma_start3A_116 = tpu.memref_slice %arg6[%add3A_114, %dma_start3A_115] : memref<163840x128xi32, #tpu.memory_space<hbm>> -> memref<64x128xi32, #tpu.memory_space<hbm>>
      %dma_start3A_117 = arith.constant 0 : i32
      %dma_start3A_118 = tpu.memref_slice %arg6[%add3A_114, %dma_start3A_117] : memref<163840x128xi32, #tpu.memory_space<hbm>> -> memref<64x128xi32, #tpu.memory_space<hbm>>
      tpu.enqueue_dma source(%arg10 : memref<64x128xi32, #tpu.memory_space<vmem>>) target(%dma_start3A_118 : memref<64x128xi32, #tpu.memory_space<hbm>>) target_semaphore(%arg22 : memref<!tpu.dma_semaphore, #tpu.memory_space<semaphore_mem>>)
      %mul3A_119 = arith.constant 64 : i32
      %mul3A_120 = arith.muli %add3A_99, %mul3A_119 : i32
      %add3A_121 = arith.addi %mul3A_2, %mul3A_120 : i32
      %dma_start3A_122 = arith.constant 0 : i32
      %dma_start3A_123 = tpu.memref_slice %arg7[%add3A_121, %dma_start3A_122] : memref<163840x128xi32, #tpu.memory_space<hbm>> -> memref<64x128xi32, #tpu.memory_space<hbm>>
      %dma_start3A_124 = arith.constant 0 : i32
      %dma_start3A_125 = tpu.memref_slice %arg7[%add3A_121, %dma_start3A_124] : memref<163840x128xi32, #tpu.memory_space<hbm>> -> memref<64x128xi32, #tpu.memory_space<hbm>>
      tpu.enqueue_dma source(%arg14 : memref<64x128xi32, #tpu.memory_space<vmem>>) target(%dma_start3A_125 : memref<64x128xi32, #tpu.memory_space<hbm>>) target_semaphore(%arg22 : memref<!tpu.dma_semaphore, #tpu.memory_space<semaphore_mem>>)
      %add3A_126 = arith.constant 4 : i32
      %add3A_127 = arith.addi %add3A_99, %add3A_126 : i32
      %lt3A = arith.constant 80 : i32
      %lt3A_128 = arith.cmpi slt, %add3A_127, %lt3A : i32
      %convert_element_type3A = arith.extui %lt3A_128 : i1 to i32
      %cond3A = arith.constant 0 : i32
      %cond3A_129 = arith.cmpi ne, %convert_element_type3A, %cond3A : i32
      scf.if %cond3A_129 {
        %mul3A_235 = arith.constant 64 : i32
        %mul3A_236 = arith.muli %add3A_99, %mul3A_235 : i32
        %add3A_237 = arith.addi %mul3A_2, %mul3A_236 : i32
        %dma_wait3A_238 = arith.constant 0 : i32
        %dma_wait3A_239 = tpu.memref_slice %arg6[%add3A_237, %dma_wait3A_238] : memref<163840x128xi32, #tpu.memory_space<hbm>> -> memref<64x128xi32, #tpu.memory_space<hbm>>
        %dma_wait3A_240 = arith.constant 0 : i32
        %dma_wait3A_241 = tpu.memref_slice %arg6[%add3A_237, %dma_wait3A_240] : memref<163840x128xi32, #tpu.memory_space<hbm>> -> memref<64x128xi32, #tpu.memory_space<hbm>>
        tpu.wait_dma2 semaphore(%arg22 : memref<!tpu.dma_semaphore, #tpu.memory_space<semaphore_mem>>) src(%arg10 : memref<64x128xi32, #tpu.memory_space<vmem>>) dst(%dma_wait3A_241 : memref<64x128xi32, #tpu.memory_space<hbm>>)
        %mul3A_242 = arith.constant 64 : i32
        %mul3A_243 = arith.muli %add3A_99, %mul3A_242 : i32
        %add3A_244 = arith.addi %mul3A_2, %mul3A_243 : i32
        %dma_wait3A_245 = arith.constant 0 : i32
        %dma_wait3A_246 = tpu.memref_slice %arg7[%add3A_244, %dma_wait3A_245] : memref<163840x128xi32, #tpu.memory_space<hbm>> -> memref<64x128xi32, #tpu.memory_space<hbm>>
        %dma_wait3A_247 = arith.constant 0 : i32
        %dma_wait3A_248 = tpu.memref_slice %arg7[%add3A_244, %dma_wait3A_247] : memref<163840x128xi32, #tpu.memory_space<hbm>> -> memref<64x128xi32, #tpu.memory_space<hbm>>
        tpu.wait_dma2 semaphore(%arg22 : memref<!tpu.dma_semaphore, #tpu.memory_space<semaphore_mem>>) src(%arg14 : memref<64x128xi32, #tpu.memory_space<vmem>>) dst(%dma_wait3A_248 : memref<64x128xi32, #tpu.memory_space<hbm>>)
        %add3A_249 = arith.constant 4 : i32
        %add3A_250 = arith.addi %add3A_99, %add3A_249 : i32
        %mul3A_251 = arith.constant 64 : i32
        %mul3A_252 = arith.muli %add3A_250, %mul3A_251 : i32
        %dma_start3A_253 = tpu.memref_slice %arg8[%mul3A_252] : memref<5120xi32, #tpu.memory_space<vmem>> -> memref<64xi32, #tpu.memory_space<vmem>>
        %dma_start3A_254 = arith.constant 0 : i32
        %dma_start3A_255 = arith.constant 0 : i32
        %dma_start3A_256 = tpu.memref_slice %arg2[%dma_start3A_254, %dma_start3A_255] : memref<10000x128xi32, #tpu.memory_space<hbm>> -> memref<10000x128xi32, #tpu.memory_space<hbm>>
        tpu.enqueue_indirect_dma source(%dma_start3A_256 : memref<10000x128xi32, #tpu.memory_space<hbm>>) target(%arg10 : memref<64x128xi32, #tpu.memory_space<vmem>>) offsets(%dma_start3A_253 : memref<64xi32, #tpu.memory_space<vmem>>) semaphore(%arg18 : memref<!tpu.dma_semaphore, #tpu.memory_space<semaphore_mem>>)
        %mul3A_257 = arith.constant 64 : i32
        %mul3A_258 = arith.muli %add3A_250, %mul3A_257 : i32
        %dma_start3A_259 = tpu.memref_slice %arg9[%mul3A_258] : memref<5120xi32, #tpu.memory_space<vmem>> -> memref<64xi32, #tpu.memory_space<vmem>>
        %dma_start3A_260 = arith.constant 0 : i32
        %dma_start3A_261 = arith.constant 0 : i32
        %dma_start3A_262 = tpu.memref_slice %arg3[%dma_start3A_260, %dma_start3A_261] : memref<10000x128xi32, #tpu.memory_space<hbm>> -> memref<10000x128xi32, #tpu.memory_space<hbm>>
        tpu.enqueue_indirect_dma source(%dma_start3A_262 : memref<10000x128xi32, #tpu.memory_space<hbm>>) target(%arg14 : memref<64x128xi32, #tpu.memory_space<vmem>>) offsets(%dma_start3A_259 : memref<64xi32, #tpu.memory_space<vmem>>) semaphore(%arg18 : memref<!tpu.dma_semaphore, #tpu.memory_space<semaphore_mem>>)
      } else {
      }
      %add3A_130 = arith.constant 1 : i32
      %add3A_131 = arith.addi %add3A_97, %add3A_130 : i32
      %mul3A_132 = arith.constant 64 : i32
      %mul3A_133 = arith.muli %add3A_131, %mul3A_132 : i32
      %dma_wait3A_134 = tpu.memref_slice %arg8[%mul3A_133] : memref<5120xi32, #tpu.memory_space<vmem>> -> memref<64xi32, #tpu.memory_space<vmem>>
      %dma_wait3A_135 = arith.constant 0 : i32
      %dma_wait3A_136 = arith.constant 0 : i32
      %dma_wait3A_137 = tpu.memref_slice %arg2[%dma_wait3A_135, %dma_wait3A_136] : memref<10000x128xi32, #tpu.memory_space<hbm>> -> memref<10000x128xi32, #tpu.memory_space<hbm>>
      tpu.wait_indirect_dma semaphore(%arg19 : memref<!tpu.dma_semaphore, #tpu.memory_space<semaphore_mem>>) src(%dma_wait3A_137 : memref<10000x128xi32, #tpu.memory_space<hbm>>) dst(%arg11 : memref<64x128xi32, #tpu.memory_space<vmem>>)
      %mul3A_138 = arith.constant 64 : i32
      %mul3A_139 = arith.muli %add3A_131, %mul3A_138 : i32
      %dma_wait3A_140 = tpu.memref_slice %arg9[%mul3A_139] : memref<5120xi32, #tpu.memory_space<vmem>> -> memref<64xi32, #tpu.memory_space<vmem>>
      %dma_wait3A_141 = arith.constant 0 : i32
      %dma_wait3A_142 = arith.constant 0 : i32
      %dma_wait3A_143 = tpu.memref_slice %arg3[%dma_wait3A_141, %dma_wait3A_142] : memref<10000x128xi32, #tpu.memory_space<hbm>> -> memref<10000x128xi32, #tpu.memory_space<hbm>>
      tpu.wait_indirect_dma semaphore(%arg19 : memref<!tpu.dma_semaphore, #tpu.memory_space<semaphore_mem>>) src(%dma_wait3A_143 : memref<10000x128xi32, #tpu.memory_space<hbm>>) dst(%arg15 : memref<64x128xi32, #tpu.memory_space<vmem>>)
      %mul3A_144 = arith.constant 64 : i32
      %mul3A_145 = arith.muli %add3A_131, %mul3A_144 : i32
      %add3A_146 = arith.addi %mul3A_2, %mul3A_145 : i32
      %dma_start3A_147 = arith.constant 0 : i32
      %dma_start3A_148 = tpu.memref_slice %arg6[%add3A_146, %dma_start3A_147] : memref<163840x128xi32, #tpu.memory_space<hbm>> -> memref<64x128xi32, #tpu.memory_space<hbm>>
      %dma_start3A_149 = arith.constant 0 : i32
      %dma_start3A_150 = tpu.memref_slice %arg6[%add3A_146, %dma_start3A_149] : memref<163840x128xi32, #tpu.memory_space<hbm>> -> memref<64x128xi32, #tpu.memory_space<hbm>>
      tpu.enqueue_dma source(%arg11 : memref<64x128xi32, #tpu.memory_space<vmem>>) target(%dma_start3A_150 : memref<64x128xi32, #tpu.memory_space<hbm>>) target_semaphore(%arg23 : memref<!tpu.dma_semaphore, #tpu.memory_space<semaphore_mem>>)
      %mul3A_151 = arith.constant 64 : i32
      %mul3A_152 = arith.muli %add3A_131, %mul3A_151 : i32
      %add3A_153 = arith.addi %mul3A_2, %mul3A_152 : i32
      %dma_start3A_154 = arith.constant 0 : i32
      %dma_start3A_155 = tpu.memref_slice %arg7[%add3A_153, %dma_start3A_154] : memref<163840x128xi32, #tpu.memory_space<hbm>> -> memref<64x128xi32, #tpu.memory_space<hbm>>
      %dma_start3A_156 = arith.constant 0 : i32
      %dma_start3A_157 = tpu.memref_slice %arg7[%add3A_153, %dma_start3A_156] : memref<163840x128xi32, #tpu.memory_space<hbm>> -> memref<64x128xi32, #tpu.memory_space<hbm>>
      tpu.enqueue_dma source(%arg15 : memref<64x128xi32, #tpu.memory_space<vmem>>) target(%dma_start3A_157 : memref<64x128xi32, #tpu.memory_space<hbm>>) target_semaphore(%arg23 : memref<!tpu.dma_semaphore, #tpu.memory_space<semaphore_mem>>)
      %add3A_158 = arith.constant 4 : i32
      %add3A_159 = arith.addi %add3A_131, %add3A_158 : i32
      %lt3A_160 = arith.constant 80 : i32
      %lt3A_161 = arith.cmpi slt, %add3A_159, %lt3A_160 : i32
      %convert_element_type3A_162 = arith.extui %lt3A_161 : i1 to i32
      %cond3A_163 = arith.constant 0 : i32
      %cond3A_164 = arith.cmpi ne, %convert_element_type3A_162, %cond3A_163 : i32
      scf.if %cond3A_164 {
        %mul3A_235 = arith.constant 64 : i32
        %mul3A_236 = arith.muli %add3A_131, %mul3A_235 : i32
        %add3A_237 = arith.addi %mul3A_2, %mul3A_236 : i32
        %dma_wait3A_238 = arith.constant 0 : i32
        %dma_wait3A_239 = tpu.memref_slice %arg6[%add3A_237, %dma_wait3A_238] : memref<163840x128xi32, #tpu.memory_space<hbm>> -> memref<64x128xi32, #tpu.memory_space<hbm>>
        %dma_wait3A_240 = arith.constant 0 : i32
        %dma_wait3A_241 = tpu.memref_slice %arg6[%add3A_237, %dma_wait3A_240] : memref<163840x128xi32, #tpu.memory_space<hbm>> -> memref<64x128xi32, #tpu.memory_space<hbm>>
        tpu.wait_dma2 semaphore(%arg23 : memref<!tpu.dma_semaphore, #tpu.memory_space<semaphore_mem>>) src(%arg11 : memref<64x128xi32, #tpu.memory_space<vmem>>) dst(%dma_wait3A_241 : memref<64x128xi32, #tpu.memory_space<hbm>>)
        %mul3A_242 = arith.constant 64 : i32
        %mul3A_243 = arith.muli %add3A_131, %mul3A_242 : i32
        %add3A_244 = arith.addi %mul3A_2, %mul3A_243 : i32
        %dma_wait3A_245 = arith.constant 0 : i32
        %dma_wait3A_246 = tpu.memref_slice %arg7[%add3A_244, %dma_wait3A_245] : memref<163840x128xi32, #tpu.memory_space<hbm>> -> memref<64x128xi32, #tpu.memory_space<hbm>>
        %dma_wait3A_247 = arith.constant 0 : i32
        %dma_wait3A_248 = tpu.memref_slice %arg7[%add3A_244, %dma_wait3A_247] : memref<163840x128xi32, #tpu.memory_space<hbm>> -> memref<64x128xi32, #tpu.memory_space<hbm>>
        tpu.wait_dma2 semaphore(%arg23 : memref<!tpu.dma_semaphore, #tpu.memory_space<semaphore_mem>>) src(%arg15 : memref<64x128xi32, #tpu.memory_space<vmem>>) dst(%dma_wait3A_248 : memref<64x128xi32, #tpu.memory_space<hbm>>)
        %add3A_249 = arith.constant 4 : i32
        %add3A_250 = arith.addi %add3A_131, %add3A_249 : i32
        %mul3A_251 = arith.constant 64 : i32
        %mul3A_252 = arith.muli %add3A_250, %mul3A_251 : i32
        %dma_start3A_253 = tpu.memref_slice %arg8[%mul3A_252] : memref<5120xi32, #tpu.memory_space<vmem>> -> memref<64xi32, #tpu.memory_space<vmem>>
        %dma_start3A_254 = arith.constant 0 : i32
        %dma_start3A_255 = arith.constant 0 : i32
        %dma_start3A_256 = tpu.memref_slice %arg2[%dma_start3A_254, %dma_start3A_255] : memref<10000x128xi32, #tpu.memory_space<hbm>> -> memref<10000x128xi32, #tpu.memory_space<hbm>>
        tpu.enqueue_indirect_dma source(%dma_start3A_256 : memref<10000x128xi32, #tpu.memory_space<hbm>>) target(%arg11 : memref<64x128xi32, #tpu.memory_space<vmem>>) offsets(%dma_start3A_253 : memref<64xi32, #tpu.memory_space<vmem>>) semaphore(%arg19 : memref<!tpu.dma_semaphore, #tpu.memory_space<semaphore_mem>>)
        %mul3A_257 = arith.constant 64 : i32
        %mul3A_258 = arith.muli %add3A_250, %mul3A_257 : i32
        %dma_start3A_259 = tpu.memref_slice %arg9[%mul3A_258] : memref<5120xi32, #tpu.memory_space<vmem>> -> memref<64xi32, #tpu.memory_space<vmem>>
        %dma_start3A_260 = arith.constant 0 : i32
        %dma_start3A_261 = arith.constant 0 : i32
        %dma_start3A_262 = tpu.memref_slice %arg3[%dma_start3A_260, %dma_start3A_261] : memref<10000x128xi32, #tpu.memory_space<hbm>> -> memref<10000x128xi32, #tpu.memory_space<hbm>>
        tpu.enqueue_indirect_dma source(%dma_start3A_262 : memref<10000x128xi32, #tpu.memory_space<hbm>>) target(%arg15 : memref<64x128xi32, #tpu.memory_space<vmem>>) offsets(%dma_start3A_259 : memref<64xi32, #tpu.memory_space<vmem>>) semaphore(%arg19 : memref<!tpu.dma_semaphore, #tpu.memory_space<semaphore_mem>>)
      } else {
      }
      %add3A_165 = arith.constant 2 : i32
      %add3A_166 = arith.addi %add3A_97, %add3A_165 : i32
      %mul3A_167 = arith.constant 64 : i32
      %mul3A_168 = arith.muli %add3A_166, %mul3A_167 : i32
      %dma_wait3A_169 = tpu.memref_slice %arg8[%mul3A_168] : memref<5120xi32, #tpu.memory_space<vmem>> -> memref<64xi32, #tpu.memory_space<vmem>>
      %dma_wait3A_170 = arith.constant 0 : i32
      %dma_wait3A_171 = arith.constant 0 : i32
      %dma_wait3A_172 = tpu.memref_slice %arg2[%dma_wait3A_170, %dma_wait3A_171] : memref<10000x128xi32, #tpu.memory_space<hbm>> -> memref<10000x128xi32, #tpu.memory_space<hbm>>
      tpu.wait_indirect_dma semaphore(%arg20 : memref<!tpu.dma_semaphore, #tpu.memory_space<semaphore_mem>>) src(%dma_wait3A_172 : memref<10000x128xi32, #tpu.memory_space<hbm>>) dst(%arg12 : memref<64x128xi32, #tpu.memory_space<vmem>>)
      %mul3A_173 = arith.constant 64 : i32
      %mul3A_174 = arith.muli %add3A_166, %mul3A_173 : i32
      %dma_wait3A_175 = tpu.memref_slice %arg9[%mul3A_174] : memref<5120xi32, #tpu.memory_space<vmem>> -> memref<64xi32, #tpu.memory_space<vmem>>
      %dma_wait3A_176 = arith.constant 0 : i32
      %dma_wait3A_177 = arith.constant 0 : i32
      %dma_wait3A_178 = tpu.memref_slice %arg3[%dma_wait3A_176, %dma_wait3A_177] : memref<10000x128xi32, #tpu.memory_space<hbm>> -> memref<10000x128xi32, #tpu.memory_space<hbm>>
      tpu.wait_indirect_dma semaphore(%arg20 : memref<!tpu.dma_semaphore, #tpu.memory_space<semaphore_mem>>) src(%dma_wait3A_178 : memref<10000x128xi32, #tpu.memory_space<hbm>>) dst(%arg16 : memref<64x128xi32, #tpu.memory_space<vmem>>)
      %mul3A_179 = arith.constant 64 : i32
      %mul3A_180 = arith.muli %add3A_166, %mul3A_179 : i32
      %add3A_181 = arith.addi %mul3A_2, %mul3A_180 : i32
      %dma_start3A_182 = arith.constant 0 : i32
      %dma_start3A_183 = tpu.memref_slice %arg6[%add3A_181, %dma_start3A_182] : memref<163840x128xi32, #tpu.memory_space<hbm>> -> memref<64x128xi32, #tpu.memory_space<hbm>>
      %dma_start3A_184 = arith.constant 0 : i32
      %dma_start3A_185 = tpu.memref_slice %arg6[%add3A_181, %dma_start3A_184] : memref<163840x128xi32, #tpu.memory_space<hbm>> -> memref<64x128xi32, #tpu.memory_space<hbm>>
      tpu.enqueue_dma source(%arg12 : memref<64x128xi32, #tpu.memory_space<vmem>>) target(%dma_start3A_185 : memref<64x128xi32, #tpu.memory_space<hbm>>) target_semaphore(%arg24 : memref<!tpu.dma_semaphore, #tpu.memory_space<semaphore_mem>>)
      %mul3A_186 = arith.constant 64 : i32
      %mul3A_187 = arith.muli %add3A_166, %mul3A_186 : i32
      %add3A_188 = arith.addi %mul3A_2, %mul3A_187 : i32
      %dma_start3A_189 = arith.constant 0 : i32
      %dma_start3A_190 = tpu.memref_slice %arg7[%add3A_188, %dma_start3A_189] : memref<163840x128xi32, #tpu.memory_space<hbm>> -> memref<64x128xi32, #tpu.memory_space<hbm>>
      %dma_start3A_191 = arith.constant 0 : i32
      %dma_start3A_192 = tpu.memref_slice %arg7[%add3A_188, %dma_start3A_191] : memref<163840x128xi32, #tpu.memory_space<hbm>> -> memref<64x128xi32, #tpu.memory_space<hbm>>
      tpu.enqueue_dma source(%arg16 : memref<64x128xi32, #tpu.memory_space<vmem>>) target(%dma_start3A_192 : memref<64x128xi32, #tpu.memory_space<hbm>>) target_semaphore(%arg24 : memref<!tpu.dma_semaphore, #tpu.memory_space<semaphore_mem>>)
      %add3A_193 = arith.constant 4 : i32
      %add3A_194 = arith.addi %add3A_166, %add3A_193 : i32
      %lt3A_195 = arith.constant 80 : i32
      %lt3A_196 = arith.cmpi slt, %add3A_194, %lt3A_195 : i32
      %convert_element_type3A_197 = arith.extui %lt3A_196 : i1 to i32
      %cond3A_198 = arith.constant 0 : i32
      %cond3A_199 = arith.cmpi ne, %convert_element_type3A_197, %cond3A_198 : i32
      scf.if %cond3A_199 {
        %mul3A_235 = arith.constant 64 : i32
        %mul3A_236 = arith.muli %add3A_166, %mul3A_235 : i32
        %add3A_237 = arith.addi %mul3A_2, %mul3A_236 : i32
        %dma_wait3A_238 = arith.constant 0 : i32
        %dma_wait3A_239 = tpu.memref_slice %arg6[%add3A_237, %dma_wait3A_238] : memref<163840x128xi32, #tpu.memory_space<hbm>> -> memref<64x128xi32, #tpu.memory_space<hbm>>
        %dma_wait3A_240 = arith.constant 0 : i32
        %dma_wait3A_241 = tpu.memref_slice %arg6[%add3A_237, %dma_wait3A_240] : memref<163840x128xi32, #tpu.memory_space<hbm>> -> memref<64x128xi32, #tpu.memory_space<hbm>>
        tpu.wait_dma2 semaphore(%arg24 : memref<!tpu.dma_semaphore, #tpu.memory_space<semaphore_mem>>) src(%arg12 : memref<64x128xi32, #tpu.memory_space<vmem>>) dst(%dma_wait3A_241 : memref<64x128xi32, #tpu.memory_space<hbm>>)
        %mul3A_242 = arith.constant 64 : i32
        %mul3A_243 = arith.muli %add3A_166, %mul3A_242 : i32
        %add3A_244 = arith.addi %mul3A_2, %mul3A_243 : i32
        %dma_wait3A_245 = arith.constant 0 : i32
        %dma_wait3A_246 = tpu.memref_slice %arg7[%add3A_244, %dma_wait3A_245] : memref<163840x128xi32, #tpu.memory_space<hbm>> -> memref<64x128xi32, #tpu.memory_space<hbm>>
        %dma_wait3A_247 = arith.constant 0 : i32
        %dma_wait3A_248 = tpu.memref_slice %arg7[%add3A_244, %dma_wait3A_247] : memref<163840x128xi32, #tpu.memory_space<hbm>> -> memref<64x128xi32, #tpu.memory_space<hbm>>
        tpu.wait_dma2 semaphore(%arg24 : memref<!tpu.dma_semaphore, #tpu.memory_space<semaphore_mem>>) src(%arg16 : memref<64x128xi32, #tpu.memory_space<vmem>>) dst(%dma_wait3A_248 : memref<64x128xi32, #tpu.memory_space<hbm>>)
        %add3A_249 = arith.constant 4 : i32
        %add3A_250 = arith.addi %add3A_166, %add3A_249 : i32
        %mul3A_251 = arith.constant 64 : i32
        %mul3A_252 = arith.muli %add3A_250, %mul3A_251 : i32
        %dma_start3A_253 = tpu.memref_slice %arg8[%mul3A_252] : memref<5120xi32, #tpu.memory_space<vmem>> -> memref<64xi32, #tpu.memory_space<vmem>>
        %dma_start3A_254 = arith.constant 0 : i32
        %dma_start3A_255 = arith.constant 0 : i32
        %dma_start3A_256 = tpu.memref_slice %arg2[%dma_start3A_254, %dma_start3A_255] : memref<10000x128xi32, #tpu.memory_space<hbm>> -> memref<10000x128xi32, #tpu.memory_space<hbm>>
        tpu.enqueue_indirect_dma source(%dma_start3A_256 : memref<10000x128xi32, #tpu.memory_space<hbm>>) target(%arg12 : memref<64x128xi32, #tpu.memory_space<vmem>>) offsets(%dma_start3A_253 : memref<64xi32, #tpu.memory_space<vmem>>) semaphore(%arg20 : memref<!tpu.dma_semaphore, #tpu.memory_space<semaphore_mem>>)
        %mul3A_257 = arith.constant 64 : i32
        %mul3A_258 = arith.muli %add3A_250, %mul3A_257 : i32
        %dma_start3A_259 = tpu.memref_slice %arg9[%mul3A_258] : memref<5120xi32, #tpu.memory_space<vmem>> -> memref<64xi32, #tpu.memory_space<vmem>>
        %dma_start3A_260 = arith.constant 0 : i32
        %dma_start3A_261 = arith.constant 0 : i32
        %dma_start3A_262 = tpu.memref_slice %arg3[%dma_start3A_260, %dma_start3A_261] : memref<10000x128xi32, #tpu.memory_space<hbm>> -> memref<10000x128xi32, #tpu.memory_space<hbm>>
        tpu.enqueue_indirect_dma source(%dma_start3A_262 : memref<10000x128xi32, #tpu.memory_space<hbm>>) target(%arg16 : memref<64x128xi32, #tpu.memory_space<vmem>>) offsets(%dma_start3A_259 : memref<64xi32, #tpu.memory_space<vmem>>) semaphore(%arg20 : memref<!tpu.dma_semaphore, #tpu.memory_space<semaphore_mem>>)
      } else {
      }
      %add3A_200 = arith.constant 3 : i32
      %add3A_201 = arith.addi %add3A_97, %add3A_200 : i32
      %mul3A_202 = arith.constant 64 : i32
      %mul3A_203 = arith.muli %add3A_201, %mul3A_202 : i32
      %dma_wait3A_204 = tpu.memref_slice %arg8[%mul3A_203] : memref<5120xi32, #tpu.memory_space<vmem>> -> memref<64xi32, #tpu.memory_space<vmem>>
      %dma_wait3A_205 = arith.constant 0 : i32
      %dma_wait3A_206 = arith.constant 0 : i32
      %dma_wait3A_207 = tpu.memref_slice %arg2[%dma_wait3A_205, %dma_wait3A_206] : memref<10000x128xi32, #tpu.memory_space<hbm>> -> memref<10000x128xi32, #tpu.memory_space<hbm>>
      tpu.wait_indirect_dma semaphore(%arg21 : memref<!tpu.dma_semaphore, #tpu.memory_space<semaphore_mem>>) src(%dma_wait3A_207 : memref<10000x128xi32, #tpu.memory_space<hbm>>) dst(%arg13 : memref<64x128xi32, #tpu.memory_space<vmem>>)
      %mul3A_208 = arith.constant 64 : i32
      %mul3A_209 = arith.muli %add3A_201, %mul3A_208 : i32
      %dma_wait3A_210 = tpu.memref_slice %arg9[%mul3A_209] : memref<5120xi32, #tpu.memory_space<vmem>> -> memref<64xi32, #tpu.memory_space<vmem>>
      %dma_wait3A_211 = arith.constant 0 : i32
      %dma_wait3A_212 = arith.constant 0 : i32
      %dma_wait3A_213 = tpu.memref_slice %arg3[%dma_wait3A_211, %dma_wait3A_212] : memref<10000x128xi32, #tpu.memory_space<hbm>> -> memref<10000x128xi32, #tpu.memory_space<hbm>>
      tpu.wait_indirect_dma semaphore(%arg21 : memref<!tpu.dma_semaphore, #tpu.memory_space<semaphore_mem>>) src(%dma_wait3A_213 : memref<10000x128xi32, #tpu.memory_space<hbm>>) dst(%arg17 : memref<64x128xi32, #tpu.memory_space<vmem>>)
      %mul3A_214 = arith.constant 64 : i32
      %mul3A_215 = arith.muli %add3A_201, %mul3A_214 : i32
      %add3A_216 = arith.addi %mul3A_2, %mul3A_215 : i32
      %dma_start3A_217 = arith.constant 0 : i32
      %dma_start3A_218 = tpu.memref_slice %arg6[%add3A_216, %dma_start3A_217] : memref<163840x128xi32, #tpu.memory_space<hbm>> -> memref<64x128xi32, #tpu.memory_space<hbm>>
      %dma_start3A_219 = arith.constant 0 : i32
      %dma_start3A_220 = tpu.memref_slice %arg6[%add3A_216, %dma_start3A_219] : memref<163840x128xi32, #tpu.memory_space<hbm>> -> memref<64x128xi32, #tpu.memory_space<hbm>>
      tpu.enqueue_dma source(%arg13 : memref<64x128xi32, #tpu.memory_space<vmem>>) target(%dma_start3A_220 : memref<64x128xi32, #tpu.memory_space<hbm>>) target_semaphore(%arg25 : memref<!tpu.dma_semaphore, #tpu.memory_space<semaphore_mem>>)
      %mul3A_221 = arith.constant 64 : i32
      %mul3A_222 = arith.muli %add3A_201, %mul3A_221 : i32
      %add3A_223 = arith.addi %mul3A_2, %mul3A_222 : i32
      %dma_start3A_224 = arith.constant 0 : i32
      %dma_start3A_225 = tpu.memref_slice %arg7[%add3A_223, %dma_start3A_224] : memref<163840x128xi32, #tpu.memory_space<hbm>> -> memref<64x128xi32, #tpu.memory_space<hbm>>
      %dma_start3A_226 = arith.constant 0 : i32
      %dma_start3A_227 = tpu.memref_slice %arg7[%add3A_223, %dma_start3A_226] : memref<163840x128xi32, #tpu.memory_space<hbm>> -> memref<64x128xi32, #tpu.memory_space<hbm>>
      tpu.enqueue_dma source(%arg17 : memref<64x128xi32, #tpu.memory_space<vmem>>) target(%dma_start3A_227 : memref<64x128xi32, #tpu.memory_space<hbm>>) target_semaphore(%arg25 : memref<!tpu.dma_semaphore, #tpu.memory_space<semaphore_mem>>)
      %add3A_228 = arith.constant 4 : i32
      %add3A_229 = arith.addi %add3A_201, %add3A_228 : i32
      %lt3A_230 = arith.constant 80 : i32
      %lt3A_231 = arith.cmpi slt, %add3A_229, %lt3A_230 : i32
      %convert_element_type3A_232 = arith.extui %lt3A_231 : i1 to i32
      %cond3A_233 = arith.constant 0 : i32
      %cond3A_234 = arith.cmpi ne, %convert_element_type3A_232, %cond3A_233 : i32
      scf.if %cond3A_234 {
        %mul3A_235 = arith.constant 64 : i32
        %mul3A_236 = arith.muli %add3A_201, %mul3A_235 : i32
        %add3A_237 = arith.addi %mul3A_2, %mul3A_236 : i32
        %dma_wait3A_238 = arith.constant 0 : i32
        %dma_wait3A_239 = tpu.memref_slice %arg6[%add3A_237, %dma_wait3A_238] : memref<163840x128xi32, #tpu.memory_space<hbm>> -> memref<64x128xi32, #tpu.memory_space<hbm>>
        %dma_wait3A_240 = arith.constant 0 : i32
        %dma_wait3A_241 = tpu.memref_slice %arg6[%add3A_237, %dma_wait3A_240] : memref<163840x128xi32, #tpu.memory_space<hbm>> -> memref<64x128xi32, #tpu.memory_space<hbm>>
        tpu.wait_dma2 semaphore(%arg25 : memref<!tpu.dma_semaphore, #tpu.memory_space<semaphore_mem>>) src(%arg13 : memref<64x128xi32, #tpu.memory_space<vmem>>) dst(%dma_wait3A_241 : memref<64x128xi32, #tpu.memory_space<hbm>>)
        %mul3A_242 = arith.constant 64 : i32
        %mul3A_243 = arith.muli %add3A_201, %mul3A_242 : i32
        %add3A_244 = arith.addi %mul3A_2, %mul3A_243 : i32
        %dma_wait3A_245 = arith.constant 0 : i32
        %dma_wait3A_246 = tpu.memref_slice %arg7[%add3A_244, %dma_wait3A_245] : memref<163840x128xi32, #tpu.memory_space<hbm>> -> memref<64x128xi32, #tpu.memory_space<hbm>>
        %dma_wait3A_247 = arith.constant 0 : i32
        %dma_wait3A_248 = tpu.memref_slice %arg7[%add3A_244, %dma_wait3A_247] : memref<163840x128xi32, #tpu.memory_space<hbm>> -> memref<64x128xi32, #tpu.memory_space<hbm>>
        tpu.wait_dma2 semaphore(%arg25 : memref<!tpu.dma_semaphore, #tpu.memory_space<semaphore_mem>>) src(%arg17 : memref<64x128xi32, #tpu.memory_space<vmem>>) dst(%dma_wait3A_248 : memref<64x128xi32, #tpu.memory_space<hbm>>)
        %add3A_249 = arith.constant 4 : i32
        %add3A_250 = arith.addi %add3A_201, %add3A_249 : i32
        %mul3A_251 = arith.constant 64 : i32
        %mul3A_252 = arith.muli %add3A_250, %mul3A_251 : i32
        %dma_start3A_253 = tpu.memref_slice %arg8[%mul3A_252] : memref<5120xi32, #tpu.memory_space<vmem>> -> memref<64xi32, #tpu.memory_space<vmem>>
        %dma_start3A_254 = arith.constant 0 : i32
        %dma_start3A_255 = arith.constant 0 : i32
        %dma_start3A_256 = tpu.memref_slice %arg2[%dma_start3A_254, %dma_start3A_255] : memref<10000x128xi32, #tpu.memory_space<hbm>> -> memref<10000x128xi32, #tpu.memory_space<hbm>>
        tpu.enqueue_indirect_dma source(%dma_start3A_256 : memref<10000x128xi32, #tpu.memory_space<hbm>>) target(%arg13 : memref<64x128xi32, #tpu.memory_space<vmem>>) offsets(%dma_start3A_253 : memref<64xi32, #tpu.memory_space<vmem>>) semaphore(%arg21 : memref<!tpu.dma_semaphore, #tpu.memory_space<semaphore_mem>>)
        %mul3A_257 = arith.constant 64 : i32
        %mul3A_258 = arith.muli %add3A_250, %mul3A_257 : i32
        %dma_start3A_259 = tpu.memref_slice %arg9[%mul3A_258] : memref<5120xi32, #tpu.memory_space<vmem>> -> memref<64xi32, #tpu.memory_space<vmem>>
        %dma_start3A_260 = arith.constant 0 : i32
        %dma_start3A_261 = arith.constant 0 : i32
        %dma_start3A_262 = tpu.memref_slice %arg3[%dma_start3A_260, %dma_start3A_261] : memref<10000x128xi32, #tpu.memory_space<hbm>> -> memref<10000x128xi32, #tpu.memory_space<hbm>>
        tpu.enqueue_indirect_dma source(%dma_start3A_262 : memref<10000x128xi32, #tpu.memory_space<hbm>>) target(%arg17 : memref<64x128xi32, #tpu.memory_space<vmem>>) offsets(%dma_start3A_259 : memref<64xi32, #tpu.memory_space<vmem>>) semaphore(%arg21 : memref<!tpu.dma_semaphore, #tpu.memory_space<semaphore_mem>>)
      } else {
      }
    }
    %scan3A_45 = arith.constant 20 : i32
    %add3A_46 = arith.constant 4864 : i32
    %add3A_47 = arith.addi %mul3A_2, %add3A_46 : i32
    %dma_wait3A = arith.constant 0 : i32
    %dma_wait3A_48 = tpu.memref_slice %arg6[%add3A_47, %dma_wait3A] : memref<163840x128xi32, #tpu.memory_space<hbm>> -> memref<64x128xi32, #tpu.memory_space<hbm>>
    %dma_wait3A_49 = arith.constant 0 : i32
    %dma_wait3A_50 = tpu.memref_slice %arg6[%add3A_47, %dma_wait3A_49] : memref<163840x128xi32, #tpu.memory_space<hbm>> -> memref<64x128xi32, #tpu.memory_space<hbm>>
    tpu.wait_dma2 semaphore(%arg22 : memref<!tpu.dma_semaphore, #tpu.memory_space<semaphore_mem>>) src(%arg10 : memref<64x128xi32, #tpu.memory_space<vmem>>) dst(%dma_wait3A_50 : memref<64x128xi32, #tpu.memory_space<hbm>>)
    %add3A_51 = arith.constant 4864 : i32
    %add3A_52 = arith.addi %mul3A_2, %add3A_51 : i32
    %dma_wait3A_53 = arith.constant 0 : i32
    %dma_wait3A_54 = tpu.memref_slice %arg7[%add3A_52, %dma_wait3A_53] : memref<163840x128xi32, #tpu.memory_space<hbm>> -> memref<64x128xi32, #tpu.memory_space<hbm>>
    %dma_wait3A_55 = arith.constant 0 : i32
    %dma_wait3A_56 = tpu.memref_slice %arg7[%add3A_52, %dma_wait3A_55] : memref<163840x128xi32, #tpu.memory_space<hbm>> -> memref<64x128xi32, #tpu.memory_space<hbm>>
    tpu.wait_dma2 semaphore(%arg22 : memref<!tpu.dma_semaphore, #tpu.memory_space<semaphore_mem>>) src(%arg14 : memref<64x128xi32, #tpu.memory_space<vmem>>) dst(%dma_wait3A_56 : memref<64x128xi32, #tpu.memory_space<hbm>>)
    %add3A_57 = arith.constant 4928 : i32
    %add3A_58 = arith.addi %mul3A_2, %add3A_57 : i32
    %dma_wait3A_59 = arith.constant 0 : i32
    %dma_wait3A_60 = tpu.memref_slice %arg6[%add3A_58, %dma_wait3A_59] : memref<163840x128xi32, #tpu.memory_space<hbm>> -> memref<64x128xi32, #tpu.memory_space<hbm>>
    %dma_wait3A_61 = arith.constant 0 : i32
    %dma_wait3A_62 = tpu.memref_slice %arg6[%add3A_58, %dma_wait3A_61] : memref<163840x128xi32, #tpu.memory_space<hbm>> -> memref<64x128xi32, #tpu.memory_space<hbm>>
    tpu.wait_dma2 semaphore(%arg23 : memref<!tpu.dma_semaphore, #tpu.memory_space<semaphore_mem>>) src(%arg11 : memref<64x128xi32, #tpu.memory_space<vmem>>) dst(%dma_wait3A_62 : memref<64x128xi32, #tpu.memory_space<hbm>>)
    %add3A_63 = arith.constant 4928 : i32
    %add3A_64 = arith.addi %mul3A_2, %add3A_63 : i32
    %dma_wait3A_65 = arith.constant 0 : i32
    %dma_wait3A_66 = tpu.memref_slice %arg7[%add3A_64, %dma_wait3A_65] : memref<163840x128xi32, #tpu.memory_space<hbm>> -> memref<64x128xi32, #tpu.memory_space<hbm>>
    %dma_wait3A_67 = arith.constant 0 : i32
    %dma_wait3A_68 = tpu.memref_slice %arg7[%add3A_64, %dma_wait3A_67] : memref<163840x128xi32, #tpu.memory_space<hbm>> -> memref<64x128xi32, #tpu.memory_space<hbm>>
    tpu.wait_dma2 semaphore(%arg23 : memref<!tpu.dma_semaphore, #tpu.memory_space<semaphore_mem>>) src(%arg15 : memref<64x128xi32, #tpu.memory_space<vmem>>) dst(%dma_wait3A_68 : memref<64x128xi32, #tpu.memory_space<hbm>>)
    %add3A_69 = arith.constant 4992 : i32
    %add3A_70 = arith.addi %mul3A_2, %add3A_69 : i32
    %dma_wait3A_71 = arith.constant 0 : i32
    %dma_wait3A_72 = tpu.memref_slice %arg6[%add3A_70, %dma_wait3A_71] : memref<163840x128xi32, #tpu.memory_space<hbm>> -> memref<64x128xi32, #tpu.memory_space<hbm>>
    %dma_wait3A_73 = arith.constant 0 : i32
    %dma_wait3A_74 = tpu.memref_slice %arg6[%add3A_70, %dma_wait3A_73] : memref<163840x128xi32, #tpu.memory_space<hbm>> -> memref<64x128xi32, #tpu.memory_space<hbm>>
    tpu.wait_dma2 semaphore(%arg24 : memref<!tpu.dma_semaphore, #tpu.memory_space<semaphore_mem>>) src(%arg12 : memref<64x128xi32, #tpu.memory_space<vmem>>) dst(%dma_wait3A_74 : memref<64x128xi32, #tpu.memory_space<hbm>>)
    %add3A_75 = arith.constant 4992 : i32
    %add3A_76 = arith.addi %mul3A_2, %add3A_75 : i32
    %dma_wait3A_77 = arith.constant 0 : i32
    %dma_wait3A_78 = tpu.memref_slice %arg7[%add3A_76, %dma_wait3A_77] : memref<163840x128xi32, #tpu.memory_space<hbm>> -> memref<64x128xi32, #tpu.memory_space<hbm>>
    %dma_wait3A_79 = arith.constant 0 : i32
    %dma_wait3A_80 = tpu.memref_slice %arg7[%add3A_76, %dma_wait3A_79] : memref<163840x128xi32, #tpu.memory_space<hbm>> -> memref<64x128xi32, #tpu.memory_space<hbm>>
    tpu.wait_dma2 semaphore(%arg24 : memref<!tpu.dma_semaphore, #tpu.memory_space<semaphore_mem>>) src(%arg16 : memref<64x128xi32, #tpu.memory_space<vmem>>) dst(%dma_wait3A_80 : memref<64x128xi32, #tpu.memory_space<hbm>>)
    %add3A_81 = arith.constant 5056 : i32
    %add3A_82 = arith.addi %mul3A_2, %add3A_81 : i32
    %dma_wait3A_83 = arith.constant 0 : i32
    %dma_wait3A_84 = tpu.memref_slice %arg6[%add3A_82, %dma_wait3A_83] : memref<163840x128xi32, #tpu.memory_space<hbm>> -> memref<64x128xi32, #tpu.memory_space<hbm>>
    %dma_wait3A_85 = arith.constant 0 : i32
    %dma_wait3A_86 = tpu.memref_slice %arg6[%add3A_82, %dma_wait3A_85] : memref<163840x128xi32, #tpu.memory_space<hbm>> -> memref<64x128xi32, #tpu.memory_space<hbm>>
    tpu.wait_dma2 semaphore(%arg25 : memref<!tpu.dma_semaphore, #tpu.memory_space<semaphore_mem>>) src(%arg13 : memref<64x128xi32, #tpu.memory_space<vmem>>) dst(%dma_wait3A_86 : memref<64x128xi32, #tpu.memory_space<hbm>>)
    %add3A_87 = arith.constant 5056 : i32
    %add3A_88 = arith.addi %mul3A_2, %add3A_87 : i32
    %dma_wait3A_89 = arith.constant 0 : i32
    %dma_wait3A_90 = tpu.memref_slice %arg7[%add3A_88, %dma_wait3A_89] : memref<163840x128xi32, #tpu.memory_space<hbm>> -> memref<64x128xi32, #tpu.memory_space<hbm>>
    %dma_wait3A_91 = arith.constant 0 : i32
    %dma_wait3A_92 = tpu.memref_slice %arg7[%add3A_88, %dma_wait3A_91] : memref<163840x128xi32, #tpu.memory_space<hbm>> -> memref<64x128xi32, #tpu.memory_space<hbm>>
    tpu.wait_dma2 semaphore(%arg25 : memref<!tpu.dma_semaphore, #tpu.memory_space<semaphore_mem>>) src(%arg17 : memref<64x128xi32, #tpu.memory_space<vmem>>) dst(%dma_wait3A_92 : memref<64x128xi32, #tpu.memory_space<hbm>>)
    return
  }
}

#map = affine_map<(d0, d1) -> (0, 0)>
#map1 = affine_map<(d0, d1) -> (0, 0, 0)>
module attributes {stable_mosaic.version = 14 : i64} {
  func.func @k(%arg0: i32, %arg1: i32, %arg2: memref<163840x128xf32, #tpu.memory_space<hbm>>, %arg3: memref<163840x128xf32, #tpu.memory_space<hbm>>, %arg4: memref<2568x128xi32, #tpu.memory_space<hbm>>, %arg5: memref<10240x128xf32, #tpu.memory_space<hbm>>, %arg6: memref<2x10240x128xf32, #tpu.memory_space<hbm>>, %arg7: memref<96x128xi32, #tpu.memory_space<vmem>>, %arg8: memref<128x128xf32, #tpu.memory_space<vmem>>, %arg9: memref<128x128xf32, #tpu.memory_space<vmem>>, %arg10: memref<10240x128xf32, #tpu.memory_space<vmem_shared>>, %arg11: memref<!tpu.dma_semaphore, #tpu.memory_space<semaphore_mem>>, %arg12: memref<!tpu.dma_semaphore, #tpu.memory_space<semaphore_mem>>) attributes {dimension_semantics = [#tpu.dimension_semantics<core_parallel>, #tpu.dimension_semantics<subcore_parallel>], iteration_bounds = array<i64: 2, 16>, scalar_prefetch = 0 : i64, scratch_operands = 6 : i64, tpu.core_type = #tpu.core_type<sc_vector_subcore>, window_params = [{transform_indices = #map}, {transform_indices = #map}, {transform_indices = #map}, {transform_indices = #map}, {transform_indices = #map1}]} {
    %mul3A = arith.constant 2 : i32
    %mul3A_0 = arith.muli %arg1, %mul3A : i32
    %add3A = arith.addi %mul3A_0, %arg0 : i32
    %mul3A_1 = arith.constant 40 : i32
    %mul3A_2 = arith.muli %add3A, %mul3A_1 : i32
    %add3A_3 = arith.constant 0 : i32
    %add3A_4 = arith.addi %add3A_3, %mul3A_2 : i32
    %jit3A = arith.constant 8 : i32
    %div3A = arith.divsi %add3A_4, %jit3A : i32
    %sign3A = arith.constant 0 : i32
    %sign3A_5 = arith.cmpi sgt, %add3A_4, %sign3A : i32
    %sign3A_6 = arith.extui %sign3A_5 : i1 to i32
    %sign3A_7 = arith.constant 0 : i32
    %sign3A_8 = arith.cmpi slt, %add3A_4, %sign3A_7 : i32
    %sign3A_9 = arith.extui %sign3A_8 : i1 to i32
    %sign3A_10 = arith.subi %sign3A_6, %sign3A_9 : i32
    %sign3A_11 = arith.constant 0 : i32
    %sign3A_12 = arith.cmpi sgt, %jit3A, %sign3A_11 : i32
    %sign3A_13 = arith.extui %sign3A_12 : i1 to i32
    %sign3A_14 = arith.constant 0 : i32
    %sign3A_15 = arith.cmpi slt, %jit3A, %sign3A_14 : i32
    %sign3A_16 = arith.extui %sign3A_15 : i1 to i32
    %sign3A_17 = arith.subi %sign3A_13, %sign3A_16 : i32
    %ne3A = arith.cmpi ne, %sign3A_10, %sign3A_17 : i32
    %rem3A = arith.remsi %add3A_4, %jit3A : i32
    %ne3A_18 = arith.constant 0 : i32
    %ne3A_19 = arith.cmpi ne, %rem3A, %ne3A_18 : i32
    %and3A = arith.andi %ne3A, %ne3A_19 : i1
    %sub3A = arith.constant 1 : i32
    %sub3A_20 = arith.subi %div3A, %sub3A : i32
    %select_n3A = arith.select %and3A, %sub3A_20, %div3A : i32
    %mul3A_21 = arith.constant 8 : i32
    %mul3A_22 = arith.muli %select_n3A, %mul3A_21 : i32
    %sub3A_23 = arith.subi %add3A_4, %mul3A_22 : i32
    "tpu.region"() ({
      %run_scoped3A = tpu.sem_alloc : memref<!tpu.dma_semaphore, #tpu.memory_space<semaphore_mem>>
      %dma_start3A_100 = arith.constant 0 : i32
      %dma_start3A_101 = arith.constant 0 : i32
      %dma_start3A_102 = tpu.memref_slice %arg7[%dma_start3A_100, %dma_start3A_101] : memref<96x128xi32, #tpu.memory_space<vmem>> -> memref<48x128xi32, #tpu.memory_space<vmem>>
      %dma_start3A_103 = arith.constant 0 : i32
      %dma_start3A_104 = tpu.memref_slice %arg4[%mul3A_22, %dma_start3A_103] : memref<2568x128xi32, #tpu.memory_space<hbm>> -> memref<48x128xi32, #tpu.memory_space<hbm>>
      %dma_start3A_105 = arith.constant 0 : i32
      %dma_start3A_106 = arith.constant 0 : i32
      %dma_start3A_107 = tpu.memref_slice %arg7[%dma_start3A_105, %dma_start3A_106] : memref<96x128xi32, #tpu.memory_space<vmem>> -> memref<48x128xi32, #tpu.memory_space<vmem>>
      %dma_start3A_108 = arith.constant 0 : i32
      %dma_start3A_109 = tpu.memref_slice %arg4[%mul3A_22, %dma_start3A_108] : memref<2568x128xi32, #tpu.memory_space<hbm>> -> memref<48x128xi32, #tpu.memory_space<hbm>>
      tpu.enqueue_dma source(%dma_start3A_109 : memref<48x128xi32, #tpu.memory_space<hbm>>) target(%dma_start3A_107 : memref<48x128xi32, #tpu.memory_space<vmem>>) target_semaphore(%run_scoped3A : memref<!tpu.dma_semaphore, #tpu.memory_space<semaphore_mem>>)
      %dma_wait3A = arith.constant 0 : i32
      %dma_wait3A_110 = arith.constant 0 : i32
      %dma_wait3A_111 = tpu.memref_slice %arg7[%dma_wait3A, %dma_wait3A_110] : memref<96x128xi32, #tpu.memory_space<vmem>> -> memref<48x128xi32, #tpu.memory_space<vmem>>
      %dma_wait3A_112 = arith.constant 0 : i32
      %dma_wait3A_113 = tpu.memref_slice %arg4[%mul3A_22, %dma_wait3A_112] : memref<2568x128xi32, #tpu.memory_space<hbm>> -> memref<48x128xi32, #tpu.memory_space<hbm>>
      %dma_wait3A_114 = arith.constant 0 : i32
      %dma_wait3A_115 = arith.constant 0 : i32
      %dma_wait3A_116 = tpu.memref_slice %arg7[%dma_wait3A_114, %dma_wait3A_115] : memref<96x128xi32, #tpu.memory_space<vmem>> -> memref<48x128xi32, #tpu.memory_space<vmem>>
      %dma_wait3A_117 = arith.constant 0 : i32
      %dma_wait3A_118 = tpu.memref_slice %arg4[%mul3A_22, %dma_wait3A_117] : memref<2568x128xi32, #tpu.memory_space<hbm>> -> memref<48x128xi32, #tpu.memory_space<hbm>>
      tpu.wait_dma2 semaphore(%run_scoped3A : memref<!tpu.dma_semaphore, #tpu.memory_space<semaphore_mem>>) src(%dma_wait3A_118 : memref<48x128xi32, #tpu.memory_space<hbm>>) dst(%dma_wait3A_116 : memref<48x128xi32, #tpu.memory_space<vmem>>)
      tpu.yield
    }) : () -> ()
    %mul3A_24 = arith.constant 40 : i32
    %mul3A_25 = arith.muli %add3A, %mul3A_24 : i32
    %add3A_26 = arith.constant 1280 : i32
    %add3A_27 = arith.addi %add3A_26, %mul3A_25 : i32
    %jit3A_28 = arith.constant 8 : i32
    %div3A_29 = arith.divsi %add3A_27, %jit3A_28 : i32
    %sign3A_30 = arith.constant 0 : i32
    %sign3A_31 = arith.cmpi sgt, %add3A_27, %sign3A_30 : i32
    %sign3A_32 = arith.extui %sign3A_31 : i1 to i32
    %sign3A_33 = arith.constant 0 : i32
    %sign3A_34 = arith.cmpi slt, %add3A_27, %sign3A_33 : i32
    %sign3A_35 = arith.extui %sign3A_34 : i1 to i32
    %sign3A_36 = arith.subi %sign3A_32, %sign3A_35 : i32
    %sign3A_37 = arith.constant 0 : i32
    %sign3A_38 = arith.cmpi sgt, %jit3A_28, %sign3A_37 : i32
    %sign3A_39 = arith.extui %sign3A_38 : i1 to i32
    %sign3A_40 = arith.constant 0 : i32
    %sign3A_41 = arith.cmpi slt, %jit3A_28, %sign3A_40 : i32
    %sign3A_42 = arith.extui %sign3A_41 : i1 to i32
    %sign3A_43 = arith.subi %sign3A_39, %sign3A_42 : i32
    %ne3A_44 = arith.cmpi ne, %sign3A_36, %sign3A_43 : i32
    %rem3A_45 = arith.remsi %add3A_27, %jit3A_28 : i32
    %ne3A_46 = arith.constant 0 : i32
    %ne3A_47 = arith.cmpi ne, %rem3A_45, %ne3A_46 : i32
    %and3A_48 = arith.andi %ne3A_44, %ne3A_47 : i1
    %sub3A_49 = arith.constant 1 : i32
    %sub3A_50 = arith.subi %div3A_29, %sub3A_49 : i32
    %select_n3A_51 = arith.select %and3A_48, %sub3A_50, %div3A_29 : i32
    %mul3A_52 = arith.constant 8 : i32
    %mul3A_53 = arith.muli %select_n3A_51, %mul3A_52 : i32
    %sub3A_54 = arith.subi %add3A_27, %mul3A_53 : i32
    "tpu.region"() ({
      %run_scoped3A = tpu.sem_alloc : memref<!tpu.dma_semaphore, #tpu.memory_space<semaphore_mem>>
      %dma_start3A_100 = arith.constant 48 : i32
      %dma_start3A_101 = arith.constant 0 : i32
      %dma_start3A_102 = tpu.memref_slice %arg7[%dma_start3A_100, %dma_start3A_101] : memref<96x128xi32, #tpu.memory_space<vmem>> -> memref<48x128xi32, #tpu.memory_space<vmem>>
      %dma_start3A_103 = arith.constant 0 : i32
      %dma_start3A_104 = tpu.memref_slice %arg4[%mul3A_53, %dma_start3A_103] : memref<2568x128xi32, #tpu.memory_space<hbm>> -> memref<48x128xi32, #tpu.memory_space<hbm>>
      %dma_start3A_105 = arith.constant 48 : i32
      %dma_start3A_106 = arith.constant 0 : i32
      %dma_start3A_107 = tpu.memref_slice %arg7[%dma_start3A_105, %dma_start3A_106] : memref<96x128xi32, #tpu.memory_space<vmem>> -> memref<48x128xi32, #tpu.memory_space<vmem>>
      %dma_start3A_108 = arith.constant 0 : i32
      %dma_start3A_109 = tpu.memref_slice %arg4[%mul3A_53, %dma_start3A_108] : memref<2568x128xi32, #tpu.memory_space<hbm>> -> memref<48x128xi32, #tpu.memory_space<hbm>>
      tpu.enqueue_dma source(%dma_start3A_109 : memref<48x128xi32, #tpu.memory_space<hbm>>) target(%dma_start3A_107 : memref<48x128xi32, #tpu.memory_space<vmem>>) target_semaphore(%run_scoped3A : memref<!tpu.dma_semaphore, #tpu.memory_space<semaphore_mem>>)
      %dma_wait3A = arith.constant 48 : i32
      %dma_wait3A_110 = arith.constant 0 : i32
      %dma_wait3A_111 = tpu.memref_slice %arg7[%dma_wait3A, %dma_wait3A_110] : memref<96x128xi32, #tpu.memory_space<vmem>> -> memref<48x128xi32, #tpu.memory_space<vmem>>
      %dma_wait3A_112 = arith.constant 0 : i32
      %dma_wait3A_113 = tpu.memref_slice %arg4[%mul3A_53, %dma_wait3A_112] : memref<2568x128xi32, #tpu.memory_space<hbm>> -> memref<48x128xi32, #tpu.memory_space<hbm>>
      %dma_wait3A_114 = arith.constant 48 : i32
      %dma_wait3A_115 = arith.constant 0 : i32
      %dma_wait3A_116 = tpu.memref_slice %arg7[%dma_wait3A_114, %dma_wait3A_115] : memref<96x128xi32, #tpu.memory_space<vmem>> -> memref<48x128xi32, #tpu.memory_space<vmem>>
      %dma_wait3A_117 = arith.constant 0 : i32
      %dma_wait3A_118 = tpu.memref_slice %arg4[%mul3A_53, %dma_wait3A_117] : memref<2568x128xi32, #tpu.memory_space<hbm>> -> memref<48x128xi32, #tpu.memory_space<hbm>>
      tpu.wait_dma2 semaphore(%run_scoped3A : memref<!tpu.dma_semaphore, #tpu.memory_space<semaphore_mem>>) src(%dma_wait3A_118 : memref<48x128xi32, #tpu.memory_space<hbm>>) dst(%dma_wait3A_116 : memref<48x128xi32, #tpu.memory_space<vmem>>)
      tpu.yield
    }) : () -> ()
    %mul3A_55 = arith.constant 640 : i32
    %mul3A_56 = arith.muli %arg1, %mul3A_55 : i32
    %mul3A_57 = arith.constant 640 : i32
    %mul3A_58 = arith.muli %arg1, %mul3A_57 : i32
    "tpu.region"() ({
      %run_scoped3A = tpu.sem_alloc : memref<!tpu.dma_semaphore, #tpu.memory_space<semaphore_mem>>
      %dma_start3A_100 = arith.constant 0 : i32
      %dma_start3A_101 = tpu.memref_slice %arg10[%mul3A_58, %dma_start3A_100] : memref<10240x128xf32, #tpu.memory_space<vmem_shared>> -> memref<640x128xf32, #tpu.memory_space<vmem_shared>>
      %dma_start3A_102 = arith.constant 0 : i32
      %dma_start3A_103 = tpu.memref_slice %arg5[%mul3A_56, %dma_start3A_102] : memref<10240x128xf32, #tpu.memory_space<hbm>> -> memref<640x128xf32, #tpu.memory_space<hbm>>
      tpu.enqueue_dma source(%dma_start3A_103 : memref<640x128xf32, #tpu.memory_space<hbm>>) target(%dma_start3A_101 : memref<640x128xf32, #tpu.memory_space<vmem_shared>>) target_semaphore(%run_scoped3A : memref<!tpu.dma_semaphore, #tpu.memory_space<semaphore_mem>>)
      %dma_wait3A = arith.constant 0 : i32
      %dma_wait3A_104 = tpu.memref_slice %arg10[%mul3A_58, %dma_wait3A] : memref<10240x128xf32, #tpu.memory_space<vmem_shared>> -> memref<640x128xf32, #tpu.memory_space<vmem_shared>>
      %dma_wait3A_105 = arith.constant 0 : i32
      %dma_wait3A_106 = tpu.memref_slice %arg5[%mul3A_56, %dma_wait3A_105] : memref<10240x128xf32, #tpu.memory_space<hbm>> -> memref<640x128xf32, #tpu.memory_space<hbm>>
      tpu.wait_dma2 semaphore(%run_scoped3A : memref<!tpu.dma_semaphore, #tpu.memory_space<semaphore_mem>>) src(%dma_wait3A_106 : memref<640x128xf32, #tpu.memory_space<hbm>>) dst(%dma_wait3A_104 : memref<640x128xf32, #tpu.memory_space<vmem_shared>>)
      tpu.yield
    }) : () -> ()
    %barrier3A = arith.constant 0 : index
    tpu.barrier barrier_id(%barrier3A)
    %mul3A_59 = arith.constant 5120 : i32
    %mul3A_60 = arith.muli %add3A, %mul3A_59 : i32
    %add3A_61 = arith.constant 0 : i32
    %add3A_62 = arith.addi %mul3A_60, %add3A_61 : i32
    %dma_start3A = arith.constant 0 : i32
    %dma_start3A_63 = tpu.memref_slice %arg2[%add3A_62, %dma_start3A] : memref<163840x128xf32, #tpu.memory_space<hbm>> -> memref<128x128xf32, #tpu.memory_space<hbm>>
    %dma_start3A_64 = arith.constant 0 : i32
    %dma_start3A_65 = tpu.memref_slice %arg2[%add3A_62, %dma_start3A_64] : memref<163840x128xf32, #tpu.memory_space<hbm>> -> memref<128x128xf32, #tpu.memory_space<hbm>>
    tpu.enqueue_dma source(%dma_start3A_65 : memref<128x128xf32, #tpu.memory_space<hbm>>) target(%arg8 : memref<128x128xf32, #tpu.memory_space<vmem>>) target_semaphore(%arg11 : memref<!tpu.dma_semaphore, #tpu.memory_space<semaphore_mem>>)
    %add3A_66 = arith.constant 128 : i32
    %add3A_67 = arith.addi %mul3A_60, %add3A_66 : i32
    %dma_start3A_68 = arith.constant 0 : i32
    %dma_start3A_69 = tpu.memref_slice %arg2[%add3A_67, %dma_start3A_68] : memref<163840x128xf32, #tpu.memory_space<hbm>> -> memref<128x128xf32, #tpu.memory_space<hbm>>
    %dma_start3A_70 = arith.constant 0 : i32
    %dma_start3A_71 = tpu.memref_slice %arg2[%add3A_67, %dma_start3A_70] : memref<163840x128xf32, #tpu.memory_space<hbm>> -> memref<128x128xf32, #tpu.memory_space<hbm>>
    tpu.enqueue_dma source(%dma_start3A_71 : memref<128x128xf32, #tpu.memory_space<hbm>>) target(%arg9 : memref<128x128xf32, #tpu.memory_space<vmem>>) target_semaphore(%arg12 : memref<!tpu.dma_semaphore, #tpu.memory_space<semaphore_mem>>)
    %scan3A = arith.constant 0 : i32
    %scan3A_72 = arith.constant 20 : i32
    %scan3A_73 = arith.addi %scan3A, %scan3A_72 : i32
    %scan3A_74 = arith.constant 1 : i32
    scf.for %scan3A_100 = %scan3A to %scan3A_73 step %scan3A_74  : i32 {
      %mul3A_101 = arith.constant 2 : i32
      %mul3A_102 = arith.muli %scan3A_100, %mul3A_101 : i32
      %add3A_103 = arith.constant 0 : i32
      %add3A_104 = arith.addi %add3A_103, %mul3A_102 : i32
      %add3A_105 = arith.constant 0 : i32
      %add3A_106 = arith.addi %add3A_104, %add3A_105 : i32
      %mul3A_107 = arith.constant 128 : i32
      %mul3A_108 = arith.muli %add3A_106, %mul3A_107 : i32
      %add3A_109 = arith.addi %mul3A_60, %mul3A_108 : i32
      %dma_wait3A = arith.constant 0 : i32
      %dma_wait3A_110 = tpu.memref_slice %arg2[%add3A_109, %dma_wait3A] : memref<163840x128xf32, #tpu.memory_space<hbm>> -> memref<128x128xf32, #tpu.memory_space<hbm>>
      %dma_wait3A_111 = arith.constant 0 : i32
      %dma_wait3A_112 = tpu.memref_slice %arg2[%add3A_109, %dma_wait3A_111] : memref<163840x128xf32, #tpu.memory_space<hbm>> -> memref<128x128xf32, #tpu.memory_space<hbm>>
      tpu.wait_dma2 semaphore(%arg11 : memref<!tpu.dma_semaphore, #tpu.memory_space<semaphore_mem>>) src(%dma_wait3A_112 : memref<128x128xf32, #tpu.memory_space<hbm>>) dst(%arg8 : memref<128x128xf32, #tpu.memory_space<vmem>>)
      %add3A_113 = arith.constant 0 : i32
      %add3A_114 = arith.addi %add3A_113, %sub3A_23 : i32
      %add3A_115 = arith.addi %add3A_114, %add3A_106 : i32
      "tpu.region"() ({
        %run_scoped3A = tpu.sem_alloc : memref<!tpu.dma_semaphore, #tpu.memory_space<semaphore_mem>>
        %dma_start3A_139 = arith.constant 0 : i32
        %dma_start3A_140 = tpu.memref_slice %arg7[%add3A_115, %dma_start3A_139] : memref<96x128xi32, #tpu.memory_space<vmem>> -> memref<1x128xi32, #tpu.memory_space<vmem>>
        %dma_start3A_141 = tpu.memref_squeeze %dma_start3A_140 : memref<1x128xi32, #tpu.memory_space<vmem>> -> memref<128xi32, #tpu.memory_space<vmem>>
        %dma_start3A_142 = arith.constant 0 : i32
        %dma_start3A_143 = arith.constant 0 : i32
        %dma_start3A_144 = tpu.memref_slice %arg10[%dma_start3A_142, %dma_start3A_143] : memref<10240x128xf32, #tpu.memory_space<vmem_shared>> -> memref<10240x128xf32, #tpu.memory_space<vmem_shared>>
        tpu.enqueue_indirect_dma source(%arg8 : memref<128x128xf32, #tpu.memory_space<vmem>>) target(%dma_start3A_144 : memref<10240x128xf32, #tpu.memory_space<vmem_shared>>) offsets(%dma_start3A_141 : memref<128xi32, #tpu.memory_space<vmem>>) semaphore(%run_scoped3A : memref<!tpu.dma_semaphore, #tpu.memory_space<semaphore_mem>>) {add = true}
        %dma_wait3A_145 = arith.constant 0 : i32
        %dma_wait3A_146 = tpu.memref_slice %arg7[%add3A_115, %dma_wait3A_145] : memref<96x128xi32, #tpu.memory_space<vmem>> -> memref<1x128xi32, #tpu.memory_space<vmem>>
        %dma_wait3A_147 = tpu.memref_squeeze %dma_wait3A_146 : memref<1x128xi32, #tpu.memory_space<vmem>> -> memref<128xi32, #tpu.memory_space<vmem>>
        %dma_wait3A_148 = arith.constant 0 : i32
        %dma_wait3A_149 = arith.constant 0 : i32
        %dma_wait3A_150 = tpu.memref_slice %arg10[%dma_wait3A_148, %dma_wait3A_149] : memref<10240x128xf32, #tpu.memory_space<vmem_shared>> -> memref<10240x128xf32, #tpu.memory_space<vmem_shared>>
        tpu.wait_indirect_dma semaphore(%run_scoped3A : memref<!tpu.dma_semaphore, #tpu.memory_space<semaphore_mem>>) src(%arg8 : memref<128x128xf32, #tpu.memory_space<vmem>>) dst(%dma_wait3A_150 : memref<10240x128xf32, #tpu.memory_space<vmem_shared>>)
        tpu.yield
      }) : () -> ()
      %add3A_116 = arith.constant 2 : i32
      %add3A_117 = arith.addi %add3A_106, %add3A_116 : i32
      %lt3A = arith.constant 40 : i32
      %lt3A_118 = arith.cmpi slt, %add3A_117, %lt3A : i32
      %convert_element_type3A = arith.extui %lt3A_118 : i1 to i32
      %cond3A = arith.constant 0 : i32
      %cond3A_119 = arith.cmpi ne, %convert_element_type3A, %cond3A : i32
      scf.if %cond3A_119 {
        %add3A_139 = arith.constant 2 : i32
        %add3A_140 = arith.addi %add3A_106, %add3A_139 : i32
        %mul3A_141 = arith.constant 128 : i32
        %mul3A_142 = arith.muli %add3A_140, %mul3A_141 : i32
        %add3A_143 = arith.addi %mul3A_60, %mul3A_142 : i32
        %dma_start3A_144 = arith.constant 0 : i32
        %dma_start3A_145 = tpu.memref_slice %arg2[%add3A_143, %dma_start3A_144] : memref<163840x128xf32, #tpu.memory_space<hbm>> -> memref<128x128xf32, #tpu.memory_space<hbm>>
        %dma_start3A_146 = arith.constant 0 : i32
        %dma_start3A_147 = tpu.memref_slice %arg2[%add3A_143, %dma_start3A_146] : memref<163840x128xf32, #tpu.memory_space<hbm>> -> memref<128x128xf32, #tpu.memory_space<hbm>>
        tpu.enqueue_dma source(%dma_start3A_147 : memref<128x128xf32, #tpu.memory_space<hbm>>) target(%arg8 : memref<128x128xf32, #tpu.memory_space<vmem>>) target_semaphore(%arg11 : memref<!tpu.dma_semaphore, #tpu.memory_space<semaphore_mem>>)
      } else {
      }
      %add3A_120 = arith.constant 1 : i32
      %add3A_121 = arith.addi %add3A_104, %add3A_120 : i32
      %mul3A_122 = arith.constant 128 : i32
      %mul3A_123 = arith.muli %add3A_121, %mul3A_122 : i32
      %add3A_124 = arith.addi %mul3A_60, %mul3A_123 : i32
      %dma_wait3A_125 = arith.constant 0 : i32
      %dma_wait3A_126 = tpu.memref_slice %arg2[%add3A_124, %dma_wait3A_125] : memref<163840x128xf32, #tpu.memory_space<hbm>> -> memref<128x128xf32, #tpu.memory_space<hbm>>
      %dma_wait3A_127 = arith.constant 0 : i32
      %dma_wait3A_128 = tpu.memref_slice %arg2[%add3A_124, %dma_wait3A_127] : memref<163840x128xf32, #tpu.memory_space<hbm>> -> memref<128x128xf32, #tpu.memory_space<hbm>>
      tpu.wait_dma2 semaphore(%arg12 : memref<!tpu.dma_semaphore, #tpu.memory_space<semaphore_mem>>) src(%dma_wait3A_128 : memref<128x128xf32, #tpu.memory_space<hbm>>) dst(%arg9 : memref<128x128xf32, #tpu.memory_space<vmem>>)
      %add3A_129 = arith.constant 0 : i32
      %add3A_130 = arith.addi %add3A_129, %sub3A_23 : i32
      %add3A_131 = arith.addi %add3A_130, %add3A_121 : i32
      "tpu.region"() ({
        %run_scoped3A = tpu.sem_alloc : memref<!tpu.dma_semaphore, #tpu.memory_space<semaphore_mem>>
        %dma_start3A_139 = arith.constant 0 : i32
        %dma_start3A_140 = tpu.memref_slice %arg7[%add3A_131, %dma_start3A_139] : memref<96x128xi32, #tpu.memory_space<vmem>> -> memref<1x128xi32, #tpu.memory_space<vmem>>
        %dma_start3A_141 = tpu.memref_squeeze %dma_start3A_140 : memref<1x128xi32, #tpu.memory_space<vmem>> -> memref<128xi32, #tpu.memory_space<vmem>>
        %dma_start3A_142 = arith.constant 0 : i32
        %dma_start3A_143 = arith.constant 0 : i32
        %dma_start3A_144 = tpu.memref_slice %arg10[%dma_start3A_142, %dma_start3A_143] : memref<10240x128xf32, #tpu.memory_space<vmem_shared>> -> memref<10240x128xf32, #tpu.memory_space<vmem_shared>>
        tpu.enqueue_indirect_dma source(%arg9 : memref<128x128xf32, #tpu.memory_space<vmem>>) target(%dma_start3A_144 : memref<10240x128xf32, #tpu.memory_space<vmem_shared>>) offsets(%dma_start3A_141 : memref<128xi32, #tpu.memory_space<vmem>>) semaphore(%run_scoped3A : memref<!tpu.dma_semaphore, #tpu.memory_space<semaphore_mem>>) {add = true}
        %dma_wait3A_145 = arith.constant 0 : i32
        %dma_wait3A_146 = tpu.memref_slice %arg7[%add3A_131, %dma_wait3A_145] : memref<96x128xi32, #tpu.memory_space<vmem>> -> memref<1x128xi32, #tpu.memory_space<vmem>>
        %dma_wait3A_147 = tpu.memref_squeeze %dma_wait3A_146 : memref<1x128xi32, #tpu.memory_space<vmem>> -> memref<128xi32, #tpu.memory_space<vmem>>
        %dma_wait3A_148 = arith.constant 0 : i32
        %dma_wait3A_149 = arith.constant 0 : i32
        %dma_wait3A_150 = tpu.memref_slice %arg10[%dma_wait3A_148, %dma_wait3A_149] : memref<10240x128xf32, #tpu.memory_space<vmem_shared>> -> memref<10240x128xf32, #tpu.memory_space<vmem_shared>>
        tpu.wait_indirect_dma semaphore(%run_scoped3A : memref<!tpu.dma_semaphore, #tpu.memory_space<semaphore_mem>>) src(%arg9 : memref<128x128xf32, #tpu.memory_space<vmem>>) dst(%dma_wait3A_150 : memref<10240x128xf32, #tpu.memory_space<vmem_shared>>)
        tpu.yield
      }) : () -> ()
      %add3A_132 = arith.constant 2 : i32
      %add3A_133 = arith.addi %add3A_121, %add3A_132 : i32
      %lt3A_134 = arith.constant 40 : i32
      %lt3A_135 = arith.cmpi slt, %add3A_133, %lt3A_134 : i32
      %convert_element_type3A_136 = arith.extui %lt3A_135 : i1 to i32
      %cond3A_137 = arith.constant 0 : i32
      %cond3A_138 = arith.cmpi ne, %convert_element_type3A_136, %cond3A_137 : i32
      scf.if %cond3A_138 {
        %add3A_139 = arith.constant 2 : i32
        %add3A_140 = arith.addi %add3A_121, %add3A_139 : i32
        %mul3A_141 = arith.constant 128 : i32
        %mul3A_142 = arith.muli %add3A_140, %mul3A_141 : i32
        %add3A_143 = arith.addi %mul3A_60, %mul3A_142 : i32
        %dma_start3A_144 = arith.constant 0 : i32
        %dma_start3A_145 = tpu.memref_slice %arg2[%add3A_143, %dma_start3A_144] : memref<163840x128xf32, #tpu.memory_space<hbm>> -> memref<128x128xf32, #tpu.memory_space<hbm>>
        %dma_start3A_146 = arith.constant 0 : i32
        %dma_start3A_147 = tpu.memref_slice %arg2[%add3A_143, %dma_start3A_146] : memref<163840x128xf32, #tpu.memory_space<hbm>> -> memref<128x128xf32, #tpu.memory_space<hbm>>
        tpu.enqueue_dma source(%dma_start3A_147 : memref<128x128xf32, #tpu.memory_space<hbm>>) target(%arg9 : memref<128x128xf32, #tpu.memory_space<vmem>>) target_semaphore(%arg12 : memref<!tpu.dma_semaphore, #tpu.memory_space<semaphore_mem>>)
      } else {
      }
    }
    %scan3A_75 = arith.constant 20 : i32
    %mul3A_76 = arith.constant 5120 : i32
    %mul3A_77 = arith.muli %add3A, %mul3A_76 : i32
    %add3A_78 = arith.constant 0 : i32
    %add3A_79 = arith.addi %mul3A_77, %add3A_78 : i32
    %dma_start3A_80 = arith.constant 0 : i32
    %dma_start3A_81 = tpu.memref_slice %arg3[%add3A_79, %dma_start3A_80] : memref<163840x128xf32, #tpu.memory_space<hbm>> -> memref<128x128xf32, #tpu.memory_space<hbm>>
    %dma_start3A_82 = arith.constant 0 : i32
    %dma_start3A_83 = tpu.memref_slice %arg3[%add3A_79, %dma_start3A_82] : memref<163840x128xf32, #tpu.memory_space<hbm>> -> memref<128x128xf32, #tpu.memory_space<hbm>>
    tpu.enqueue_dma source(%dma_start3A_83 : memref<128x128xf32, #tpu.memory_space<hbm>>) target(%arg8 : memref<128x128xf32, #tpu.memory_space<vmem>>) target_semaphore(%arg11 : memref<!tpu.dma_semaphore, #tpu.memory_space<semaphore_mem>>)
    %add3A_84 = arith.constant 128 : i32
    %add3A_85 = arith.addi %mul3A_77, %add3A_84 : i32
    %dma_start3A_86 = arith.constant 0 : i32
    %dma_start3A_87 = tpu.memref_slice %arg3[%add3A_85, %dma_start3A_86] : memref<163840x128xf32, #tpu.memory_space<hbm>> -> memref<128x128xf32, #tpu.memory_space<hbm>>
    %dma_start3A_88 = arith.constant 0 : i32
    %dma_start3A_89 = tpu.memref_slice %arg3[%add3A_85, %dma_start3A_88] : memref<163840x128xf32, #tpu.memory_space<hbm>> -> memref<128x128xf32, #tpu.memory_space<hbm>>
    tpu.enqueue_dma source(%dma_start3A_89 : memref<128x128xf32, #tpu.memory_space<hbm>>) target(%arg9 : memref<128x128xf32, #tpu.memory_space<vmem>>) target_semaphore(%arg12 : memref<!tpu.dma_semaphore, #tpu.memory_space<semaphore_mem>>)
    %scan3A_90 = arith.constant 0 : i32
    %scan3A_91 = arith.constant 20 : i32
    %scan3A_92 = arith.addi %scan3A_90, %scan3A_91 : i32
    %scan3A_93 = arith.constant 1 : i32
    scf.for %scan3A_100 = %scan3A_90 to %scan3A_92 step %scan3A_93  : i32 {
      %mul3A_101 = arith.constant 2 : i32
      %mul3A_102 = arith.muli %scan3A_100, %mul3A_101 : i32
      %add3A_103 = arith.constant 0 : i32
      %add3A_104 = arith.addi %add3A_103, %mul3A_102 : i32
      %add3A_105 = arith.constant 0 : i32
      %add3A_106 = arith.addi %add3A_104, %add3A_105 : i32
      %mul3A_107 = arith.constant 128 : i32
      %mul3A_108 = arith.muli %add3A_106, %mul3A_107 : i32
      %add3A_109 = arith.addi %mul3A_77, %mul3A_108 : i32
      %dma_wait3A = arith.constant 0 : i32
      %dma_wait3A_110 = tpu.memref_slice %arg3[%add3A_109, %dma_wait3A] : memref<163840x128xf32, #tpu.memory_space<hbm>> -> memref<128x128xf32, #tpu.memory_space<hbm>>
      %dma_wait3A_111 = arith.constant 0 : i32
      %dma_wait3A_112 = tpu.memref_slice %arg3[%add3A_109, %dma_wait3A_111] : memref<163840x128xf32, #tpu.memory_space<hbm>> -> memref<128x128xf32, #tpu.memory_space<hbm>>
      tpu.wait_dma2 semaphore(%arg11 : memref<!tpu.dma_semaphore, #tpu.memory_space<semaphore_mem>>) src(%dma_wait3A_112 : memref<128x128xf32, #tpu.memory_space<hbm>>) dst(%arg8 : memref<128x128xf32, #tpu.memory_space<vmem>>)
      %add3A_113 = arith.constant 48 : i32
      %add3A_114 = arith.addi %add3A_113, %sub3A_54 : i32
      %add3A_115 = arith.addi %add3A_114, %add3A_106 : i32
      "tpu.region"() ({
        %run_scoped3A = tpu.sem_alloc : memref<!tpu.dma_semaphore, #tpu.memory_space<semaphore_mem>>
        %dma_start3A_139 = arith.constant 0 : i32
        %dma_start3A_140 = tpu.memref_slice %arg7[%add3A_115, %dma_start3A_139] : memref<96x128xi32, #tpu.memory_space<vmem>> -> memref<1x128xi32, #tpu.memory_space<vmem>>
        %dma_start3A_141 = tpu.memref_squeeze %dma_start3A_140 : memref<1x128xi32, #tpu.memory_space<vmem>> -> memref<128xi32, #tpu.memory_space<vmem>>
        %dma_start3A_142 = arith.constant 0 : i32
        %dma_start3A_143 = arith.constant 0 : i32
        %dma_start3A_144 = tpu.memref_slice %arg10[%dma_start3A_142, %dma_start3A_143] : memref<10240x128xf32, #tpu.memory_space<vmem_shared>> -> memref<10240x128xf32, #tpu.memory_space<vmem_shared>>
        tpu.enqueue_indirect_dma source(%arg8 : memref<128x128xf32, #tpu.memory_space<vmem>>) target(%dma_start3A_144 : memref<10240x128xf32, #tpu.memory_space<vmem_shared>>) offsets(%dma_start3A_141 : memref<128xi32, #tpu.memory_space<vmem>>) semaphore(%run_scoped3A : memref<!tpu.dma_semaphore, #tpu.memory_space<semaphore_mem>>) {add = true}
        %dma_wait3A_145 = arith.constant 0 : i32
        %dma_wait3A_146 = tpu.memref_slice %arg7[%add3A_115, %dma_wait3A_145] : memref<96x128xi32, #tpu.memory_space<vmem>> -> memref<1x128xi32, #tpu.memory_space<vmem>>
        %dma_wait3A_147 = tpu.memref_squeeze %dma_wait3A_146 : memref<1x128xi32, #tpu.memory_space<vmem>> -> memref<128xi32, #tpu.memory_space<vmem>>
        %dma_wait3A_148 = arith.constant 0 : i32
        %dma_wait3A_149 = arith.constant 0 : i32
        %dma_wait3A_150 = tpu.memref_slice %arg10[%dma_wait3A_148, %dma_wait3A_149] : memref<10240x128xf32, #tpu.memory_space<vmem_shared>> -> memref<10240x128xf32, #tpu.memory_space<vmem_shared>>
        tpu.wait_indirect_dma semaphore(%run_scoped3A : memref<!tpu.dma_semaphore, #tpu.memory_space<semaphore_mem>>) src(%arg8 : memref<128x128xf32, #tpu.memory_space<vmem>>) dst(%dma_wait3A_150 : memref<10240x128xf32, #tpu.memory_space<vmem_shared>>)
        tpu.yield
      }) : () -> ()
      %add3A_116 = arith.constant 2 : i32
      %add3A_117 = arith.addi %add3A_106, %add3A_116 : i32
      %lt3A = arith.constant 40 : i32
      %lt3A_118 = arith.cmpi slt, %add3A_117, %lt3A : i32
      %convert_element_type3A = arith.extui %lt3A_118 : i1 to i32
      %cond3A = arith.constant 0 : i32
      %cond3A_119 = arith.cmpi ne, %convert_element_type3A, %cond3A : i32
      scf.if %cond3A_119 {
        %add3A_139 = arith.constant 2 : i32
        %add3A_140 = arith.addi %add3A_106, %add3A_139 : i32
        %mul3A_141 = arith.constant 128 : i32
        %mul3A_142 = arith.muli %add3A_140, %mul3A_141 : i32
        %add3A_143 = arith.addi %mul3A_77, %mul3A_142 : i32
        %dma_start3A_144 = arith.constant 0 : i32
        %dma_start3A_145 = tpu.memref_slice %arg3[%add3A_143, %dma_start3A_144] : memref<163840x128xf32, #tpu.memory_space<hbm>> -> memref<128x128xf32, #tpu.memory_space<hbm>>
        %dma_start3A_146 = arith.constant 0 : i32
        %dma_start3A_147 = tpu.memref_slice %arg3[%add3A_143, %dma_start3A_146] : memref<163840x128xf32, #tpu.memory_space<hbm>> -> memref<128x128xf32, #tpu.memory_space<hbm>>
        tpu.enqueue_dma source(%dma_start3A_147 : memref<128x128xf32, #tpu.memory_space<hbm>>) target(%arg8 : memref<128x128xf32, #tpu.memory_space<vmem>>) target_semaphore(%arg11 : memref<!tpu.dma_semaphore, #tpu.memory_space<semaphore_mem>>)
      } else {
      }
      %add3A_120 = arith.constant 1 : i32
      %add3A_121 = arith.addi %add3A_104, %add3A_120 : i32
      %mul3A_122 = arith.constant 128 : i32
      %mul3A_123 = arith.muli %add3A_121, %mul3A_122 : i32
      %add3A_124 = arith.addi %mul3A_77, %mul3A_123 : i32
      %dma_wait3A_125 = arith.constant 0 : i32
      %dma_wait3A_126 = tpu.memref_slice %arg3[%add3A_124, %dma_wait3A_125] : memref<163840x128xf32, #tpu.memory_space<hbm>> -> memref<128x128xf32, #tpu.memory_space<hbm>>
      %dma_wait3A_127 = arith.constant 0 : i32
      %dma_wait3A_128 = tpu.memref_slice %arg3[%add3A_124, %dma_wait3A_127] : memref<163840x128xf32, #tpu.memory_space<hbm>> -> memref<128x128xf32, #tpu.memory_space<hbm>>
      tpu.wait_dma2 semaphore(%arg12 : memref<!tpu.dma_semaphore, #tpu.memory_space<semaphore_mem>>) src(%dma_wait3A_128 : memref<128x128xf32, #tpu.memory_space<hbm>>) dst(%arg9 : memref<128x128xf32, #tpu.memory_space<vmem>>)
      %add3A_129 = arith.constant 48 : i32
      %add3A_130 = arith.addi %add3A_129, %sub3A_54 : i32
      %add3A_131 = arith.addi %add3A_130, %add3A_121 : i32
      "tpu.region"() ({
        %run_scoped3A = tpu.sem_alloc : memref<!tpu.dma_semaphore, #tpu.memory_space<semaphore_mem>>
        %dma_start3A_139 = arith.constant 0 : i32
        %dma_start3A_140 = tpu.memref_slice %arg7[%add3A_131, %dma_start3A_139] : memref<96x128xi32, #tpu.memory_space<vmem>> -> memref<1x128xi32, #tpu.memory_space<vmem>>
        %dma_start3A_141 = tpu.memref_squeeze %dma_start3A_140 : memref<1x128xi32, #tpu.memory_space<vmem>> -> memref<128xi32, #tpu.memory_space<vmem>>
        %dma_start3A_142 = arith.constant 0 : i32
        %dma_start3A_143 = arith.constant 0 : i32
        %dma_start3A_144 = tpu.memref_slice %arg10[%dma_start3A_142, %dma_start3A_143] : memref<10240x128xf32, #tpu.memory_space<vmem_shared>> -> memref<10240x128xf32, #tpu.memory_space<vmem_shared>>
        tpu.enqueue_indirect_dma source(%arg9 : memref<128x128xf32, #tpu.memory_space<vmem>>) target(%dma_start3A_144 : memref<10240x128xf32, #tpu.memory_space<vmem_shared>>) offsets(%dma_start3A_141 : memref<128xi32, #tpu.memory_space<vmem>>) semaphore(%run_scoped3A : memref<!tpu.dma_semaphore, #tpu.memory_space<semaphore_mem>>) {add = true}
        %dma_wait3A_145 = arith.constant 0 : i32
        %dma_wait3A_146 = tpu.memref_slice %arg7[%add3A_131, %dma_wait3A_145] : memref<96x128xi32, #tpu.memory_space<vmem>> -> memref<1x128xi32, #tpu.memory_space<vmem>>
        %dma_wait3A_147 = tpu.memref_squeeze %dma_wait3A_146 : memref<1x128xi32, #tpu.memory_space<vmem>> -> memref<128xi32, #tpu.memory_space<vmem>>
        %dma_wait3A_148 = arith.constant 0 : i32
        %dma_wait3A_149 = arith.constant 0 : i32
        %dma_wait3A_150 = tpu.memref_slice %arg10[%dma_wait3A_148, %dma_wait3A_149] : memref<10240x128xf32, #tpu.memory_space<vmem_shared>> -> memref<10240x128xf32, #tpu.memory_space<vmem_shared>>
        tpu.wait_indirect_dma semaphore(%run_scoped3A : memref<!tpu.dma_semaphore, #tpu.memory_space<semaphore_mem>>) src(%arg9 : memref<128x128xf32, #tpu.memory_space<vmem>>) dst(%dma_wait3A_150 : memref<10240x128xf32, #tpu.memory_space<vmem_shared>>)
        tpu.yield
      }) : () -> ()
      %add3A_132 = arith.constant 2 : i32
      %add3A_133 = arith.addi %add3A_121, %add3A_132 : i32
      %lt3A_134 = arith.constant 40 : i32
      %lt3A_135 = arith.cmpi slt, %add3A_133, %lt3A_134 : i32
      %convert_element_type3A_136 = arith.extui %lt3A_135 : i1 to i32
      %cond3A_137 = arith.constant 0 : i32
      %cond3A_138 = arith.cmpi ne, %convert_element_type3A_136, %cond3A_137 : i32
      scf.if %cond3A_138 {
        %add3A_139 = arith.constant 2 : i32
        %add3A_140 = arith.addi %add3A_121, %add3A_139 : i32
        %mul3A_141 = arith.constant 128 : i32
        %mul3A_142 = arith.muli %add3A_140, %mul3A_141 : i32
        %add3A_143 = arith.addi %mul3A_77, %mul3A_142 : i32
        %dma_start3A_144 = arith.constant 0 : i32
        %dma_start3A_145 = tpu.memref_slice %arg3[%add3A_143, %dma_start3A_144] : memref<163840x128xf32, #tpu.memory_space<hbm>> -> memref<128x128xf32, #tpu.memory_space<hbm>>
        %dma_start3A_146 = arith.constant 0 : i32
        %dma_start3A_147 = tpu.memref_slice %arg3[%add3A_143, %dma_start3A_146] : memref<163840x128xf32, #tpu.memory_space<hbm>> -> memref<128x128xf32, #tpu.memory_space<hbm>>
        tpu.enqueue_dma source(%dma_start3A_147 : memref<128x128xf32, #tpu.memory_space<hbm>>) target(%arg9 : memref<128x128xf32, #tpu.memory_space<vmem>>) target_semaphore(%arg12 : memref<!tpu.dma_semaphore, #tpu.memory_space<semaphore_mem>>)
      } else {
      }
    }
    %scan3A_94 = arith.constant 20 : i32
    %barrier3A_95 = arith.constant 0 : index
    tpu.barrier barrier_id(%barrier3A_95)
    %mul3A_96 = arith.constant 640 : i32
    %mul3A_97 = arith.muli %arg1, %mul3A_96 : i32
    %mul3A_98 = arith.constant 640 : i32
    %mul3A_99 = arith.muli %arg1, %mul3A_98 : i32
    "tpu.region"() ({
      %run_scoped3A = tpu.sem_alloc : memref<!tpu.dma_semaphore, #tpu.memory_space<semaphore_mem>>
      %dma_start3A_100 = arith.constant 0 : i32
      %dma_start3A_101 = tpu.memref_slice %arg6[%arg0, %mul3A_99, %dma_start3A_100] : memref<2x10240x128xf32, #tpu.memory_space<hbm>> -> memref<1x640x128xf32, #tpu.memory_space<hbm>>
      %dma_start3A_102 = tpu.memref_squeeze %dma_start3A_101 : memref<1x640x128xf32, #tpu.memory_space<hbm>> -> memref<640x128xf32, #tpu.memory_space<hbm>>
      %dma_start3A_103 = arith.constant 0 : i32
      %dma_start3A_104 = tpu.memref_slice %arg10[%mul3A_97, %dma_start3A_103] : memref<10240x128xf32, #tpu.memory_space<vmem_shared>> -> memref<640x128xf32, #tpu.memory_space<vmem_shared>>
      tpu.enqueue_dma source(%dma_start3A_104 : memref<640x128xf32, #tpu.memory_space<vmem_shared>>) target(%dma_start3A_102 : memref<640x128xf32, #tpu.memory_space<hbm>>) target_semaphore(%run_scoped3A : memref<!tpu.dma_semaphore, #tpu.memory_space<semaphore_mem>>)
      %dma_wait3A = arith.constant 0 : i32
      %dma_wait3A_105 = tpu.memref_slice %arg6[%arg0, %mul3A_99, %dma_wait3A] : memref<2x10240x128xf32, #tpu.memory_space<hbm>> -> memref<1x640x128xf32, #tpu.memory_space<hbm>>
      %dma_wait3A_106 = tpu.memref_squeeze %dma_wait3A_105 : memref<1x640x128xf32, #tpu.memory_space<hbm>> -> memref<640x128xf32, #tpu.memory_space<hbm>>
      %dma_wait3A_107 = arith.constant 0 : i32
      %dma_wait3A_108 = tpu.memref_slice %arg10[%mul3A_97, %dma_wait3A_107] : memref<10240x128xf32, #tpu.memory_space<vmem_shared>> -> memref<640x128xf32, #tpu.memory_space<vmem_shared>>
      tpu.wait_dma2 semaphore(%run_scoped3A : memref<!tpu.dma_semaphore, #tpu.memory_space<semaphore_mem>>) src(%dma_wait3A_108 : memref<640x128xf32, #tpu.memory_space<vmem_shared>>) dst(%dma_wait3A_106 : memref<640x128xf32, #tpu.memory_space<hbm>>)
      tpu.yield
    }) : () -> ()
    return
  }
}

#map = affine_map<(d0, d1) -> (0, 0)>
#map1 = affine_map<(d0, d1) -> (0)>
module attributes {stable_mosaic.version = 14 : i64} {
  func.func @k(%arg0: i32, %arg1: i32, %arg2: memref<10000x128xi32, #tpu.memory_space<hbm>>, %arg3: memref<10000x128xi32, #tpu.memory_space<hbm>>, %arg4: memref<163840xi32, #tpu.memory_space<hbm>>, %arg5: memref<163840xi32, #tpu.memory_space<hbm>>, %arg6: memref<163840x128xi32, #tpu.memory_space<hbm>>, %arg7: memref<163840x128xi32, #tpu.memory_space<hbm>>, %arg8: memref<5120xi32, #tpu.memory_space<vmem>>, %arg9: memref<5120xi32, #tpu.memory_space<vmem>>, %arg10: memref<64x128xi32, #tpu.memory_space<vmem>>, %arg11: memref<64x128xi32, #tpu.memory_space<vmem>>, %arg12: memref<64x128xi32, #tpu.memory_space<vmem>>, %arg13: memref<64x128xi32, #tpu.memory_space<vmem>>, %arg14: memref<64x128xi32, #tpu.memory_space<vmem>>, %arg15: memref<64x128xi32, #tpu.memory_space<vmem>>, %arg16: memref<64x128xi32, #tpu.memory_space<vmem>>, %arg17: memref<64x128xi32, #tpu.memory_space<vmem>>, %arg18: memref<!tpu.dma_semaphore, #tpu.memory_space<semaphore_mem>>, %arg19: memref<!tpu.dma_semaphore, #tpu.memory_space<semaphore_mem>>, %arg20: memref<!tpu.dma_semaphore, #tpu.memory_space<semaphore_mem>>, %arg21: memref<!tpu.dma_semaphore, #tpu.memory_space<semaphore_mem>>, %arg22: memref<!tpu.dma_semaphore, #tpu.memory_space<semaphore_mem>>, %arg23: memref<!tpu.dma_semaphore, #tpu.memory_space<semaphore_mem>>, %arg24: memref<!tpu.dma_semaphore, #tpu.memory_space<semaphore_mem>>, %arg25: memref<!tpu.dma_semaphore, #tpu.memory_space<semaphore_mem>>) attributes {dimension_semantics = [#tpu.dimension_semantics<core_parallel>, #tpu.dimension_semantics<subcore_parallel>], iteration_bounds = array<i64: 2, 16>, scalar_prefetch = 0 : i64, scratch_operands = 18 : i64, tpu.core_type = #tpu.core_type<sc_vector_subcore>, window_params = [{transform_indices = #map}, {transform_indices = #map}, {transform_indices = #map1}, {transform_indices = #map1}, {transform_indices = #map}, {transform_indices = #map}]} {
    %mul3A = arith.constant 2 : i32
    %mul3A_0 = arith.muli %arg1, %mul3A : i32
    %add3A = arith.addi %mul3A_0, %arg0 : i32
    %mul3A_1 = arith.constant 5120 : i32
    %mul3A_2 = arith.muli %add3A, %mul3A_1 : i32
    "tpu.region"() ({
      %run_scoped3A = tpu.sem_alloc : memref<!tpu.dma_semaphore, #tpu.memory_space<semaphore_mem>>
      %dma_start3A_93 = tpu.memref_slice %arg4[%mul3A_2] : memref<163840xi32, #tpu.memory_space<hbm>> -> memref<5120xi32, #tpu.memory_space<hbm>>
      %dma_start3A_94 = tpu.memref_slice %arg4[%mul3A_2] : memref<163840xi32, #tpu.memory_space<hbm>> -> memref<5120xi32, #tpu.memory_space<hbm>>
      tpu.enqueue_dma source(%dma_start3A_94 : memref<5120xi32, #tpu.memory_space<hbm>>) target(%arg8 : memref<5120xi32, #tpu.memory_space<vmem>>) target_semaphore(%run_scoped3A : memref<!tpu.dma_semaphore, #tpu.memory_space<semaphore_mem>>)
      %dma_wait3A_95 = tpu.memref_slice %arg4[%mul3A_2] : memref<163840xi32, #tpu.memory_space<hbm>> -> memref<5120xi32, #tpu.memory_space<hbm>>
      %dma_wait3A_96 = tpu.memref_slice %arg4[%mul3A_2] : memref<163840xi32, #tpu.memory_space<hbm>> -> memref<5120xi32, #tpu.memory_space<hbm>>
      tpu.wait_dma2 semaphore(%run_scoped3A : memref<!tpu.dma_semaphore, #tpu.memory_space<semaphore_mem>>) src(%dma_wait3A_96 : memref<5120xi32, #tpu.memory_space<hbm>>) dst(%arg8 : memref<5120xi32, #tpu.memory_space<vmem>>)
      tpu.yield
    }) : () -> ()
    "tpu.region"() ({
      %run_scoped3A = tpu.sem_alloc : memref<!tpu.dma_semaphore, #tpu.memory_space<semaphore_mem>>
      %dma_start3A_93 = tpu.memref_slice %arg5[%mul3A_2] : memref<163840xi32, #tpu.memory_space<hbm>> -> memref<5120xi32, #tpu.memory_space<hbm>>
      %dma_start3A_94 = tpu.memref_slice %arg5[%mul3A_2] : memref<163840xi32, #tpu.memory_space<hbm>> -> memref<5120xi32, #tpu.memory_space<hbm>>
      tpu.enqueue_dma source(%dma_start3A_94 : memref<5120xi32, #tpu.memory_space<hbm>>) target(%arg9 : memref<5120xi32, #tpu.memory_space<vmem>>) target_semaphore(%run_scoped3A : memref<!tpu.dma_semaphore, #tpu.memory_space<semaphore_mem>>)
      %dma_wait3A_95 = tpu.memref_slice %arg5[%mul3A_2] : memref<163840xi32, #tpu.memory_space<hbm>> -> memref<5120xi32, #tpu.memory_space<hbm>>
      %dma_wait3A_96 = tpu.memref_slice %arg5[%mul3A_2] : memref<163840xi32, #tpu.memory_space<hbm>> -> memref<5120xi32, #tpu.memory_space<hbm>>
      tpu.wait_dma2 semaphore(%run_scoped3A : memref<!tpu.dma_semaphore, #tpu.memory_space<semaphore_mem>>) src(%dma_wait3A_96 : memref<5120xi32, #tpu.memory_space<hbm>>) dst(%arg9 : memref<5120xi32, #tpu.memory_space<vmem>>)
      tpu.yield
    }) : () -> ()
    %dma_start3A = arith.constant 0 : i32
    %dma_start3A_3 = tpu.memref_slice %arg8[%dma_start3A] : memref<5120xi32, #tpu.memory_space<vmem>> -> memref<64xi32, #tpu.memory_space<vmem>>
    %dma_start3A_4 = arith.constant 0 : i32
    %dma_start3A_5 = arith.constant 0 : i32
    %dma_start3A_6 = tpu.memref_slice %arg2[%dma_start3A_4, %dma_start3A_5] : memref<10000x128xi32, #tpu.memory_space<hbm>> -> memref<10000x128xi32, #tpu.memory_space<hbm>>
    tpu.enqueue_indirect_dma source(%dma_start3A_6 : memref<10000x128xi32, #tpu.memory_space<hbm>>) target(%arg10 : memref<64x128xi32, #tpu.memory_space<vmem>>) offsets(%dma_start3A_3 : memref<64xi32, #tpu.memory_space<vmem>>) semaphore(%arg18 : memref<!tpu.dma_semaphore, #tpu.memory_space<semaphore_mem>>)
    %dma_start3A_7 = arith.constant 0 : i32
    %dma_start3A_8 = tpu.memref_slice %arg9[%dma_start3A_7] : memref<5120xi32, #tpu.memory_space<vmem>> -> memref<64xi32, #tpu.memory_space<vmem>>
    %dma_start3A_9 = arith.constant 0 : i32
    %dma_start3A_10 = arith.constant 0 : i32
    %dma_start3A_11 = tpu.memref_slice %arg3[%dma_start3A_9, %dma_start3A_10] : memref<10000x128xi32, #tpu.memory_space<hbm>> -> memref<10000x128xi32, #tpu.memory_space<hbm>>
    tpu.enqueue_indirect_dma source(%dma_start3A_11 : memref<10000x128xi32, #tpu.memory_space<hbm>>) target(%arg14 : memref<64x128xi32, #tpu.memory_space<vmem>>) offsets(%dma_start3A_8 : memref<64xi32, #tpu.memory_space<vmem>>) semaphore(%arg18 : memref<!tpu.dma_semaphore, #tpu.memory_space<semaphore_mem>>)
    %dma_start3A_12 = arith.constant 64 : i32
    %dma_start3A_13 = tpu.memref_slice %arg8[%dma_start3A_12] : memref<5120xi32, #tpu.memory_space<vmem>> -> memref<64xi32, #tpu.memory_space<vmem>>
    %dma_start3A_14 = arith.constant 0 : i32
    %dma_start3A_15 = arith.constant 0 : i32
    %dma_start3A_16 = tpu.memref_slice %arg2[%dma_start3A_14, %dma_start3A_15] : memref<10000x128xi32, #tpu.memory_space<hbm>> -> memref<10000x128xi32, #tpu.memory_space<hbm>>
    tpu.enqueue_indirect_dma source(%dma_start3A_16 : memref<10000x128xi32, #tpu.memory_space<hbm>>) target(%arg11 : memref<64x128xi32, #tpu.memory_space<vmem>>) offsets(%dma_start3A_13 : memref<64xi32, #tpu.memory_space<vmem>>) semaphore(%arg19 : memref<!tpu.dma_semaphore, #tpu.memory_space<semaphore_mem>>)
    %dma_start3A_17 = arith.constant 64 : i32
    %dma_start3A_18 = tpu.memref_slice %arg9[%dma_start3A_17] : memref<5120xi32, #tpu.memory_space<vmem>> -> memref<64xi32, #tpu.memory_space<vmem>>
    %dma_start3A_19 = arith.constant 0 : i32
    %dma_start3A_20 = arith.constant 0 : i32
    %dma_start3A_21 = tpu.memref_slice %arg3[%dma_start3A_19, %dma_start3A_20] : memref<10000x128xi32, #tpu.memory_space<hbm>> -> memref<10000x128xi32, #tpu.memory_space<hbm>>
    tpu.enqueue_indirect_dma source(%dma_start3A_21 : memref<10000x128xi32, #tpu.memory_space<hbm>>) target(%arg15 : memref<64x128xi32, #tpu.memory_space<vmem>>) offsets(%dma_start3A_18 : memref<64xi32, #tpu.memory_space<vmem>>) semaphore(%arg19 : memref<!tpu.dma_semaphore, #tpu.memory_space<semaphore_mem>>)
    %dma_start3A_22 = arith.constant 128 : i32
    %dma_start3A_23 = tpu.memref_slice %arg8[%dma_start3A_22] : memref<5120xi32, #tpu.memory_space<vmem>> -> memref<64xi32, #tpu.memory_space<vmem>>
    %dma_start3A_24 = arith.constant 0 : i32
    %dma_start3A_25 = arith.constant 0 : i32
    %dma_start3A_26 = tpu.memref_slice %arg2[%dma_start3A_24, %dma_start3A_25] : memref<10000x128xi32, #tpu.memory_space<hbm>> -> memref<10000x128xi32, #tpu.memory_space<hbm>>
    tpu.enqueue_indirect_dma source(%dma_start3A_26 : memref<10000x128xi32, #tpu.memory_space<hbm>>) target(%arg12 : memref<64x128xi32, #tpu.memory_space<vmem>>) offsets(%dma_start3A_23 : memref<64xi32, #tpu.memory_space<vmem>>) semaphore(%arg20 : memref<!tpu.dma_semaphore, #tpu.memory_space<semaphore_mem>>)
    %dma_start3A_27 = arith.constant 128 : i32
    %dma_start3A_28 = tpu.memref_slice %arg9[%dma_start3A_27] : memref<5120xi32, #tpu.memory_space<vmem>> -> memref<64xi32, #tpu.memory_space<vmem>>
    %dma_start3A_29 = arith.constant 0 : i32
    %dma_start3A_30 = arith.constant 0 : i32
    %dma_start3A_31 = tpu.memref_slice %arg3[%dma_start3A_29, %dma_start3A_30] : memref<10000x128xi32, #tpu.memory_space<hbm>> -> memref<10000x128xi32, #tpu.memory_space<hbm>>
    tpu.enqueue_indirect_dma source(%dma_start3A_31 : memref<10000x128xi32, #tpu.memory_space<hbm>>) target(%arg16 : memref<64x128xi32, #tpu.memory_space<vmem>>) offsets(%dma_start3A_28 : memref<64xi32, #tpu.memory_space<vmem>>) semaphore(%arg20 : memref<!tpu.dma_semaphore, #tpu.memory_space<semaphore_mem>>)
    %dma_start3A_32 = arith.constant 192 : i32
    %dma_start3A_33 = tpu.memref_slice %arg8[%dma_start3A_32] : memref<5120xi32, #tpu.memory_space<vmem>> -> memref<64xi32, #tpu.memory_space<vmem>>
    %dma_start3A_34 = arith.constant 0 : i32
    %dma_start3A_35 = arith.constant 0 : i32
    %dma_start3A_36 = tpu.memref_slice %arg2[%dma_start3A_34, %dma_start3A_35] : memref<10000x128xi32, #tpu.memory_space<hbm>> -> memref<10000x128xi32, #tpu.memory_space<hbm>>
    tpu.enqueue_indirect_dma source(%dma_start3A_36 : memref<10000x128xi32, #tpu.memory_space<hbm>>) target(%arg13 : memref<64x128xi32, #tpu.memory_space<vmem>>) offsets(%dma_start3A_33 : memref<64xi32, #tpu.memory_space<vmem>>) semaphore(%arg21 : memref<!tpu.dma_semaphore, #tpu.memory_space<semaphore_mem>>)
    %dma_start3A_37 = arith.constant 192 : i32
    %dma_start3A_38 = tpu.memref_slice %arg9[%dma_start3A_37] : memref<5120xi32, #tpu.memory_space<vmem>> -> memref<64xi32, #tpu.memory_space<vmem>>
    %dma_start3A_39 = arith.constant 0 : i32
    %dma_start3A_40 = arith.constant 0 : i32
    %dma_start3A_41 = tpu.memref_slice %arg3[%dma_start3A_39, %dma_start3A_40] : memref<10000x128xi32, #tpu.memory_space<hbm>> -> memref<10000x128xi32, #tpu.memory_space<hbm>>
    tpu.enqueue_indirect_dma source(%dma_start3A_41 : memref<10000x128xi32, #tpu.memory_space<hbm>>) target(%arg17 : memref<64x128xi32, #tpu.memory_space<vmem>>) offsets(%dma_start3A_38 : memref<64xi32, #tpu.memory_space<vmem>>) semaphore(%arg21 : memref<!tpu.dma_semaphore, #tpu.memory_space<semaphore_mem>>)
    %scan3A = arith.constant 0 : i32
    %scan3A_42 = arith.constant 20 : i32
    %scan3A_43 = arith.addi %scan3A, %scan3A_42 : i32
    %scan3A_44 = arith.constant 1 : i32
    scf.for %scan3A_93 = %scan3A to %scan3A_43 step %scan3A_44  : i32 {
      %mul3A_94 = arith.constant 4 : i32
      %mul3A_95 = arith.muli %scan3A_93, %mul3A_94 : i32
      %add3A_96 = arith.constant 0 : i32
      %add3A_97 = arith.addi %add3A_96, %mul3A_95 : i32
      %add3A_98 = arith.constant 0 : i32
      %add3A_99 = arith.addi %add3A_97, %add3A_98 : i32
      %mul3A_100 = arith.constant 64 : i32
      %mul3A_101 = arith.muli %add3A_99, %mul3A_100 : i32
      %dma_wait3A_102 = tpu.memref_slice %arg8[%mul3A_101] : memref<5120xi32, #tpu.memory_space<vmem>> -> memref<64xi32, #tpu.memory_space<vmem>>
      %dma_wait3A_103 = arith.constant 0 : i32
      %dma_wait3A_104 = arith.constant 0 : i32
      %dma_wait3A_105 = tpu.memref_slice %arg2[%dma_wait3A_103, %dma_wait3A_104] : memref<10000x128xi32, #tpu.memory_space<hbm>> -> memref<10000x128xi32, #tpu.memory_space<hbm>>
      tpu.wait_indirect_dma semaphore(%arg18 : memref<!tpu.dma_semaphore, #tpu.memory_space<semaphore_mem>>) src(%dma_wait3A_105 : memref<10000x128xi32, #tpu.memory_space<hbm>>) dst(%arg10 : memref<64x128xi32, #tpu.memory_space<vmem>>)
      %mul3A_106 = arith.constant 64 : i32
      %mul3A_107 = arith.muli %add3A_99, %mul3A_106 : i32
      %dma_wait3A_108 = tpu.memref_slice %arg9[%mul3A_107] : memref<5120xi32, #tpu.memory_space<vmem>> -> memref<64xi32, #tpu.memory_space<vmem>>
      %dma_wait3A_109 = arith.constant 0 : i32
      %dma_wait3A_110 = arith.constant 0 : i32
      %dma_wait3A_111 = tpu.memref_slice %arg3[%dma_wait3A_109, %dma_wait3A_110] : memref<10000x128xi32, #tpu.memory_space<hbm>> -> memref<10000x128xi32, #tpu.memory_space<hbm>>
      tpu.wait_indirect_dma semaphore(%arg18 : memref<!tpu.dma_semaphore, #tpu.memory_space<semaphore_mem>>) src(%dma_wait3A_111 : memref<10000x128xi32, #tpu.memory_space<hbm>>) dst(%arg14 : memref<64x128xi32, #tpu.memory_space<vmem>>)
      %mul3A_112 = arith.constant 64 : i32
      %mul3A_113 = arith.muli %add3A_99, %mul3A_112 : i32
      %add3A_114 = arith.addi %mul3A_2, %mul3A_113 : i32
      %dma_start3A_115 = arith.constant 0 : i32
      %dma_start3A_116 = tpu.memref_slice %arg6[%add3A_114, %dma_start3A_115] : memref<163840x128xi32, #tpu.memory_space<hbm>> -> memref<64x128xi32, #tpu.memory_space<hbm>>
      %dma_start3A_117 = arith.constant 0 : i32
      %dma_start3A_118 = tpu.memref_slice %arg6[%add3A_114, %dma_start3A_117] : memref<163840x128xi32, #tpu.memory_space<hbm>> -> memref<64x128xi32, #tpu.memory_space<hbm>>
      tpu.enqueue_dma source(%arg10 : memref<64x128xi32, #tpu.memory_space<vmem>>) target(%dma_start3A_118 : memref<64x128xi32, #tpu.memory_space<hbm>>) target_semaphore(%arg22 : memref<!tpu.dma_semaphore, #tpu.memory_space<semaphore_mem>>)
      %mul3A_119 = arith.constant 64 : i32
      %mul3A_120 = arith.muli %add3A_99, %mul3A_119 : i32
      %add3A_121 = arith.addi %mul3A_2, %mul3A_120 : i32
      %dma_start3A_122 = arith.constant 0 : i32
      %dma_start3A_123 = tpu.memref_slice %arg7[%add3A_121, %dma_start3A_122] : memref<163840x128xi32, #tpu.memory_space<hbm>> -> memref<64x128xi32, #tpu.memory_space<hbm>>
      %dma_start3A_124 = arith.constant 0 : i32
      %dma_start3A_125 = tpu.memref_slice %arg7[%add3A_121, %dma_start3A_124] : memref<163840x128xi32, #tpu.memory_space<hbm>> -> memref<64x128xi32, #tpu.memory_space<hbm>>
      tpu.enqueue_dma source(%arg14 : memref<64x128xi32, #tpu.memory_space<vmem>>) target(%dma_start3A_125 : memref<64x128xi32, #tpu.memory_space<hbm>>) target_semaphore(%arg22 : memref<!tpu.dma_semaphore, #tpu.memory_space<semaphore_mem>>)
      %add3A_126 = arith.constant 4 : i32
      %add3A_127 = arith.addi %add3A_99, %add3A_126 : i32
      %lt3A = arith.constant 80 : i32
      %lt3A_128 = arith.cmpi slt, %add3A_127, %lt3A : i32
      %convert_element_type3A = arith.extui %lt3A_128 : i1 to i32
      %cond3A = arith.constant 0 : i32
      %cond3A_129 = arith.cmpi ne, %convert_element_type3A, %cond3A : i32
      scf.if %cond3A_129 {
        %mul3A_235 = arith.constant 64 : i32
        %mul3A_236 = arith.muli %add3A_99, %mul3A_235 : i32
        %add3A_237 = arith.addi %mul3A_2, %mul3A_236 : i32
        %dma_wait3A_238 = arith.constant 0 : i32
        %dma_wait3A_239 = tpu.memref_slice %arg6[%add3A_237, %dma_wait3A_238] : memref<163840x128xi32, #tpu.memory_space<hbm>> -> memref<64x128xi32, #tpu.memory_space<hbm>>
        %dma_wait3A_240 = arith.constant 0 : i32
        %dma_wait3A_241 = tpu.memref_slice %arg6[%add3A_237, %dma_wait3A_240] : memref<163840x128xi32, #tpu.memory_space<hbm>> -> memref<64x128xi32, #tpu.memory_space<hbm>>
        tpu.wait_dma2 semaphore(%arg22 : memref<!tpu.dma_semaphore, #tpu.memory_space<semaphore_mem>>) src(%arg10 : memref<64x128xi32, #tpu.memory_space<vmem>>) dst(%dma_wait3A_241 : memref<64x128xi32, #tpu.memory_space<hbm>>)
        %mul3A_242 = arith.constant 64 : i32
        %mul3A_243 = arith.muli %add3A_99, %mul3A_242 : i32
        %add3A_244 = arith.addi %mul3A_2, %mul3A_243 : i32
        %dma_wait3A_245 = arith.constant 0 : i32
        %dma_wait3A_246 = tpu.memref_slice %arg7[%add3A_244, %dma_wait3A_245] : memref<163840x128xi32, #tpu.memory_space<hbm>> -> memref<64x128xi32, #tpu.memory_space<hbm>>
        %dma_wait3A_247 = arith.constant 0 : i32
        %dma_wait3A_248 = tpu.memref_slice %arg7[%add3A_244, %dma_wait3A_247] : memref<163840x128xi32, #tpu.memory_space<hbm>> -> memref<64x128xi32, #tpu.memory_space<hbm>>
        tpu.wait_dma2 semaphore(%arg22 : memref<!tpu.dma_semaphore, #tpu.memory_space<semaphore_mem>>) src(%arg14 : memref<64x128xi32, #tpu.memory_space<vmem>>) dst(%dma_wait3A_248 : memref<64x128xi32, #tpu.memory_space<hbm>>)
        %add3A_249 = arith.constant 4 : i32
        %add3A_250 = arith.addi %add3A_99, %add3A_249 : i32
        %mul3A_251 = arith.constant 64 : i32
        %mul3A_252 = arith.muli %add3A_250, %mul3A_251 : i32
        %dma_start3A_253 = tpu.memref_slice %arg8[%mul3A_252] : memref<5120xi32, #tpu.memory_space<vmem>> -> memref<64xi32, #tpu.memory_space<vmem>>
        %dma_start3A_254 = arith.constant 0 : i32
        %dma_start3A_255 = arith.constant 0 : i32
        %dma_start3A_256 = tpu.memref_slice %arg2[%dma_start3A_254, %dma_start3A_255] : memref<10000x128xi32, #tpu.memory_space<hbm>> -> memref<10000x128xi32, #tpu.memory_space<hbm>>
        tpu.enqueue_indirect_dma source(%dma_start3A_256 : memref<10000x128xi32, #tpu.memory_space<hbm>>) target(%arg10 : memref<64x128xi32, #tpu.memory_space<vmem>>) offsets(%dma_start3A_253 : memref<64xi32, #tpu.memory_space<vmem>>) semaphore(%arg18 : memref<!tpu.dma_semaphore, #tpu.memory_space<semaphore_mem>>)
        %mul3A_257 = arith.constant 64 : i32
        %mul3A_258 = arith.muli %add3A_250, %mul3A_257 : i32
        %dma_start3A_259 = tpu.memref_slice %arg9[%mul3A_258] : memref<5120xi32, #tpu.memory_space<vmem>> -> memref<64xi32, #tpu.memory_space<vmem>>
        %dma_start3A_260 = arith.constant 0 : i32
        %dma_start3A_261 = arith.constant 0 : i32
        %dma_start3A_262 = tpu.memref_slice %arg3[%dma_start3A_260, %dma_start3A_261] : memref<10000x128xi32, #tpu.memory_space<hbm>> -> memref<10000x128xi32, #tpu.memory_space<hbm>>
        tpu.enqueue_indirect_dma source(%dma_start3A_262 : memref<10000x128xi32, #tpu.memory_space<hbm>>) target(%arg14 : memref<64x128xi32, #tpu.memory_space<vmem>>) offsets(%dma_start3A_259 : memref<64xi32, #tpu.memory_space<vmem>>) semaphore(%arg18 : memref<!tpu.dma_semaphore, #tpu.memory_space<semaphore_mem>>)
      } else {
      }
      %add3A_130 = arith.constant 1 : i32
      %add3A_131 = arith.addi %add3A_97, %add3A_130 : i32
      %mul3A_132 = arith.constant 64 : i32
      %mul3A_133 = arith.muli %add3A_131, %mul3A_132 : i32
      %dma_wait3A_134 = tpu.memref_slice %arg8[%mul3A_133] : memref<5120xi32, #tpu.memory_space<vmem>> -> memref<64xi32, #tpu.memory_space<vmem>>
      %dma_wait3A_135 = arith.constant 0 : i32
      %dma_wait3A_136 = arith.constant 0 : i32
      %dma_wait3A_137 = tpu.memref_slice %arg2[%dma_wait3A_135, %dma_wait3A_136] : memref<10000x128xi32, #tpu.memory_space<hbm>> -> memref<10000x128xi32, #tpu.memory_space<hbm>>
      tpu.wait_indirect_dma semaphore(%arg19 : memref<!tpu.dma_semaphore, #tpu.memory_space<semaphore_mem>>) src(%dma_wait3A_137 : memref<10000x128xi32, #tpu.memory_space<hbm>>) dst(%arg11 : memref<64x128xi32, #tpu.memory_space<vmem>>)
      %mul3A_138 = arith.constant 64 : i32
      %mul3A_139 = arith.muli %add3A_131, %mul3A_138 : i32
      %dma_wait3A_140 = tpu.memref_slice %arg9[%mul3A_139] : memref<5120xi32, #tpu.memory_space<vmem>> -> memref<64xi32, #tpu.memory_space<vmem>>
      %dma_wait3A_141 = arith.constant 0 : i32
      %dma_wait3A_142 = arith.constant 0 : i32
      %dma_wait3A_143 = tpu.memref_slice %arg3[%dma_wait3A_141, %dma_wait3A_142] : memref<10000x128xi32, #tpu.memory_space<hbm>> -> memref<10000x128xi32, #tpu.memory_space<hbm>>
      tpu.wait_indirect_dma semaphore(%arg19 : memref<!tpu.dma_semaphore, #tpu.memory_space<semaphore_mem>>) src(%dma_wait3A_143 : memref<10000x128xi32, #tpu.memory_space<hbm>>) dst(%arg15 : memref<64x128xi32, #tpu.memory_space<vmem>>)
      %mul3A_144 = arith.constant 64 : i32
      %mul3A_145 = arith.muli %add3A_131, %mul3A_144 : i32
      %add3A_146 = arith.addi %mul3A_2, %mul3A_145 : i32
      %dma_start3A_147 = arith.constant 0 : i32
      %dma_start3A_148 = tpu.memref_slice %arg6[%add3A_146, %dma_start3A_147] : memref<163840x128xi32, #tpu.memory_space<hbm>> -> memref<64x128xi32, #tpu.memory_space<hbm>>
      %dma_start3A_149 = arith.constant 0 : i32
      %dma_start3A_150 = tpu.memref_slice %arg6[%add3A_146, %dma_start3A_149] : memref<163840x128xi32, #tpu.memory_space<hbm>> -> memref<64x128xi32, #tpu.memory_space<hbm>>
      tpu.enqueue_dma source(%arg11 : memref<64x128xi32, #tpu.memory_space<vmem>>) target(%dma_start3A_150 : memref<64x128xi32, #tpu.memory_space<hbm>>) target_semaphore(%arg23 : memref<!tpu.dma_semaphore, #tpu.memory_space<semaphore_mem>>)
      %mul3A_151 = arith.constant 64 : i32
      %mul3A_152 = arith.muli %add3A_131, %mul3A_151 : i32
      %add3A_153 = arith.addi %mul3A_2, %mul3A_152 : i32
      %dma_start3A_154 = arith.constant 0 : i32
      %dma_start3A_155 = tpu.memref_slice %arg7[%add3A_153, %dma_start3A_154] : memref<163840x128xi32, #tpu.memory_space<hbm>> -> memref<64x128xi32, #tpu.memory_space<hbm>>
      %dma_start3A_156 = arith.constant 0 : i32
      %dma_start3A_157 = tpu.memref_slice %arg7[%add3A_153, %dma_start3A_156] : memref<163840x128xi32, #tpu.memory_space<hbm>> -> memref<64x128xi32, #tpu.memory_space<hbm>>
      tpu.enqueue_dma source(%arg15 : memref<64x128xi32, #tpu.memory_space<vmem>>) target(%dma_start3A_157 : memref<64x128xi32, #tpu.memory_space<hbm>>) target_semaphore(%arg23 : memref<!tpu.dma_semaphore, #tpu.memory_space<semaphore_mem>>)
      %add3A_158 = arith.constant 4 : i32
      %add3A_159 = arith.addi %add3A_131, %add3A_158 : i32
      %lt3A_160 = arith.constant 80 : i32
      %lt3A_161 = arith.cmpi slt, %add3A_159, %lt3A_160 : i32
      %convert_element_type3A_162 = arith.extui %lt3A_161 : i1 to i32
      %cond3A_163 = arith.constant 0 : i32
      %cond3A_164 = arith.cmpi ne, %convert_element_type3A_162, %cond3A_163 : i32
      scf.if %cond3A_164 {
        %mul3A_235 = arith.constant 64 : i32
        %mul3A_236 = arith.muli %add3A_131, %mul3A_235 : i32
        %add3A_237 = arith.addi %mul3A_2, %mul3A_236 : i32
        %dma_wait3A_238 = arith.constant 0 : i32
        %dma_wait3A_239 = tpu.memref_slice %arg6[%add3A_237, %dma_wait3A_238] : memref<163840x128xi32, #tpu.memory_space<hbm>> -> memref<64x128xi32, #tpu.memory_space<hbm>>
        %dma_wait3A_240 = arith.constant 0 : i32
        %dma_wait3A_241 = tpu.memref_slice %arg6[%add3A_237, %dma_wait3A_240] : memref<163840x128xi32, #tpu.memory_space<hbm>> -> memref<64x128xi32, #tpu.memory_space<hbm>>
        tpu.wait_dma2 semaphore(%arg23 : memref<!tpu.dma_semaphore, #tpu.memory_space<semaphore_mem>>) src(%arg11 : memref<64x128xi32, #tpu.memory_space<vmem>>) dst(%dma_wait3A_241 : memref<64x128xi32, #tpu.memory_space<hbm>>)
        %mul3A_242 = arith.constant 64 : i32
        %mul3A_243 = arith.muli %add3A_131, %mul3A_242 : i32
        %add3A_244 = arith.addi %mul3A_2, %mul3A_243 : i32
        %dma_wait3A_245 = arith.constant 0 : i32
        %dma_wait3A_246 = tpu.memref_slice %arg7[%add3A_244, %dma_wait3A_245] : memref<163840x128xi32, #tpu.memory_space<hbm>> -> memref<64x128xi32, #tpu.memory_space<hbm>>
        %dma_wait3A_247 = arith.constant 0 : i32
        %dma_wait3A_248 = tpu.memref_slice %arg7[%add3A_244, %dma_wait3A_247] : memref<163840x128xi32, #tpu.memory_space<hbm>> -> memref<64x128xi32, #tpu.memory_space<hbm>>
        tpu.wait_dma2 semaphore(%arg23 : memref<!tpu.dma_semaphore, #tpu.memory_space<semaphore_mem>>) src(%arg15 : memref<64x128xi32, #tpu.memory_space<vmem>>) dst(%dma_wait3A_248 : memref<64x128xi32, #tpu.memory_space<hbm>>)
        %add3A_249 = arith.constant 4 : i32
        %add3A_250 = arith.addi %add3A_131, %add3A_249 : i32
        %mul3A_251 = arith.constant 64 : i32
        %mul3A_252 = arith.muli %add3A_250, %mul3A_251 : i32
        %dma_start3A_253 = tpu.memref_slice %arg8[%mul3A_252] : memref<5120xi32, #tpu.memory_space<vmem>> -> memref<64xi32, #tpu.memory_space<vmem>>
        %dma_start3A_254 = arith.constant 0 : i32
        %dma_start3A_255 = arith.constant 0 : i32
        %dma_start3A_256 = tpu.memref_slice %arg2[%dma_start3A_254, %dma_start3A_255] : memref<10000x128xi32, #tpu.memory_space<hbm>> -> memref<10000x128xi32, #tpu.memory_space<hbm>>
        tpu.enqueue_indirect_dma source(%dma_start3A_256 : memref<10000x128xi32, #tpu.memory_space<hbm>>) target(%arg11 : memref<64x128xi32, #tpu.memory_space<vmem>>) offsets(%dma_start3A_253 : memref<64xi32, #tpu.memory_space<vmem>>) semaphore(%arg19 : memref<!tpu.dma_semaphore, #tpu.memory_space<semaphore_mem>>)
        %mul3A_257 = arith.constant 64 : i32
        %mul3A_258 = arith.muli %add3A_250, %mul3A_257 : i32
        %dma_start3A_259 = tpu.memref_slice %arg9[%mul3A_258] : memref<5120xi32, #tpu.memory_space<vmem>> -> memref<64xi32, #tpu.memory_space<vmem>>
        %dma_start3A_260 = arith.constant 0 : i32
        %dma_start3A_261 = arith.constant 0 : i32
        %dma_start3A_262 = tpu.memref_slice %arg3[%dma_start3A_260, %dma_start3A_261] : memref<10000x128xi32, #tpu.memory_space<hbm>> -> memref<10000x128xi32, #tpu.memory_space<hbm>>
        tpu.enqueue_indirect_dma source(%dma_start3A_262 : memref<10000x128xi32, #tpu.memory_space<hbm>>) target(%arg15 : memref<64x128xi32, #tpu.memory_space<vmem>>) offsets(%dma_start3A_259 : memref<64xi32, #tpu.memory_space<vmem>>) semaphore(%arg19 : memref<!tpu.dma_semaphore, #tpu.memory_space<semaphore_mem>>)
      } else {
      }
      %add3A_165 = arith.constant 2 : i32
      %add3A_166 = arith.addi %add3A_97, %add3A_165 : i32
      %mul3A_167 = arith.constant 64 : i32
      %mul3A_168 = arith.muli %add3A_166, %mul3A_167 : i32
      %dma_wait3A_169 = tpu.memref_slice %arg8[%mul3A_168] : memref<5120xi32, #tpu.memory_space<vmem>> -> memref<64xi32, #tpu.memory_space<vmem>>
      %dma_wait3A_170 = arith.constant 0 : i32
      %dma_wait3A_171 = arith.constant 0 : i32
      %dma_wait3A_172 = tpu.memref_slice %arg2[%dma_wait3A_170, %dma_wait3A_171] : memref<10000x128xi32, #tpu.memory_space<hbm>> -> memref<10000x128xi32, #tpu.memory_space<hbm>>
      tpu.wait_indirect_dma semaphore(%arg20 : memref<!tpu.dma_semaphore, #tpu.memory_space<semaphore_mem>>) src(%dma_wait3A_172 : memref<10000x128xi32, #tpu.memory_space<hbm>>) dst(%arg12 : memref<64x128xi32, #tpu.memory_space<vmem>>)
      %mul3A_173 = arith.constant 64 : i32
      %mul3A_174 = arith.muli %add3A_166, %mul3A_173 : i32
      %dma_wait3A_175 = tpu.memref_slice %arg9[%mul3A_174] : memref<5120xi32, #tpu.memory_space<vmem>> -> memref<64xi32, #tpu.memory_space<vmem>>
      %dma_wait3A_176 = arith.constant 0 : i32
      %dma_wait3A_177 = arith.constant 0 : i32
      %dma_wait3A_178 = tpu.memref_slice %arg3[%dma_wait3A_176, %dma_wait3A_177] : memref<10000x128xi32, #tpu.memory_space<hbm>> -> memref<10000x128xi32, #tpu.memory_space<hbm>>
      tpu.wait_indirect_dma semaphore(%arg20 : memref<!tpu.dma_semaphore, #tpu.memory_space<semaphore_mem>>) src(%dma_wait3A_178 : memref<10000x128xi32, #tpu.memory_space<hbm>>) dst(%arg16 : memref<64x128xi32, #tpu.memory_space<vmem>>)
      %mul3A_179 = arith.constant 64 : i32
      %mul3A_180 = arith.muli %add3A_166, %mul3A_179 : i32
      %add3A_181 = arith.addi %mul3A_2, %mul3A_180 : i32
      %dma_start3A_182 = arith.constant 0 : i32
      %dma_start3A_183 = tpu.memref_slice %arg6[%add3A_181, %dma_start3A_182] : memref<163840x128xi32, #tpu.memory_space<hbm>> -> memref<64x128xi32, #tpu.memory_space<hbm>>
      %dma_start3A_184 = arith.constant 0 : i32
      %dma_start3A_185 = tpu.memref_slice %arg6[%add3A_181, %dma_start3A_184] : memref<163840x128xi32, #tpu.memory_space<hbm>> -> memref<64x128xi32, #tpu.memory_space<hbm>>
      tpu.enqueue_dma source(%arg12 : memref<64x128xi32, #tpu.memory_space<vmem>>) target(%dma_start3A_185 : memref<64x128xi32, #tpu.memory_space<hbm>>) target_semaphore(%arg24 : memref<!tpu.dma_semaphore, #tpu.memory_space<semaphore_mem>>)
      %mul3A_186 = arith.constant 64 : i32
      %mul3A_187 = arith.muli %add3A_166, %mul3A_186 : i32
      %add3A_188 = arith.addi %mul3A_2, %mul3A_187 : i32
      %dma_start3A_189 = arith.constant 0 : i32
      %dma_start3A_190 = tpu.memref_slice %arg7[%add3A_188, %dma_start3A_189] : memref<163840x128xi32, #tpu.memory_space<hbm>> -> memref<64x128xi32, #tpu.memory_space<hbm>>
      %dma_start3A_191 = arith.constant 0 : i32
      %dma_start3A_192 = tpu.memref_slice %arg7[%add3A_188, %dma_start3A_191] : memref<163840x128xi32, #tpu.memory_space<hbm>> -> memref<64x128xi32, #tpu.memory_space<hbm>>
      tpu.enqueue_dma source(%arg16 : memref<64x128xi32, #tpu.memory_space<vmem>>) target(%dma_start3A_192 : memref<64x128xi32, #tpu.memory_space<hbm>>) target_semaphore(%arg24 : memref<!tpu.dma_semaphore, #tpu.memory_space<semaphore_mem>>)
      %add3A_193 = arith.constant 4 : i32
      %add3A_194 = arith.addi %add3A_166, %add3A_193 : i32
      %lt3A_195 = arith.constant 80 : i32
      %lt3A_196 = arith.cmpi slt, %add3A_194, %lt3A_195 : i32
      %convert_element_type3A_197 = arith.extui %lt3A_196 : i1 to i32
      %cond3A_198 = arith.constant 0 : i32
      %cond3A_199 = arith.cmpi ne, %convert_element_type3A_197, %cond3A_198 : i32
      scf.if %cond3A_199 {
        %mul3A_235 = arith.constant 64 : i32
        %mul3A_236 = arith.muli %add3A_166, %mul3A_235 : i32
        %add3A_237 = arith.addi %mul3A_2, %mul3A_236 : i32
        %dma_wait3A_238 = arith.constant 0 : i32
        %dma_wait3A_239 = tpu.memref_slice %arg6[%add3A_237, %dma_wait3A_238] : memref<163840x128xi32, #tpu.memory_space<hbm>> -> memref<64x128xi32, #tpu.memory_space<hbm>>
        %dma_wait3A_240 = arith.constant 0 : i32
        %dma_wait3A_241 = tpu.memref_slice %arg6[%add3A_237, %dma_wait3A_240] : memref<163840x128xi32, #tpu.memory_space<hbm>> -> memref<64x128xi32, #tpu.memory_space<hbm>>
        tpu.wait_dma2 semaphore(%arg24 : memref<!tpu.dma_semaphore, #tpu.memory_space<semaphore_mem>>) src(%arg12 : memref<64x128xi32, #tpu.memory_space<vmem>>) dst(%dma_wait3A_241 : memref<64x128xi32, #tpu.memory_space<hbm>>)
        %mul3A_242 = arith.constant 64 : i32
        %mul3A_243 = arith.muli %add3A_166, %mul3A_242 : i32
        %add3A_244 = arith.addi %mul3A_2, %mul3A_243 : i32
        %dma_wait3A_245 = arith.constant 0 : i32
        %dma_wait3A_246 = tpu.memref_slice %arg7[%add3A_244, %dma_wait3A_245] : memref<163840x128xi32, #tpu.memory_space<hbm>> -> memref<64x128xi32, #tpu.memory_space<hbm>>
        %dma_wait3A_247 = arith.constant 0 : i32
        %dma_wait3A_248 = tpu.memref_slice %arg7[%add3A_244, %dma_wait3A_247] : memref<163840x128xi32, #tpu.memory_space<hbm>> -> memref<64x128xi32, #tpu.memory_space<hbm>>
        tpu.wait_dma2 semaphore(%arg24 : memref<!tpu.dma_semaphore, #tpu.memory_space<semaphore_mem>>) src(%arg16 : memref<64x128xi32, #tpu.memory_space<vmem>>) dst(%dma_wait3A_248 : memref<64x128xi32, #tpu.memory_space<hbm>>)
        %add3A_249 = arith.constant 4 : i32
        %add3A_250 = arith.addi %add3A_166, %add3A_249 : i32
        %mul3A_251 = arith.constant 64 : i32
        %mul3A_252 = arith.muli %add3A_250, %mul3A_251 : i32
        %dma_start3A_253 = tpu.memref_slice %arg8[%mul3A_252] : memref<5120xi32, #tpu.memory_space<vmem>> -> memref<64xi32, #tpu.memory_space<vmem>>
        %dma_start3A_254 = arith.constant 0 : i32
        %dma_start3A_255 = arith.constant 0 : i32
        %dma_start3A_256 = tpu.memref_slice %arg2[%dma_start3A_254, %dma_start3A_255] : memref<10000x128xi32, #tpu.memory_space<hbm>> -> memref<10000x128xi32, #tpu.memory_space<hbm>>
        tpu.enqueue_indirect_dma source(%dma_start3A_256 : memref<10000x128xi32, #tpu.memory_space<hbm>>) target(%arg12 : memref<64x128xi32, #tpu.memory_space<vmem>>) offsets(%dma_start3A_253 : memref<64xi32, #tpu.memory_space<vmem>>) semaphore(%arg20 : memref<!tpu.dma_semaphore, #tpu.memory_space<semaphore_mem>>)
        %mul3A_257 = arith.constant 64 : i32
        %mul3A_258 = arith.muli %add3A_250, %mul3A_257 : i32
        %dma_start3A_259 = tpu.memref_slice %arg9[%mul3A_258] : memref<5120xi32, #tpu.memory_space<vmem>> -> memref<64xi32, #tpu.memory_space<vmem>>
        %dma_start3A_260 = arith.constant 0 : i32
        %dma_start3A_261 = arith.constant 0 : i32
        %dma_start3A_262 = tpu.memref_slice %arg3[%dma_start3A_260, %dma_start3A_261] : memref<10000x128xi32, #tpu.memory_space<hbm>> -> memref<10000x128xi32, #tpu.memory_space<hbm>>
        tpu.enqueue_indirect_dma source(%dma_start3A_262 : memref<10000x128xi32, #tpu.memory_space<hbm>>) target(%arg16 : memref<64x128xi32, #tpu.memory_space<vmem>>) offsets(%dma_start3A_259 : memref<64xi32, #tpu.memory_space<vmem>>) semaphore(%arg20 : memref<!tpu.dma_semaphore, #tpu.memory_space<semaphore_mem>>)
      } else {
      }
      %add3A_200 = arith.constant 3 : i32
      %add3A_201 = arith.addi %add3A_97, %add3A_200 : i32
      %mul3A_202 = arith.constant 64 : i32
      %mul3A_203 = arith.muli %add3A_201, %mul3A_202 : i32
      %dma_wait3A_204 = tpu.memref_slice %arg8[%mul3A_203] : memref<5120xi32, #tpu.memory_space<vmem>> -> memref<64xi32, #tpu.memory_space<vmem>>
      %dma_wait3A_205 = arith.constant 0 : i32
      %dma_wait3A_206 = arith.constant 0 : i32
      %dma_wait3A_207 = tpu.memref_slice %arg2[%dma_wait3A_205, %dma_wait3A_206] : memref<10000x128xi32, #tpu.memory_space<hbm>> -> memref<10000x128xi32, #tpu.memory_space<hbm>>
      tpu.wait_indirect_dma semaphore(%arg21 : memref<!tpu.dma_semaphore, #tpu.memory_space<semaphore_mem>>) src(%dma_wait3A_207 : memref<10000x128xi32, #tpu.memory_space<hbm>>) dst(%arg13 : memref<64x128xi32, #tpu.memory_space<vmem>>)
      %mul3A_208 = arith.constant 64 : i32
      %mul3A_209 = arith.muli %add3A_201, %mul3A_208 : i32
      %dma_wait3A_210 = tpu.memref_slice %arg9[%mul3A_209] : memref<5120xi32, #tpu.memory_space<vmem>> -> memref<64xi32, #tpu.memory_space<vmem>>
      %dma_wait3A_211 = arith.constant 0 : i32
      %dma_wait3A_212 = arith.constant 0 : i32
      %dma_wait3A_213 = tpu.memref_slice %arg3[%dma_wait3A_211, %dma_wait3A_212] : memref<10000x128xi32, #tpu.memory_space<hbm>> -> memref<10000x128xi32, #tpu.memory_space<hbm>>
      tpu.wait_indirect_dma semaphore(%arg21 : memref<!tpu.dma_semaphore, #tpu.memory_space<semaphore_mem>>) src(%dma_wait3A_213 : memref<10000x128xi32, #tpu.memory_space<hbm>>) dst(%arg17 : memref<64x128xi32, #tpu.memory_space<vmem>>)
      %mul3A_214 = arith.constant 64 : i32
      %mul3A_215 = arith.muli %add3A_201, %mul3A_214 : i32
      %add3A_216 = arith.addi %mul3A_2, %mul3A_215 : i32
      %dma_start3A_217 = arith.constant 0 : i32
      %dma_start3A_218 = tpu.memref_slice %arg6[%add3A_216, %dma_start3A_217] : memref<163840x128xi32, #tpu.memory_space<hbm>> -> memref<64x128xi32, #tpu.memory_space<hbm>>
      %dma_start3A_219 = arith.constant 0 : i32
      %dma_start3A_220 = tpu.memref_slice %arg6[%add3A_216, %dma_start3A_219] : memref<163840x128xi32, #tpu.memory_space<hbm>> -> memref<64x128xi32, #tpu.memory_space<hbm>>
      tpu.enqueue_dma source(%arg13 : memref<64x128xi32, #tpu.memory_space<vmem>>) target(%dma_start3A_220 : memref<64x128xi32, #tpu.memory_space<hbm>>) target_semaphore(%arg25 : memref<!tpu.dma_semaphore, #tpu.memory_space<semaphore_mem>>)
      %mul3A_221 = arith.constant 64 : i32
      %mul3A_222 = arith.muli %add3A_201, %mul3A_221 : i32
      %add3A_223 = arith.addi %mul3A_2, %mul3A_222 : i32
      %dma_start3A_224 = arith.constant 0 : i32
      %dma_start3A_225 = tpu.memref_slice %arg7[%add3A_223, %dma_start3A_224] : memref<163840x128xi32, #tpu.memory_space<hbm>> -> memref<64x128xi32, #tpu.memory_space<hbm>>
      %dma_start3A_226 = arith.constant 0 : i32
      %dma_start3A_227 = tpu.memref_slice %arg7[%add3A_223, %dma_start3A_226] : memref<163840x128xi32, #tpu.memory_space<hbm>> -> memref<64x128xi32, #tpu.memory_space<hbm>>
      tpu.enqueue_dma source(%arg17 : memref<64x128xi32, #tpu.memory_space<vmem>>) target(%dma_start3A_227 : memref<64x128xi32, #tpu.memory_space<hbm>>) target_semaphore(%arg25 : memref<!tpu.dma_semaphore, #tpu.memory_space<semaphore_mem>>)
      %add3A_228 = arith.constant 4 : i32
      %add3A_229 = arith.addi %add3A_201, %add3A_228 : i32
      %lt3A_230 = arith.constant 80 : i32
      %lt3A_231 = arith.cmpi slt, %add3A_229, %lt3A_230 : i32
      %convert_element_type3A_232 = arith.extui %lt3A_231 : i1 to i32
      %cond3A_233 = arith.constant 0 : i32
      %cond3A_234 = arith.cmpi ne, %convert_element_type3A_232, %cond3A_233 : i32
      scf.if %cond3A_234 {
        %mul3A_235 = arith.constant 64 : i32
        %mul3A_236 = arith.muli %add3A_201, %mul3A_235 : i32
        %add3A_237 = arith.addi %mul3A_2, %mul3A_236 : i32
        %dma_wait3A_238 = arith.constant 0 : i32
        %dma_wait3A_239 = tpu.memref_slice %arg6[%add3A_237, %dma_wait3A_238] : memref<163840x128xi32, #tpu.memory_space<hbm>> -> memref<64x128xi32, #tpu.memory_space<hbm>>
        %dma_wait3A_240 = arith.constant 0 : i32
        %dma_wait3A_241 = tpu.memref_slice %arg6[%add3A_237, %dma_wait3A_240] : memref<163840x128xi32, #tpu.memory_space<hbm>> -> memref<64x128xi32, #tpu.memory_space<hbm>>
        tpu.wait_dma2 semaphore(%arg25 : memref<!tpu.dma_semaphore, #tpu.memory_space<semaphore_mem>>) src(%arg13 : memref<64x128xi32, #tpu.memory_space<vmem>>) dst(%dma_wait3A_241 : memref<64x128xi32, #tpu.memory_space<hbm>>)
        %mul3A_242 = arith.constant 64 : i32
        %mul3A_243 = arith.muli %add3A_201, %mul3A_242 : i32
        %add3A_244 = arith.addi %mul3A_2, %mul3A_243 : i32
        %dma_wait3A_245 = arith.constant 0 : i32
        %dma_wait3A_246 = tpu.memref_slice %arg7[%add3A_244, %dma_wait3A_245] : memref<163840x128xi32, #tpu.memory_space<hbm>> -> memref<64x128xi32, #tpu.memory_space<hbm>>
        %dma_wait3A_247 = arith.constant 0 : i32
        %dma_wait3A_248 = tpu.memref_slice %arg7[%add3A_244, %dma_wait3A_247] : memref<163840x128xi32, #tpu.memory_space<hbm>> -> memref<64x128xi32, #tpu.memory_space<hbm>>
        tpu.wait_dma2 semaphore(%arg25 : memref<!tpu.dma_semaphore, #tpu.memory_space<semaphore_mem>>) src(%arg17 : memref<64x128xi32, #tpu.memory_space<vmem>>) dst(%dma_wait3A_248 : memref<64x128xi32, #tpu.memory_space<hbm>>)
        %add3A_249 = arith.constant 4 : i32
        %add3A_250 = arith.addi %add3A_201, %add3A_249 : i32
        %mul3A_251 = arith.constant 64 : i32
        %mul3A_252 = arith.muli %add3A_250, %mul3A_251 : i32
        %dma_start3A_253 = tpu.memref_slice %arg8[%mul3A_252] : memref<5120xi32, #tpu.memory_space<vmem>> -> memref<64xi32, #tpu.memory_space<vmem>>
        %dma_start3A_254 = arith.constant 0 : i32
        %dma_start3A_255 = arith.constant 0 : i32
        %dma_start3A_256 = tpu.memref_slice %arg2[%dma_start3A_254, %dma_start3A_255] : memref<10000x128xi32, #tpu.memory_space<hbm>> -> memref<10000x128xi32, #tpu.memory_space<hbm>>
        tpu.enqueue_indirect_dma source(%dma_start3A_256 : memref<10000x128xi32, #tpu.memory_space<hbm>>) target(%arg13 : memref<64x128xi32, #tpu.memory_space<vmem>>) offsets(%dma_start3A_253 : memref<64xi32, #tpu.memory_space<vmem>>) semaphore(%arg21 : memref<!tpu.dma_semaphore, #tpu.memory_space<semaphore_mem>>)
        %mul3A_257 = arith.constant 64 : i32
        %mul3A_258 = arith.muli %add3A_250, %mul3A_257 : i32
        %dma_start3A_259 = tpu.memref_slice %arg9[%mul3A_258] : memref<5120xi32, #tpu.memory_space<vmem>> -> memref<64xi32, #tpu.memory_space<vmem>>
        %dma_start3A_260 = arith.constant 0 : i32
        %dma_start3A_261 = arith.constant 0 : i32
        %dma_start3A_262 = tpu.memref_slice %arg3[%dma_start3A_260, %dma_start3A_261] : memref<10000x128xi32, #tpu.memory_space<hbm>> -> memref<10000x128xi32, #tpu.memory_space<hbm>>
        tpu.enqueue_indirect_dma source(%dma_start3A_262 : memref<10000x128xi32, #tpu.memory_space<hbm>>) target(%arg17 : memref<64x128xi32, #tpu.memory_space<vmem>>) offsets(%dma_start3A_259 : memref<64xi32, #tpu.memory_space<vmem>>) semaphore(%arg21 : memref<!tpu.dma_semaphore, #tpu.memory_space<semaphore_mem>>)
      } else {
      }
    }
    %scan3A_45 = arith.constant 20 : i32
    %add3A_46 = arith.constant 4864 : i32
    %add3A_47 = arith.addi %mul3A_2, %add3A_46 : i32
    %dma_wait3A = arith.constant 0 : i32
    %dma_wait3A_48 = tpu.memref_slice %arg6[%add3A_47, %dma_wait3A] : memref<163840x128xi32, #tpu.memory_space<hbm>> -> memref<64x128xi32, #tpu.memory_space<hbm>>
    %dma_wait3A_49 = arith.constant 0 : i32
    %dma_wait3A_50 = tpu.memref_slice %arg6[%add3A_47, %dma_wait3A_49] : memref<163840x128xi32, #tpu.memory_space<hbm>> -> memref<64x128xi32, #tpu.memory_space<hbm>>
    tpu.wait_dma2 semaphore(%arg22 : memref<!tpu.dma_semaphore, #tpu.memory_space<semaphore_mem>>) src(%arg10 : memref<64x128xi32, #tpu.memory_space<vmem>>) dst(%dma_wait3A_50 : memref<64x128xi32, #tpu.memory_space<hbm>>)
    %add3A_51 = arith.constant 4864 : i32
    %add3A_52 = arith.addi %mul3A_2, %add3A_51 : i32
    %dma_wait3A_53 = arith.constant 0 : i32
    %dma_wait3A_54 = tpu.memref_slice %arg7[%add3A_52, %dma_wait3A_53] : memref<163840x128xi32, #tpu.memory_space<hbm>> -> memref<64x128xi32, #tpu.memory_space<hbm>>
    %dma_wait3A_55 = arith.constant 0 : i32
    %dma_wait3A_56 = tpu.memref_slice %arg7[%add3A_52, %dma_wait3A_55] : memref<163840x128xi32, #tpu.memory_space<hbm>> -> memref<64x128xi32, #tpu.memory_space<hbm>>
    tpu.wait_dma2 semaphore(%arg22 : memref<!tpu.dma_semaphore, #tpu.memory_space<semaphore_mem>>) src(%arg14 : memref<64x128xi32, #tpu.memory_space<vmem>>) dst(%dma_wait3A_56 : memref<64x128xi32, #tpu.memory_space<hbm>>)
    %add3A_57 = arith.constant 4928 : i32
    %add3A_58 = arith.addi %mul3A_2, %add3A_57 : i32
    %dma_wait3A_59 = arith.constant 0 : i32
    %dma_wait3A_60 = tpu.memref_slice %arg6[%add3A_58, %dma_wait3A_59] : memref<163840x128xi32, #tpu.memory_space<hbm>> -> memref<64x128xi32, #tpu.memory_space<hbm>>
    %dma_wait3A_61 = arith.constant 0 : i32
    %dma_wait3A_62 = tpu.memref_slice %arg6[%add3A_58, %dma_wait3A_61] : memref<163840x128xi32, #tpu.memory_space<hbm>> -> memref<64x128xi32, #tpu.memory_space<hbm>>
    tpu.wait_dma2 semaphore(%arg23 : memref<!tpu.dma_semaphore, #tpu.memory_space<semaphore_mem>>) src(%arg11 : memref<64x128xi32, #tpu.memory_space<vmem>>) dst(%dma_wait3A_62 : memref<64x128xi32, #tpu.memory_space<hbm>>)
    %add3A_63 = arith.constant 4928 : i32
    %add3A_64 = arith.addi %mul3A_2, %add3A_63 : i32
    %dma_wait3A_65 = arith.constant 0 : i32
    %dma_wait3A_66 = tpu.memref_slice %arg7[%add3A_64, %dma_wait3A_65] : memref<163840x128xi32, #tpu.memory_space<hbm>> -> memref<64x128xi32, #tpu.memory_space<hbm>>
    %dma_wait3A_67 = arith.constant 0 : i32
    %dma_wait3A_68 = tpu.memref_slice %arg7[%add3A_64, %dma_wait3A_67] : memref<163840x128xi32, #tpu.memory_space<hbm>> -> memref<64x128xi32, #tpu.memory_space<hbm>>
    tpu.wait_dma2 semaphore(%arg23 : memref<!tpu.dma_semaphore, #tpu.memory_space<semaphore_mem>>) src(%arg15 : memref<64x128xi32, #tpu.memory_space<vmem>>) dst(%dma_wait3A_68 : memref<64x128xi32, #tpu.memory_space<hbm>>)
    %add3A_69 = arith.constant 4992 : i32
    %add3A_70 = arith.addi %mul3A_2, %add3A_69 : i32
    %dma_wait3A_71 = arith.constant 0 : i32
    %dma_wait3A_72 = tpu.memref_slice %arg6[%add3A_70, %dma_wait3A_71] : memref<163840x128xi32, #tpu.memory_space<hbm>> -> memref<64x128xi32, #tpu.memory_space<hbm>>
    %dma_wait3A_73 = arith.constant 0 : i32
    %dma_wait3A_74 = tpu.memref_slice %arg6[%add3A_70, %dma_wait3A_73] : memref<163840x128xi32, #tpu.memory_space<hbm>> -> memref<64x128xi32, #tpu.memory_space<hbm>>
    tpu.wait_dma2 semaphore(%arg24 : memref<!tpu.dma_semaphore, #tpu.memory_space<semaphore_mem>>) src(%arg12 : memref<64x128xi32, #tpu.memory_space<vmem>>) dst(%dma_wait3A_74 : memref<64x128xi32, #tpu.memory_space<hbm>>)
    %add3A_75 = arith.constant 4992 : i32
    %add3A_76 = arith.addi %mul3A_2, %add3A_75 : i32
    %dma_wait3A_77 = arith.constant 0 : i32
    %dma_wait3A_78 = tpu.memref_slice %arg7[%add3A_76, %dma_wait3A_77] : memref<163840x128xi32, #tpu.memory_space<hbm>> -> memref<64x128xi32, #tpu.memory_space<hbm>>
    %dma_wait3A_79 = arith.constant 0 : i32
    %dma_wait3A_80 = tpu.memref_slice %arg7[%add3A_76, %dma_wait3A_79] : memref<163840x128xi32, #tpu.memory_space<hbm>> -> memref<64x128xi32, #tpu.memory_space<hbm>>
    tpu.wait_dma2 semaphore(%arg24 : memref<!tpu.dma_semaphore, #tpu.memory_space<semaphore_mem>>) src(%arg16 : memref<64x128xi32, #tpu.memory_space<vmem>>) dst(%dma_wait3A_80 : memref<64x128xi32, #tpu.memory_space<hbm>>)
    %add3A_81 = arith.constant 5056 : i32
    %add3A_82 = arith.addi %mul3A_2, %add3A_81 : i32
    %dma_wait3A_83 = arith.constant 0 : i32
    %dma_wait3A_84 = tpu.memref_slice %arg6[%add3A_82, %dma_wait3A_83] : memref<163840x128xi32, #tpu.memory_space<hbm>> -> memref<64x128xi32, #tpu.memory_space<hbm>>
    %dma_wait3A_85 = arith.constant 0 : i32
    %dma_wait3A_86 = tpu.memref_slice %arg6[%add3A_82, %dma_wait3A_85] : memref<163840x128xi32, #tpu.memory_space<hbm>> -> memref<64x128xi32, #tpu.memory_space<hbm>>
    tpu.wait_dma2 semaphore(%arg25 : memref<!tpu.dma_semaphore, #tpu.memory_space<semaphore_mem>>) src(%arg13 : memref<64x128xi32, #tpu.memory_space<vmem>>) dst(%dma_wait3A_86 : memref<64x128xi32, #tpu.memory_space<hbm>>)
    %add3A_87 = arith.constant 5056 : i32
    %add3A_88 = arith.addi %mul3A_2, %add3A_87 : i32
    %dma_wait3A_89 = arith.constant 0 : i32
    %dma_wait3A_90 = tpu.memref_slice %arg7[%add3A_88, %dma_wait3A_89] : memref<163840x128xi32, #tpu.memory_space<hbm>> -> memref<64x128xi32, #tpu.memory_space<hbm>>
    %dma_wait3A_91 = arith.constant 0 : i32
    %dma_wait3A_92 = tpu.memref_slice %arg7[%add3A_88, %dma_wait3A_91] : memref<163840x128xi32, #tpu.memory_space<hbm>> -> memref<64x128xi32, #tpu.memory_space<hbm>>
    tpu.wait_dma2 semaphore(%arg25 : memref<!tpu.dma_semaphore, #tpu.memory_space<semaphore_mem>>) src(%arg17 : memref<64x128xi32, #tpu.memory_space<vmem>>) dst(%dma_wait3A_92 : memref<64x128xi32, #tpu.memory_space<hbm>>)
    return
  }
}

module attributes {stable_mosaic.version = 14 : i64} {
  func.func @_proj_body(%arg0: memref<10000x128xf32, #tpu.memory_space<vmem>>, %arg1: memref<128x256xf32, #tpu.memory_space<vmem>>, %arg2: memref<128x256xf32, #tpu.memory_space<vmem>>, %arg3: memref<10000x128xi32, #tpu.memory_space<vmem>>, %arg4: memref<10000x128xi32, #tpu.memory_space<vmem>>) attributes {dimension_semantics = [], scalar_prefetch = 0 : i64, scratch_operands = 0 : i64, tpu.core_type = #tpu.core_type<tc>} {
    %get3A = arith.constant 0 : index
    %get3A_0 = arith.constant 0 : index
    %get3A_1 = vector.load %arg0[%get3A, %get3A_0] : memref<10000x128xf32, #tpu.memory_space<vmem>>, vector<10000x128xf32>
    %get3A_2 = arith.constant 0 : index
    %get3A_3 = arith.constant 0 : index
    %get3A_4 = vector.load %arg1[%get3A_2, %get3A_3] : memref<128x256xf32, #tpu.memory_space<vmem>>, vector<128x256xf32>
    %dot_general3A = arith.constant dense<0.000000e+00> : vector<10000x256xf32>
    %dot_general3A_5 = tpu.matmul %get3A_1, %get3A_4, %dot_general3A {dimension_numbers = #tpu.dot_dimension_numbers<[1], [0], [0], [1], [0, 0, 1, 1], [], []>, transpose_lhs_hint = false} : vector<10000x128xf32>, vector<128x256xf32>, vector<10000x256xf32> -> vector<10000x256xf32>
    %slice3A = vector.extract_strided_slice %dot_general3A_5 {offsets = [0, 0], sizes = [10000, 128], strides = [1, 1]} : vector<10000x256xf32> to vector<10000x128xf32>
    %bitcast_convert_type3A = tpu.bitcast %slice3A : vector<10000x128xf32> -> vector<10000x128xi32>
    %slice3A_6 = vector.extract_strided_slice %dot_general3A_5 {offsets = [0, 128], sizes = [10000, 128], strides = [1, 1]} : vector<10000x256xf32> to vector<10000x128xf32>
    %bitcast_convert_type3A_7 = tpu.bitcast %slice3A_6 : vector<10000x128xf32> -> vector<10000x128xi32>
    %add3A = arith.constant 32767 : i32
    %add3A_8 = vector.broadcast %add3A : i32 to vector<10000x128xi32>
    %add3A_9 = arith.addi %bitcast_convert_type3A, %add3A_8 : vector<10000x128xi32>
    %shift_right_arithmetic3A = arith.constant 16 : i32
    %shift_right_arithmetic3A_10 = vector.broadcast %shift_right_arithmetic3A : i32 to vector<10000x128xi32>
    %shift_right_arithmetic3A_11 = arith.shrsi %bitcast_convert_type3A, %shift_right_arithmetic3A_10 : vector<10000x128xi32>
    %and3A = arith.constant 1 : i32
    %and3A_12 = vector.broadcast %and3A : i32 to vector<10000x128xi32>
    %and3A_13 = arith.andi %shift_right_arithmetic3A_11, %and3A_12 : vector<10000x128xi32>
    %add3A_14 = arith.addi %add3A_9, %and3A_13 : vector<10000x128xi32>
    %add3A_15 = arith.constant 32767 : i32
    %add3A_16 = vector.broadcast %add3A_15 : i32 to vector<10000x128xi32>
    %add3A_17 = arith.addi %bitcast_convert_type3A_7, %add3A_16 : vector<10000x128xi32>
    %shift_right_arithmetic3A_18 = arith.constant 16 : i32
    %shift_right_arithmetic3A_19 = vector.broadcast %shift_right_arithmetic3A_18 : i32 to vector<10000x128xi32>
    %shift_right_arithmetic3A_20 = arith.shrsi %bitcast_convert_type3A_7, %shift_right_arithmetic3A_19 : vector<10000x128xi32>
    %and3A_21 = arith.constant 1 : i32
    %and3A_22 = vector.broadcast %and3A_21 : i32 to vector<10000x128xi32>
    %and3A_23 = arith.andi %shift_right_arithmetic3A_20, %and3A_22 : vector<10000x128xi32>
    %add3A_24 = arith.addi %add3A_17, %and3A_23 : vector<10000x128xi32>
    %and3A_25 = arith.constant -65536 : i32
    %and3A_26 = vector.broadcast %and3A_25 : i32 to vector<10000x128xi32>
    %and3A_27 = arith.andi %add3A_14, %and3A_26 : vector<10000x128xi32>
    %shift_right_logical3A = arith.constant 16 : i32
    %shift_right_logical3A_28 = vector.broadcast %shift_right_logical3A : i32 to vector<10000x128xi32>
    %shift_right_logical3A_29 = arith.shrui %add3A_24, %shift_right_logical3A_28 : vector<10000x128xi32>
    %or3A = arith.ori %and3A_27, %shift_right_logical3A_29 : vector<10000x128xi32>
    %swap3A = arith.constant 0 : index
    %swap3A_30 = arith.constant 0 : index
    %swap3A_31 = vector.load %arg3[%swap3A, %swap3A_30] : memref<10000x128xi32, #tpu.memory_space<vmem>>, vector<10000x128xi32>
    tpu.vector_store %arg3[%swap3A, %swap3A_30], %or3A {strides = array<i32>} : memref<10000x128xi32, #tpu.memory_space<vmem>>, vector<10000x128xi32>,
    %get3A_32 = arith.constant 0 : index
    %get3A_33 = arith.constant 0 : index
    %get3A_34 = vector.load %arg2[%get3A_32, %get3A_33] : memref<128x256xf32, #tpu.memory_space<vmem>>, vector<128x256xf32>
    %dot_general3A_35 = arith.constant dense<0.000000e+00> : vector<10000x256xf32>
    %dot_general3A_36 = tpu.matmul %get3A_1, %get3A_34, %dot_general3A_35 {dimension_numbers = #tpu.dot_dimension_numbers<[1], [0], [0], [1], [0, 0, 1, 1], [], []>, transpose_lhs_hint = false} : vector<10000x128xf32>, vector<128x256xf32>, vector<10000x256xf32> -> vector<10000x256xf32>
    %slice3A_37 = vector.extract_strided_slice %dot_general3A_36 {offsets = [0, 0], sizes = [10000, 128], strides = [1, 1]} : vector<10000x256xf32> to vector<10000x128xf32>
    %bitcast_convert_type3A_38 = tpu.bitcast %slice3A_37 : vector<10000x128xf32> -> vector<10000x128xi32>
    %slice3A_39 = vector.extract_strided_slice %dot_general3A_36 {offsets = [0, 128], sizes = [10000, 128], strides = [1, 1]} : vector<10000x256xf32> to vector<10000x128xf32>
    %bitcast_convert_type3A_40 = tpu.bitcast %slice3A_39 : vector<10000x128xf32> -> vector<10000x128xi32>
    %add3A_41 = arith.constant 32767 : i32
    %add3A_42 = vector.broadcast %add3A_41 : i32 to vector<10000x128xi32>
    %add3A_43 = arith.addi %bitcast_convert_type3A_38, %add3A_42 : vector<10000x128xi32>
    %shift_right_arithmetic3A_44 = arith.constant 16 : i32
    %shift_right_arithmetic3A_45 = vector.broadcast %shift_right_arithmetic3A_44 : i32 to vector<10000x128xi32>
    %shift_right_arithmetic3A_46 = arith.shrsi %bitcast_convert_type3A_38, %shift_right_arithmetic3A_45 : vector<10000x128xi32>
    %and3A_47 = arith.constant 1 : i32
    %and3A_48 = vector.broadcast %and3A_47 : i32 to vector<10000x128xi32>
    %and3A_49 = arith.andi %shift_right_arithmetic3A_46, %and3A_48 : vector<10000x128xi32>
    %add3A_50 = arith.addi %add3A_43, %and3A_49 : vector<10000x128xi32>
    %add3A_51 = arith.constant 32767 : i32
    %add3A_52 = vector.broadcast %add3A_51 : i32 to vector<10000x128xi32>
    %add3A_53 = arith.addi %bitcast_convert_type3A_40, %add3A_52 : vector<10000x128xi32>
    %shift_right_arithmetic3A_54 = arith.constant 16 : i32
    %shift_right_arithmetic3A_55 = vector.broadcast %shift_right_arithmetic3A_54 : i32 to vector<10000x128xi32>
    %shift_right_arithmetic3A_56 = arith.shrsi %bitcast_convert_type3A_40, %shift_right_arithmetic3A_55 : vector<10000x128xi32>
    %and3A_57 = arith.constant 1 : i32
    %and3A_58 = vector.broadcast %and3A_57 : i32 to vector<10000x128xi32>
    %and3A_59 = arith.andi %shift_right_arithmetic3A_56, %and3A_58 : vector<10000x128xi32>
    %add3A_60 = arith.addi %add3A_53, %and3A_59 : vector<10000x128xi32>
    %and3A_61 = arith.constant -65536 : i32
    %and3A_62 = vector.broadcast %and3A_61 : i32 to vector<10000x128xi32>
    %and3A_63 = arith.andi %add3A_50, %and3A_62 : vector<10000x128xi32>
    %shift_right_logical3A_64 = arith.constant 16 : i32
    %shift_right_logical3A_65 = vector.broadcast %shift_right_logical3A_64 : i32 to vector<10000x128xi32>
    %shift_right_logical3A_66 = arith.shrui %add3A_60, %shift_right_logical3A_65 : vector<10000x128xi32>
    %or3A_67 = arith.ori %and3A_63, %shift_right_logical3A_66 : vector<10000x128xi32>
    %swap3A_68 = arith.constant 0 : index
    %swap3A_69 = arith.constant 0 : index
    %swap3A_70 = vector.load %arg4[%swap3A_68, %swap3A_69] : memref<10000x128xi32, #tpu.memory_space<vmem>>, vector<10000x128xi32>
    tpu.vector_store %arg4[%swap3A_68, %swap3A_69], %or3A_67 {strides = array<i32>} : memref<10000x128xi32, #tpu.memory_space<vmem>>, vector<10000x128xi32>,
    return
  }
}

module attributes {stable_mosaic.version = 14 : i64} {
  func.func @_mlp_body(%arg0: i32, %arg1: memref<2048x128xi32, #tpu.memory_space<vmem>>, %arg2: memref<2048x128xi32, #tpu.memory_space<vmem>>, %arg3: memref<2048x16xf32, #tpu.memory_space<vmem>>, %arg4: memref<16x128xf32, #tpu.memory_space<vmem>>, %arg5: memref<16x128xf32, #tpu.memory_space<vmem>>, %arg6: memref<1x128xf32, #tpu.memory_space<vmem>>, %arg7: memref<1x128xf32, #tpu.memory_space<vmem>>, %arg8: memref<2048x128xf32, #tpu.memory_space<vmem>>) attributes {dimension_semantics = [#tpu.dimension_semantics<parallel>], iteration_bounds = array<i64: 80>, scalar_prefetch = 0 : i64, scratch_operands = 0 : i64, tpu.core_type = #tpu.core_type<tc>, window_params = [{transform_indices = @transform_0, window_bounds = array<i64: 2048, 128>}, {transform_indices = @transform_1, window_bounds = array<i64: 2048, 128>}, {transform_indices = @transform_2, window_bounds = array<i64: 2048, 16>}, {pipeline_mode = #tpu.pipeline_mode<synchronous>, transform_indices = @transform_3, window_bounds = array<i64: 16, 128>}, {pipeline_mode = #tpu.pipeline_mode<synchronous>, transform_indices = @transform_4, window_bounds = array<i64: 16, 128>}, {pipeline_mode = #tpu.pipeline_mode<synchronous>, transform_indices = @transform_5, window_bounds = array<i64: 1, 128>}, {pipeline_mode = #tpu.pipeline_mode<synchronous>, transform_indices = @transform_6, window_bounds = array<i64: 1, 128>}, {transform_indices = @transform_7, window_bounds = array<i64: 2048, 128>}]} {
    %get3A = arith.constant 0 : index
    %get3A_0 = arith.constant 0 : index
    %get3A_1 = vector.load %arg1[%get3A, %get3A_0] : memref<2048x128xi32, #tpu.memory_space<vmem>>, vector<2048x128xi32>
    %get3A_2 = arith.constant 0 : index
    %get3A_3 = arith.constant 0 : index
    %get3A_4 = vector.load %arg2[%get3A_2, %get3A_3] : memref<2048x128xi32, #tpu.memory_space<vmem>>, vector<2048x128xi32>
    %get3A_5 = arith.constant 0 : index
    %get3A_6 = arith.constant 0 : index
    %get3A_7 = vector.load %arg3[%get3A_5, %get3A_6] : memref<2048x16xf32, #tpu.memory_space<vmem>>, vector<2048x16xf32>
    %get3A_8 = arith.constant 0 : index
    %get3A_9 = arith.constant 0 : index
    %get3A_10 = vector.load %arg4[%get3A_8, %get3A_9] : memref<16x128xf32, #tpu.memory_space<vmem>>, vector<16x128xf32>
    %dot_general3A = arith.constant dense<0.000000e+00> : vector<2048x128xf32>
    %dot_general3A_11 = tpu.matmul %get3A_7, %get3A_10, %dot_general3A {dimension_numbers = #tpu.dot_dimension_numbers<[1], [0], [0], [1], [0, 0, 1, 1], [], []>, transpose_lhs_hint = false} : vector<2048x16xf32>, vector<16x128xf32>, vector<2048x128xf32> -> vector<2048x128xf32>
    %get3A_12 = arith.constant 0 : index
    %get3A_13 = arith.constant 0 : index
    %get3A_14 = vector.load %arg5[%get3A_12, %get3A_13] : memref<16x128xf32, #tpu.memory_space<vmem>>, vector<16x128xf32>
    %dot_general3A_15 = arith.constant dense<0.000000e+00> : vector<2048x128xf32>
    %dot_general3A_16 = tpu.matmul %get3A_7, %get3A_14, %dot_general3A_15 {dimension_numbers = #tpu.dot_dimension_numbers<[1], [0], [0], [1], [0, 0, 1, 1], [], []>, transpose_lhs_hint = false} : vector<2048x16xf32>, vector<16x128xf32>, vector<2048x128xf32> -> vector<2048x128xf32>
    %and3A = arith.constant -65536 : i32
    %and3A_17 = vector.broadcast %and3A : i32 to vector<2048x128xi32>
    %and3A_18 = arith.andi %get3A_1, %and3A_17 : vector<2048x128xi32>
    %bitcast_convert_type3A = tpu.bitcast %and3A_18 : vector<2048x128xi32> -> vector<2048x128xf32>
    %and3A_19 = arith.constant -65536 : i32
    %and3A_20 = vector.broadcast %and3A_19 : i32 to vector<2048x128xi32>
    %and3A_21 = arith.andi %get3A_4, %and3A_20 : vector<2048x128xi32>
    %bitcast_convert_type3A_22 = tpu.bitcast %and3A_21 : vector<2048x128xi32> -> vector<2048x128xf32>
    %add3A = arith.addf %bitcast_convert_type3A, %bitcast_convert_type3A_22 : vector<2048x128xf32>
    %add3A_23 = arith.addf %add3A, %dot_general3A_11 : vector<2048x128xf32>
    %get3A_24 = arith.constant 0 : index
    %get3A_25 = arith.constant 0 : index
    %get3A_26 = vector.load %arg6[%get3A_24, %get3A_25] : memref<1x128xf32, #tpu.memory_space<vmem>>, vector<1x128xf32>
    %add3A_27 = vector.broadcast %get3A_26 : vector<1x128xf32> to vector<2048x128xf32>
    %add3A_28 = arith.addf %add3A_23, %add3A_27 : vector<2048x128xf32>
    %shift_left3A = arith.constant 16 : i32
    %shift_left3A_29 = vector.broadcast %shift_left3A : i32 to vector<2048x128xi32>
    %shift_left3A_30 = arith.shli %get3A_1, %shift_left3A_29 : vector<2048x128xi32>
    %bitcast_convert_type3A_31 = tpu.bitcast %shift_left3A_30 : vector<2048x128xi32> -> vector<2048x128xf32>
    %shift_left3A_32 = arith.constant 16 : i32
    %shift_left3A_33 = vector.broadcast %shift_left3A_32 : i32 to vector<2048x128xi32>
    %shift_left3A_34 = arith.shli %get3A_4, %shift_left3A_33 : vector<2048x128xi32>
    %bitcast_convert_type3A_35 = tpu.bitcast %shift_left3A_34 : vector<2048x128xi32> -> vector<2048x128xf32>
    %add3A_36 = arith.addf %bitcast_convert_type3A_31, %bitcast_convert_type3A_35 : vector<2048x128xf32>
    %add3A_37 = arith.addf %add3A_36, %dot_general3A_16 : vector<2048x128xf32>
    %get3A_38 = arith.constant 0 : index
    %get3A_39 = arith.constant 0 : index
    %get3A_40 = vector.load %arg7[%get3A_38, %get3A_39] : memref<1x128xf32, #tpu.memory_space<vmem>>, vector<1x128xf32>
    %add3A_41 = vector.broadcast %get3A_40 : vector<1x128xf32> to vector<2048x128xf32>
    %add3A_42 = arith.addf %add3A_37, %add3A_41 : vector<2048x128xf32>
    %logistic3A = arith.negf %add3A_28 : vector<2048x128xf32>
    %logistic3A_43 = math.exp %logistic3A : vector<2048x128xf32>
    %logistic3A_44 = arith.constant 1.000000e+00 : f32
    %logistic3A_45 = vector.broadcast %logistic3A_44 : f32 to vector<2048x128xf32>
    %logistic3A_46 = arith.addf %logistic3A_45, %logistic3A_43 : vector<2048x128xf32>
    %logistic3A_47 = arith.divf %logistic3A_45, %logistic3A_46 : vector<2048x128xf32>
    %max3A = arith.constant 0.000000e+00 : f32
    %max3A_48 = vector.broadcast %max3A : f32 to vector<2048x128xf32>
    %max3A_49 = arith.maximumf %add3A_42, %max3A_48 : vector<2048x128xf32>
    %abs3A = math.absf %add3A_42 : vector<2048x128xf32>
    %neg3A = arith.constant 0.000000e+00 : f32
    %neg3A_50 = vector.broadcast %neg3A : f32 to vector<2048x128xf32>
    %neg3A_51 = arith.subf %neg3A_50, %abs3A : vector<2048x128xf32>
    %exp3A = math.exp %neg3A_51 : vector<2048x128xf32>
    %log1p3A = math.log1p %exp3A : vector<2048x128xf32>
    %add3A_52 = arith.addf %max3A_49, %log1p3A : vector<2048x128xf32>
    %mul3A = arith.mulf %logistic3A_47, %add3A_52 : vector<2048x128xf32>
    %mul3A_53 = arith.constant 2048 : i32
    %mul3A_54 = arith.muli %arg0, %mul3A_53 : i32
    %add3A_55 = arith.constant 163840 : i32
    %add3A_56 = arith.addi %add3A_55, %mul3A_54 : i32
    %iota3A = tpu.iota {dimensions = array<i32: 0>} : vector<2048x128xi32>
    %add3A_57 = vector.broadcast %add3A_56 : i32 to vector<2048x128xi32>
    %add3A_58 = arith.addi %add3A_57, %iota3A : vector<2048x128xi32>
    %lt3A = arith.constant 320000 : i32
    %lt3A_59 = vector.broadcast %lt3A : i32 to vector<2048x128xi32>
    %lt3A_60 = arith.cmpi slt, %add3A_58, %lt3A_59 : vector<2048x128xi32>
    %jit3A = arith.constant 0.000000e+00 : f32
    %broadcast_in_dim3A = vector.broadcast %jit3A : f32 to vector<2048x128xf32>
    %select_n3A = arith.select %lt3A_60, %mul3A, %broadcast_in_dim3A : vector<2048x128xi1>, vector<2048x128xf32>
    %swap3A = arith.constant 0 : index
    %swap3A_61 = arith.constant 0 : index
    %swap3A_62 = vector.load %arg8[%swap3A, %swap3A_61] : memref<2048x128xf32, #tpu.memory_space<vmem>>, vector<2048x128xf32>
    tpu.vector_store %arg8[%swap3A, %swap3A_61], %select_n3A {strides = array<i32>} : memref<2048x128xf32, #tpu.memory_space<vmem>>, vector<2048x128xf32>,
    return
  }
  func.func @transform_0(%arg0: i32) -> (i32, i32) {
    %c0_i32 = arith.constant 0 : i32
    %c0_i32_0 = arith.constant 0 : i32
    return %arg0, %c0_i32 : i32, i32
  }
  func.func @transform_1(%arg0: i32) -> (i32, i32) {
    %c0_i32 = arith.constant 0 : i32
    %c0_i32_0 = arith.constant 0 : i32
    return %arg0, %c0_i32 : i32, i32
  }
  func.func @transform_2(%arg0: i32) -> (i32, i32) {
    %c0_i32 = arith.constant 0 : i32
    %c0_i32_0 = arith.constant 0 : i32
    return %arg0, %c0_i32 : i32, i32
  }
  func.func @transform_3(%arg0: i32) -> (i32, i32) {
    %c0_i32 = arith.constant 0 : i32
    %c0_i32_0 = arith.constant 0 : i32
    %c0_i32_1 = arith.constant 0 : i32
    return %c0_i32, %c0_i32_0 : i32, i32
  }
  func.func @transform_4(%arg0: i32) -> (i32, i32) {
    %c0_i32 = arith.constant 0 : i32
    %c0_i32_0 = arith.constant 0 : i32
    %c0_i32_1 = arith.constant 0 : i32
    return %c0_i32, %c0_i32_0 : i32, i32
  }
  func.func @transform_5(%arg0: i32) -> (i32, i32) {
    %c0_i32 = arith.constant 0 : i32
    %c0_i32_0 = arith.constant 0 : i32
    %c0_i32_1 = arith.constant 0 : i32
    return %c0_i32, %c0_i32_0 : i32, i32
  }
  func.func @transform_6(%arg0: i32) -> (i32, i32) {
    %c0_i32 = arith.constant 0 : i32
    %c0_i32_0 = arith.constant 0 : i32
    %c0_i32_1 = arith.constant 0 : i32
    return %c0_i32, %c0_i32_0 : i32, i32
  }
  func.func @transform_7(%arg0: i32) -> (i32, i32) {
    %c0_i32 = arith.constant 0 : i32
    %c0_i32_0 = arith.constant 0 : i32
    return %arg0, %c0_i32 : i32, i32
  }
}

module attributes {stable_mosaic.version = 14 : i64} {
  func.func @_mlp_body(%arg0: i32, %arg1: memref<2048x128xi32, #tpu.memory_space<vmem>>, %arg2: memref<2048x128xi32, #tpu.memory_space<vmem>>, %arg3: memref<2048x16xf32, #tpu.memory_space<vmem>>, %arg4: memref<16x128xf32, #tpu.memory_space<vmem>>, %arg5: memref<16x128xf32, #tpu.memory_space<vmem>>, %arg6: memref<1x128xf32, #tpu.memory_space<vmem>>, %arg7: memref<1x128xf32, #tpu.memory_space<vmem>>, %arg8: memref<2048x128xf32, #tpu.memory_space<vmem>>) attributes {dimension_semantics = [#tpu.dimension_semantics<parallel>], iteration_bounds = array<i64: 80>, scalar_prefetch = 0 : i64, scratch_operands = 0 : i64, tpu.core_type = #tpu.core_type<tc>, window_params = [{transform_indices = @transform_0, window_bounds = array<i64: 2048, 128>}, {transform_indices = @transform_1, window_bounds = array<i64: 2048, 128>}, {transform_indices = @transform_2, window_bounds = array<i64: 2048, 16>}, {pipeline_mode = #tpu.pipeline_mode<synchronous>, transform_indices = @transform_3, window_bounds = array<i64: 16, 128>}, {pipeline_mode = #tpu.pipeline_mode<synchronous>, transform_indices = @transform_4, window_bounds = array<i64: 16, 128>}, {pipeline_mode = #tpu.pipeline_mode<synchronous>, transform_indices = @transform_5, window_bounds = array<i64: 1, 128>}, {pipeline_mode = #tpu.pipeline_mode<synchronous>, transform_indices = @transform_6, window_bounds = array<i64: 1, 128>}, {transform_indices = @transform_7, window_bounds = array<i64: 2048, 128>}]} {
    %get3A = arith.constant 0 : index
    %get3A_0 = arith.constant 0 : index
    %get3A_1 = vector.load %arg1[%get3A, %get3A_0] : memref<2048x128xi32, #tpu.memory_space<vmem>>, vector<2048x128xi32>
    %get3A_2 = arith.constant 0 : index
    %get3A_3 = arith.constant 0 : index
    %get3A_4 = vector.load %arg2[%get3A_2, %get3A_3] : memref<2048x128xi32, #tpu.memory_space<vmem>>, vector<2048x128xi32>
    %get3A_5 = arith.constant 0 : index
    %get3A_6 = arith.constant 0 : index
    %get3A_7 = vector.load %arg3[%get3A_5, %get3A_6] : memref<2048x16xf32, #tpu.memory_space<vmem>>, vector<2048x16xf32>
    %get3A_8 = arith.constant 0 : index
    %get3A_9 = arith.constant 0 : index
    %get3A_10 = vector.load %arg4[%get3A_8, %get3A_9] : memref<16x128xf32, #tpu.memory_space<vmem>>, vector<16x128xf32>
    %dot_general3A = arith.constant dense<0.000000e+00> : vector<2048x128xf32>
    %dot_general3A_11 = tpu.matmul %get3A_7, %get3A_10, %dot_general3A {dimension_numbers = #tpu.dot_dimension_numbers<[1], [0], [0], [1], [0, 0, 1, 1], [], []>, transpose_lhs_hint = false} : vector<2048x16xf32>, vector<16x128xf32>, vector<2048x128xf32> -> vector<2048x128xf32>
    %get3A_12 = arith.constant 0 : index
    %get3A_13 = arith.constant 0 : index
    %get3A_14 = vector.load %arg5[%get3A_12, %get3A_13] : memref<16x128xf32, #tpu.memory_space<vmem>>, vector<16x128xf32>
    %dot_general3A_15 = arith.constant dense<0.000000e+00> : vector<2048x128xf32>
    %dot_general3A_16 = tpu.matmul %get3A_7, %get3A_14, %dot_general3A_15 {dimension_numbers = #tpu.dot_dimension_numbers<[1], [0], [0], [1], [0, 0, 1, 1], [], []>, transpose_lhs_hint = false} : vector<2048x16xf32>, vector<16x128xf32>, vector<2048x128xf32> -> vector<2048x128xf32>
    %and3A = arith.constant -65536 : i32
    %and3A_17 = vector.broadcast %and3A : i32 to vector<2048x128xi32>
    %and3A_18 = arith.andi %get3A_1, %and3A_17 : vector<2048x128xi32>
    %bitcast_convert_type3A = tpu.bitcast %and3A_18 : vector<2048x128xi32> -> vector<2048x128xf32>
    %and3A_19 = arith.constant -65536 : i32
    %and3A_20 = vector.broadcast %and3A_19 : i32 to vector<2048x128xi32>
    %and3A_21 = arith.andi %get3A_4, %and3A_20 : vector<2048x128xi32>
    %bitcast_convert_type3A_22 = tpu.bitcast %and3A_21 : vector<2048x128xi32> -> vector<2048x128xf32>
    %add3A = arith.addf %bitcast_convert_type3A, %bitcast_convert_type3A_22 : vector<2048x128xf32>
    %add3A_23 = arith.addf %add3A, %dot_general3A_11 : vector<2048x128xf32>
    %get3A_24 = arith.constant 0 : index
    %get3A_25 = arith.constant 0 : index
    %get3A_26 = vector.load %arg6[%get3A_24, %get3A_25] : memref<1x128xf32, #tpu.memory_space<vmem>>, vector<1x128xf32>
    %add3A_27 = vector.broadcast %get3A_26 : vector<1x128xf32> to vector<2048x128xf32>
    %add3A_28 = arith.addf %add3A_23, %add3A_27 : vector<2048x128xf32>
    %shift_left3A = arith.constant 16 : i32
    %shift_left3A_29 = vector.broadcast %shift_left3A : i32 to vector<2048x128xi32>
    %shift_left3A_30 = arith.shli %get3A_1, %shift_left3A_29 : vector<2048x128xi32>
    %bitcast_convert_type3A_31 = tpu.bitcast %shift_left3A_30 : vector<2048x128xi32> -> vector<2048x128xf32>
    %shift_left3A_32 = arith.constant 16 : i32
    %shift_left3A_33 = vector.broadcast %shift_left3A_32 : i32 to vector<2048x128xi32>
    %shift_left3A_34 = arith.shli %get3A_4, %shift_left3A_33 : vector<2048x128xi32>
    %bitcast_convert_type3A_35 = tpu.bitcast %shift_left3A_34 : vector<2048x128xi32> -> vector<2048x128xf32>
    %add3A_36 = arith.addf %bitcast_convert_type3A_31, %bitcast_convert_type3A_35 : vector<2048x128xf32>
    %add3A_37 = arith.addf %add3A_36, %dot_general3A_16 : vector<2048x128xf32>
    %get3A_38 = arith.constant 0 : index
    %get3A_39 = arith.constant 0 : index
    %get3A_40 = vector.load %arg7[%get3A_38, %get3A_39] : memref<1x128xf32, #tpu.memory_space<vmem>>, vector<1x128xf32>
    %add3A_41 = vector.broadcast %get3A_40 : vector<1x128xf32> to vector<2048x128xf32>
    %add3A_42 = arith.addf %add3A_37, %add3A_41 : vector<2048x128xf32>
    %logistic3A = arith.negf %add3A_28 : vector<2048x128xf32>
    %logistic3A_43 = math.exp %logistic3A : vector<2048x128xf32>
    %logistic3A_44 = arith.constant 1.000000e+00 : f32
    %logistic3A_45 = vector.broadcast %logistic3A_44 : f32 to vector<2048x128xf32>
    %logistic3A_46 = arith.addf %logistic3A_45, %logistic3A_43 : vector<2048x128xf32>
    %logistic3A_47 = arith.divf %logistic3A_45, %logistic3A_46 : vector<2048x128xf32>
    %max3A = arith.constant 0.000000e+00 : f32
    %max3A_48 = vector.broadcast %max3A : f32 to vector<2048x128xf32>
    %max3A_49 = arith.maximumf %add3A_42, %max3A_48 : vector<2048x128xf32>
    %abs3A = math.absf %add3A_42 : vector<2048x128xf32>
    %neg3A = arith.constant 0.000000e+00 : f32
    %neg3A_50 = vector.broadcast %neg3A : f32 to vector<2048x128xf32>
    %neg3A_51 = arith.subf %neg3A_50, %abs3A : vector<2048x128xf32>
    %exp3A = math.exp %neg3A_51 : vector<2048x128xf32>
    %log1p3A = math.log1p %exp3A : vector<2048x128xf32>
    %add3A_52 = arith.addf %max3A_49, %log1p3A : vector<2048x128xf32>
    %mul3A = arith.mulf %logistic3A_47, %add3A_52 : vector<2048x128xf32>
    %mul3A_53 = arith.constant 2048 : i32
    %mul3A_54 = arith.muli %arg0, %mul3A_53 : i32
    %add3A_55 = arith.constant 0 : i32
    %add3A_56 = arith.addi %add3A_55, %mul3A_54 : i32
    %iota3A = tpu.iota {dimensions = array<i32: 0>} : vector<2048x128xi32>
    %add3A_57 = vector.broadcast %add3A_56 : i32 to vector<2048x128xi32>
    %add3A_58 = arith.addi %add3A_57, %iota3A : vector<2048x128xi32>
    %lt3A = arith.constant 320000 : i32
    %lt3A_59 = vector.broadcast %lt3A : i32 to vector<2048x128xi32>
    %lt3A_60 = arith.cmpi slt, %add3A_58, %lt3A_59 : vector<2048x128xi32>
    %jit3A = arith.constant 0.000000e+00 : f32
    %broadcast_in_dim3A = vector.broadcast %jit3A : f32 to vector<2048x128xf32>
    %select_n3A = arith.select %lt3A_60, %mul3A, %broadcast_in_dim3A : vector<2048x128xi1>, vector<2048x128xf32>
    %swap3A = arith.constant 0 : index
    %swap3A_61 = arith.constant 0 : index
    %swap3A_62 = vector.load %arg8[%swap3A, %swap3A_61] : memref<2048x128xf32, #tpu.memory_space<vmem>>, vector<2048x128xf32>
    tpu.vector_store %arg8[%swap3A, %swap3A_61], %select_n3A {strides = array<i32>} : memref<2048x128xf32, #tpu.memory_space<vmem>>, vector<2048x128xf32>,
    return
  }
  func.func @transform_0(%arg0: i32) -> (i32, i32) {
    %c0_i32 = arith.constant 0 : i32
    %c0_i32_0 = arith.constant 0 : i32
    return %arg0, %c0_i32 : i32, i32
  }
  func.func @transform_1(%arg0: i32) -> (i32, i32) {
    %c0_i32 = arith.constant 0 : i32
    %c0_i32_0 = arith.constant 0 : i32
    return %arg0, %c0_i32 : i32, i32
  }
  func.func @transform_2(%arg0: i32) -> (i32, i32) {
    %c0_i32 = arith.constant 0 : i32
    %c0_i32_0 = arith.constant 0 : i32
    return %arg0, %c0_i32 : i32, i32
  }
  func.func @transform_3(%arg0: i32) -> (i32, i32) {
    %c0_i32 = arith.constant 0 : i32
    %c0_i32_0 = arith.constant 0 : i32
    %c0_i32_1 = arith.constant 0 : i32
    return %c0_i32, %c0_i32_0 : i32, i32
  }
  func.func @transform_4(%arg0: i32) -> (i32, i32) {
    %c0_i32 = arith.constant 0 : i32
    %c0_i32_0 = arith.constant 0 : i32
    %c0_i32_1 = arith.constant 0 : i32
    return %c0_i32, %c0_i32_0 : i32, i32
  }
  func.func @transform_5(%arg0: i32) -> (i32, i32) {
    %c0_i32 = arith.constant 0 : i32
    %c0_i32_0 = arith.constant 0 : i32
    %c0_i32_1 = arith.constant 0 : i32
    return %c0_i32, %c0_i32_0 : i32, i32
  }
  func.func @transform_6(%arg0: i32) -> (i32, i32) {
    %c0_i32 = arith.constant 0 : i32
    %c0_i32_0 = arith.constant 0 : i32
    %c0_i32_1 = arith.constant 0 : i32
    return %c0_i32, %c0_i32_0 : i32, i32
  }
  func.func @transform_7(%arg0: i32) -> (i32, i32) {
    %c0_i32 = arith.constant 0 : i32
    %c0_i32_0 = arith.constant 0 : i32
    return %arg0, %c0_i32 : i32, i32
  }
}

module attributes {stable_mosaic.version = 14 : i64} {
  func.func @_final_body(%arg0: i32, %arg1: memref<2x1000x128xf32, #tpu.memory_space<vmem>>, %arg2: memref<1000x128xf32, #tpu.memory_space<vmem>>, %arg3: memref<1x128xf32, #tpu.memory_space<vmem>>, %arg4: memref<1x128xf32, #tpu.memory_space<vmem>>, %arg5: memref<1x128xf32, #tpu.memory_space<vmem>>, %arg6: memref<1x128xf32, #tpu.memory_space<vmem>>, %arg7: memref<1000x128xf32, #tpu.memory_space<vmem>>) attributes {dimension_semantics = [#tpu.dimension_semantics<parallel>], iteration_bounds = array<i64: 10>, scalar_prefetch = 0 : i64, scratch_operands = 0 : i64, tpu.core_type = #tpu.core_type<tc>, window_params = [{transform_indices = @transform_0, window_bounds = array<i64: 2, 1000, 128>}, {transform_indices = @transform_1, window_bounds = array<i64: 1000, 128>}, {pipeline_mode = #tpu.pipeline_mode<synchronous>, transform_indices = @transform_2, window_bounds = array<i64: 1, 128>}, {pipeline_mode = #tpu.pipeline_mode<synchronous>, transform_indices = @transform_3, window_bounds = array<i64: 1, 128>}, {pipeline_mode = #tpu.pipeline_mode<synchronous>, transform_indices = @transform_4, window_bounds = array<i64: 1, 128>}, {pipeline_mode = #tpu.pipeline_mode<synchronous>, transform_indices = @transform_5, window_bounds = array<i64: 1, 128>}, {transform_indices = @transform_6, window_bounds = array<i64: 1000, 128>}]} {
    %get3A = arith.constant 0 : index
    %get3A_0 = arith.constant 0 : index
    %get3A_1 = arith.constant 0 : index
    %get3A_2 = vector.load %arg1[%get3A, %get3A_0, %get3A_1] : memref<2x1000x128xf32, #tpu.memory_space<vmem>>, vector<1x1000x128xf32>
    %get3A_3 = vector.shape_cast %get3A_2 : vector<1x1000x128xf32> to vector<1000x128xf32>
    %get3A_4 = arith.constant 1 : index
    %get3A_5 = arith.constant 0 : index
    %get3A_6 = arith.constant 0 : index
    %get3A_7 = vector.load %arg1[%get3A_4, %get3A_5, %get3A_6] : memref<2x1000x128xf32, #tpu.memory_space<vmem>>, vector<1x1000x128xf32>
    %get3A_8 = vector.shape_cast %get3A_7 : vector<1x1000x128xf32> to vector<1000x128xf32>
    %add3A = arith.addf %get3A_3, %get3A_8 : vector<1000x128xf32>
    %get3A_9 = arith.constant 0 : index
    %get3A_10 = arith.constant 0 : index
    %get3A_11 = vector.load %arg2[%get3A_9, %get3A_10] : memref<1000x128xf32, #tpu.memory_space<vmem>>, vector<1000x128xf32>
    %sqrt3A = arith.constant 1.000010e+00 : f32
    %sqrt3A_12 = math.sqrt %sqrt3A : f32
    %div3A = arith.constant 1.000000e+00 : f32
    %div3A_13 = arith.divf %div3A, %sqrt3A_12 : f32
    %mul3A = vector.broadcast %div3A_13 : f32 to vector<1000x128xf32>
    %mul3A_14 = arith.mulf %add3A, %mul3A : vector<1000x128xf32>
    %get3A_15 = arith.constant 0 : index
    %get3A_16 = arith.constant 0 : index
    %get3A_17 = vector.load %arg3[%get3A_15, %get3A_16] : memref<1x128xf32, #tpu.memory_space<vmem>>, vector<1x128xf32>
    %mul3A_18 = vector.broadcast %get3A_17 : vector<1x128xf32> to vector<1000x128xf32>
    %mul3A_19 = arith.mulf %mul3A_14, %mul3A_18 : vector<1000x128xf32>
    %get3A_20 = arith.constant 0 : index
    %get3A_21 = arith.constant 0 : index
    %get3A_22 = vector.load %arg4[%get3A_20, %get3A_21] : memref<1x128xf32, #tpu.memory_space<vmem>>, vector<1x128xf32>
    %add3A_23 = vector.broadcast %get3A_22 : vector<1x128xf32> to vector<1000x128xf32>
    %add3A_24 = arith.addf %mul3A_19, %add3A_23 : vector<1000x128xf32>
    %add3A_25 = arith.addf %add3A_24, %get3A_11 : vector<1000x128xf32>
    %reduce_sum3A = arith.constant dense<0.000000e+00> : vector<1000xf32>
    %reduce_sum3A_26 = vector.multi_reduction <add>, %add3A_25, %reduce_sum3A [1] : vector<1000x128xf32> to vector<1000xf32>
    %broadcast_in_dim3A = vector.shape_cast %reduce_sum3A_26 : vector<1000xf32> to vector<1000x1xf32>
    %div3A_27 = arith.constant 1.280000e+02 : f32
    %div3A_28 = vector.broadcast %div3A_27 : f32 to vector<1000x1xf32>
    %div3A_29 = arith.divf %broadcast_in_dim3A, %div3A_28 : vector<1000x1xf32>
    %sub3A = vector.broadcast %div3A_29 : vector<1000x1xf32> to vector<1000x128xf32>
    %sub3A_30 = arith.subf %add3A_25, %sub3A : vector<1000x128xf32>
    %square3A = arith.mulf %sub3A_30, %sub3A_30 : vector<1000x128xf32>
    %reduce_sum3A_31 = arith.constant dense<0.000000e+00> : vector<1000xf32>
    %reduce_sum3A_32 = vector.multi_reduction <add>, %square3A, %reduce_sum3A_31 [1] : vector<1000x128xf32> to vector<1000xf32>
    %broadcast_in_dim3A_33 = vector.shape_cast %reduce_sum3A_32 : vector<1000xf32> to vector<1000x1xf32>
    %div3A_34 = arith.constant 1.280000e+02 : f32
    %div3A_35 = vector.broadcast %div3A_34 : f32 to vector<1000x1xf32>
    %div3A_36 = arith.divf %broadcast_in_dim3A_33, %div3A_35 : vector<1000x1xf32>
    %sub3A_37 = vector.broadcast %div3A_29 : vector<1000x1xf32> to vector<1000x128xf32>
    %sub3A_38 = arith.subf %add3A_25, %sub3A_37 : vector<1000x128xf32>
    %add3A_39 = arith.constant 9.99999974E-6 : f32
    %add3A_40 = vector.broadcast %add3A_39 : f32 to vector<1000x1xf32>
    %add3A_41 = arith.addf %div3A_36, %add3A_40 : vector<1000x1xf32>
    %rsqrt3A = math.rsqrt %add3A_41 : vector<1000x1xf32>
    %mul3A_42 = vector.broadcast %rsqrt3A : vector<1000x1xf32> to vector<1000x128xf32>
    %mul3A_43 = arith.mulf %sub3A_38, %mul3A_42 : vector<1000x128xf32>
    %get3A_44 = arith.constant 0 : index
    %get3A_45 = arith.constant 0 : index
    %get3A_46 = vector.load %arg5[%get3A_44, %get3A_45] : memref<1x128xf32, #tpu.memory_space<vmem>>, vector<1x128xf32>
    %mul3A_47 = vector.broadcast %get3A_46 : vector<1x128xf32> to vector<1000x128xf32>
    %mul3A_48 = arith.mulf %mul3A_43, %mul3A_47 : vector<1000x128xf32>
    %get3A_49 = arith.constant 0 : index
    %get3A_50 = arith.constant 0 : index
    %get3A_51 = vector.load %arg6[%get3A_49, %get3A_50] : memref<1x128xf32, #tpu.memory_space<vmem>>, vector<1x128xf32>
    %add3A_52 = vector.broadcast %get3A_51 : vector<1x128xf32> to vector<1000x128xf32>
    %add3A_53 = arith.addf %mul3A_48, %add3A_52 : vector<1000x128xf32>
    %max3A = arith.constant 0.000000e+00 : f32
    %max3A_54 = vector.broadcast %max3A : f32 to vector<1000x128xf32>
    %max3A_55 = arith.maximumf %add3A_53, %max3A_54 : vector<1000x128xf32>
    %add3A_56 = arith.addf %max3A_55, %get3A_11 : vector<1000x128xf32>
    %swap3A = arith.constant 0 : index
    %swap3A_57 = arith.constant 0 : index
    %swap3A_58 = vector.load %arg7[%swap3A, %swap3A_57] : memref<1000x128xf32, #tpu.memory_space<vmem>>, vector<1000x128xf32>
    tpu.vector_store %arg7[%swap3A, %swap3A_57], %add3A_56 {strides = array<i32>} : memref<1000x128xf32, #tpu.memory_space<vmem>>, vector<1000x128xf32>,
    return
  }
  func.func @transform_0(%arg0: i32) -> (i32, i32, i32) {
    %c0_i32 = arith.constant 0 : i32
    %c0_i32_0 = arith.constant 0 : i32
    %c0_i32_1 = arith.constant 0 : i32
    return %c0_i32, %arg0, %c0_i32_0 : i32, i32, i32
  }
  func.func @transform_1(%arg0: i32) -> (i32, i32) {
    %c0_i32 = arith.constant 0 : i32
    %c0_i32_0 = arith.constant 0 : i32
    return %arg0, %c0_i32 : i32, i32
  }
  func.func @transform_2(%arg0: i32) -> (i32, i32) {
    %c0_i32 = arith.constant 0 : i32
    %c0_i32_0 = arith.constant 0 : i32
    %c0_i32_1 = arith.constant 0 : i32
    return %c0_i32, %c0_i32_0 : i32, i32
  }
  func.func @transform_3(%arg0: i32) -> (i32, i32) {
    %c0_i32 = arith.constant 0 : i32
    %c0_i32_0 = arith.constant 0 : i32
    %c0_i32_1 = arith.constant 0 : i32
    return %c0_i32, %c0_i32_0 : i32, i32
  }
  func.func @transform_4(%arg0: i32) -> (i32, i32) {
    %c0_i32 = arith.constant 0 : i32
    %c0_i32_0 = arith.constant 0 : i32
    %c0_i32_1 = arith.constant 0 : i32
    return %c0_i32, %c0_i32_0 : i32, i32
  }
  func.func @transform_5(%arg0: i32) -> (i32, i32) {
    %c0_i32 = arith.constant 0 : i32
    %c0_i32_0 = arith.constant 0 : i32
    %c0_i32_1 = arith.constant 0 : i32
    return %c0_i32, %c0_i32_0 : i32, i32
  }
  func.func @transform_6(%arg0: i32) -> (i32, i32) {
    %c0_i32 = arith.constant 0 : i32
    %c0_i32_0 = arith.constant 0 : i32
    return %arg0, %c0_i32 : i32, i32
  }
}

</mosaic_0001>

<sc_bundles>
// kernel: kernel.12.cloned.1.call-start
scs
__scs_entry_jumppad:
0x0: {  	(pc) =	sbr.rel $0x88, $3  }
0x1: {  	(tag) =	ssettag $0x0;
	lr =	simm.s32 $0x1  }
0x2: {  	[smem:$0x3F96] =	sst lr;
	_ =	strace $0xD0000000  }
0x3: {  	_ = 	snop  }
0x4: {  	_ = 	snop  }
0x5: {  	_ = 	snop  }
0x6: {  	_ = 	snop  }
0x7: {  	_ = 	snop  }
__scs_overlays_trampoline_lowered:
0x8: {  	[smem:$0x3FA5] =	sst s0  }
0x9: {  	[smem:$0x3FA6] =	sst s1  }
0xa: {  	[smem:$0x3FA7] =	sst s2  }
0xb: {  	[smem:$0x3FA8] =	sst s3  }
0xc: {  	[smem:$0x3FA9] =	sst s4  }
0xd: {  	[smem:$0x3FAA] =	sst s5  }
0xe: {  	[smem:$0x3FAB] =	sst s6  }
0xf: {  	[smem:$0x3FAC] =	sst s7  }
0x10: {  	[smem:$0x3FAD] =	sst s8  }
0x11: {  	[smem:$0x3FAE] =	sst s9;
	s0 =	simm.s32 @!p0 $0x0  }
0x12: {  	s1 =	sld [smem:$0x3F94];
	s0 =	simm.s32 @p0 $0x1  }
0x13: {  	[smem:$0x3FAF] =	sst s0;
	s0 =	simm.s32 @!p1 $0x0  }
0x14: {  	s2 =	sld [smem:$0x3F93];
	s0 =	simm.s32 @p1 $0x1  }
0x15: {  	[smem:$0x3FB0] =	sst s0;
	s0 =	simm.s32 @!p2 $0x0  }
0x16: {  	s3 =	sld [smem:$0x3FDB];
	s0 =	simm.s32 @p2 $0x1  }
0x17: {  	s4 =	simm.s32 $0x1BF5;
	[smem:$0x3FB2] =	sst s0  }
0x18: {  	s0 =	sld [smem:$0x3F95];
	_ =	swait.ge [sflag:s4], $0x0  }
0x19: {  	s7 =	sld [smem:$0x3F96]  }
0x1a: {  	s8 =	sadd.s32 $0xFFFFE003, lr  }
0x1b: {  	s9 =	sadd.s32 $0xFFFFFEF7, lr;
	s5 =	simm.s32 $0xFFFFFFFF;
	p2 =	slt.u32 s8, $0xFFFFF086  }
0x1c: {  	p1 =	slt.u32 s9, $0xF7A;
	s5 =	simm.s32 @!p2 $0x0  }
0x1d: {  	s5 =	simm.s32 @p1 $0x1;
	p0 =	seq.s32 s7, s2  }
0x1e: {  	s7 =	smul.u32 @!p0 $0xF7A, s2;
	p2 =	seq.s32 @!p0 s5, $0x0  }
0x1f: {  	s9 =	smul.u32 $0xF7A, s1;
	s8 =	simm.s32 @!p0 $0x1BF5;
	p2 =	por !p2, p0  }
0x20: {  	[sflag:s8] =	ssyncset.s32 @!p0 $0xFFFFF086;
	s6 =	sadd.s32 @!p0 s3, s7;
	s7 =	simm.s32 @!p0 $0x108  }
0x21: {  	s3 =	sadd.s32 s3, s9;
	s6 =	sadd.s32 @!p0 $0x88, s6;
	s7 =	simm.s32 @p2 $0x1082  }
0x22: {  	[simem:s7], [sflag:s8] =	dma.local @!p0 [hbm:s6], $0xF7A  }
0x23: {  	s9 =	sor.u32 $0xD0000000, s2;
	s6 =	simm.s32 $0x108;
	_ =	swait.ge @!p0 [sflag:s8], $0x0  }
0x24: {  	s3 =	sadd.s32 $0x88, s3;
	s6 =	simm.s32 @!p1 $0x1082;
	[sflag:s4] =	ssyncset.s32 $0xFFFFF086  }
0x25: {  	[simem:s6], [sflag:s4] =	dma.local [hbm:s3], $0xF7A  }
0x26: {  	[smem:$0x3F96] =	sst s1;
	(tag) =	ssettag s2;
	_ =	strace s9  }
0x27: {  	s1 =	sld [smem:$0x3FA6]  }
0x28: {  	s2 =	sld [smem:$0x3FA7]  }
0x29: {  	s4 =	sld [smem:$0x3FA9]  }
0x2a: {  	p0 =	seq.s32 s5, $0x0;
	s5 =	sld [smem:$0x3FAA]  }
0x2b: {  	s6 =	sld [smem:$0x3FAB]  }
0x2c: {  	s7 =	sld [smem:$0x3FAC]  }
0x2d: {  	s3 =	simm.s32 $0x108;
	s8 =	sld [smem:$0x3FAD]  }
0x2e: {  	s3 =	simm.s32 @!p0 $0x1082;
	s9 =	sld [smem:$0x3FAE]  }
0x2f: {  	lr =	sadd.s32 s0, s3;
	s0 =	sld [smem:$0x3FA5]  }
0x30: {  	s3 =	sld [smem:$0x3FA8]  }
0x31: {  	[smem:$0x3FB1] =	sst s10  }
0x32: {  	s10 =	sld [smem:$0x3FAF];
	_ =	sdelay $0x3  }
0x33: {  	p0 =	seq.s32 s10, $0x1;
	s10 =	sld [smem:$0x3FB1];
	_ =	sdelay $0x3  }
0x34: {  	[smem:$0x3FB1] =	sst s10  }
0x35: {  	s10 =	sld [smem:$0x3FB0];
	_ =	sdelay $0x3  }
0x36: {  	p1 =	seq.s32 s10, $0x1;
	s10 =	sld [smem:$0x3FB1];
	_ =	sdelay $0x3  }
0x37: {  	[smem:$0x3FB1] =	sst s10  }
0x38: {  	s10 =	sld [smem:$0x3FB2]  }
0x39: {  	_ = 	snop;
	(pc) =	sbr.ind lr, $3  }
0x3a: {  	_ = 	snop  }
0x3b: {  	_ = 	snop  }
0x3c: {  	p2 =	seq.s32 s10, $0x1;
	s10 =	sld [smem:$0x3FB1]  }
0x3d: {  	_ =	shalt  }
0x3e: {  	_ =	shalt  }
0x3f: {  	_ =	shalt  }
0x40: {  	_ =	shalt  }
0x41: {  	_ =	shalt  }
0x42: {  	_ =	shalt  }
0x43: {  	_ =	shalt  }
0x44: {  	_ =	shalt  }
0x45: {  	_ =	shalt  }
0x46: {  	_ =	shalt  }
0x47: {  	_ =	shalt  }
0x48: {  	_ =	shalt  }
0x49: {  	_ =	shalt  }
0x4a: {  	_ =	shalt  }
0x4b: {  	_ =	shalt  }
0x4c: {  	_ =	shalt  }
0x4d: {  	_ =	shalt  }
0x4e: {  	_ =	shalt  }
0x4f: {  	_ =	shalt  }
0x50: {  	_ =	shalt  }
0x51: {  	_ =	shalt  }
0x52: {  	_ =	shalt  }
0x53: {  	_ =	shalt  }
0x54: {  	_ =	shalt  }
0x55: {  	_ =	shalt  }
0x56: {  	_ =	shalt  }
0x57: {  	_ =	shalt  }
0x58: {  	_ =	shalt  }
0x59: {  	_ =	shalt  }
0x5a: {  	_ =	shalt  }
0x5b: {  	_ =	shalt  }
0x5c: {  	_ =	shalt  }
0x5d: {  	_ =	shalt  }
0x5e: {  	_ =	shalt  }
0x5f: {  	_ =	shalt  }
0x60: {  	_ =	shalt  }
0x61: {  	_ =	shalt  }
0x62: {  	_ =	shalt  }
0x63: {  	_ =	shalt  }
0x64: {  	_ =	shalt  }
0x65: {  	_ =	shalt  }
0x66: {  	_ =	shalt  }
0x67: {  	_ =	shalt  }
0x68: {  	_ =	shalt  }
0x69: {  	_ =	shalt  }
0x6a: {  	_ =	shalt  }
0x6b: {  	_ =	shalt  }
0x6c: {  	_ =	shalt  }
0x6d: {  	_ =	shalt  }
0x6e: {  	_ =	shalt  }
0x6f: {  	_ =	shalt  }
0x70: {  	_ =	shalt  }
0x71: {  	_ =	shalt  }
0x72: {  	_ =	shalt  }
0x73: {  	_ =	shalt  }
0x74: {  	_ =	shalt  }
0x75: {  	_ =	shalt  }
0x76: {  	_ =	shalt  }
0x77: {  	_ =	shalt  }
0x78: {  	_ =	shalt  }
0x79: {  	_ =	shalt  }
0x7a: {  	_ =	shalt  }
0x7b: {  	_ =	shalt  }
0x7c: {  	_ =	shalt  }
0x7d: {  	_ =	shalt  }
0x7e: {  	_ =	shalt  }
0x7f: {  	_ =	shalt  }
0x80: {  	_ =	shalt  }
0x81: {  	_ =	shalt  }
0x82: {  	_ =	shalt  }
0x83: {  	_ =	shalt  }
0x84: {  	_ =	shalt  }
0x85: {  	_ =	shalt  }
0x86: {  	_ =	shalt  }
0x87: {  	_ =	shalt  }
.Lfunc_end0:
.L_simem_size_0:
called_computation.1_lowered:
.L_overlay_start_0:
0x88: {  	s2 =	sld [smem:$0x3FD9]  }
0x89: {  	s3 =	sld [smem:$0x3FFE];
	_ =	sdelay $0x1  }
0x8a: {  	s1 =	srdreg.scid  }
0x8b: {  	s0 =	sand.u32 $0x1, s1  }
0x8c: {  	s17 =	sshll.u32 s0, $0xA;
	s2 =	sadd.s32 s3, s2  }
0x8d: {  	s2 =	sadd.s32 s2, s17  }
0x8e: {  	[smem:$0x3FBD] =	sst s2  }
0x8f: {  	_ = 	snop  }
0x90: {  	s2 =	sld [smem:$0x3FD0];
	(tm) =	ssettm $0x1  }
0x91: {  	s18 =	sld [smem:$0x3FFB];
	_ =	sdelay $0x3  }
0x92: {  	_ =	strace s18  }
0x93: {  	s3 =	sld [smem:$0x3FFC];
	_ =	sdelay $0x3  }
0x94: {  	_ =	strace s3  }
0x95: {  	s3 =	sld [smem:$0x3FFD];
	_ =	sdelay $0x3  }
0x96: {  	_ =	strace s3  }
0x97: {  	_ =	strace $0x8FFFFFFF  }
0x98: {  	s19 =	sld [smem:$0x3FDB];
	_ =	sdelay $0x1  }
0x99: {  	s4 =	simm.s32 $_scs_section_size  }
0x9a: {  	s5 =	simm.s32 $_size__tile_overlayer_lowered;
	s6 =	simm.s32 $_tile_overlayer_lowered  }
0x9b: {  	s22 =	simm.s32 $0x1BFF;
	s21 =	sshll.u32 s6, $0x1;
	s3 =	sadd.s32 s4, s19  }
0x9c: {  	s7 =	simm.s32 $0x0;
	s20 =	sshll.u32 s5, $0x1;
	s5 =	sadd.s32 s21, s3  }
0x9d: {  	[timem:s7], [sflag:s22] =	dma.local [hbm:s5], s20  }
0x9e: {  	_ =	swait.ge [sflag:s22], s20  }
0x9f: {  	s4 =	ssub.s32 $0x0, s20;
	[sflag:s22] =	ssyncset.done $0x0  }
0xa0: {  	[sflag:s22] =	ssyncadd.s32 s4;
	_ =	sdelay $0x1  }
0xa1: {  	s23 =	simm.s32 $0x1B8B  }
0xa2: {  	_ =	swait.ge [sflag:s23], $0x1  }
0xa3: {  	[sflag:s23] =	ssyncset.done $0x0  }
0xa4: {  	s25 =	simm.s32 $0x1B8E;
	s24 =	sld [smem:$0x3FFE];
	[sflag:s23] =	ssyncadd.s32 $0xFFFFFFFF  }
0xa5: {  	s26 =	simm.s32 $execute0_lowered;
	[smem:$0x3FD2] =	sst s25  }
0xa6: {  	s5 =	sshll.u32 s26, $0x1;
	_ =	strace $0x80000046;
	[dreg:$0x1] =	wrdreg $0xFFFFFFFF  }
0xa7: {  	s28 =	simm.s32 $_size_execute0_lowered;
	s3 =	sadd.s32 s3, s5;
	[dreg:$0x0] =	wrdreg $0x0  }
0xa8: {  	s5 =	sshll.u32 s28, $0x1;
	[dreg:$0x2] =	wrdreg s3  }
0xa9: {  	[dreg:$0x3] =	wrdreg s5  }
0xaa: {  	[dreg:$0x4] =	wrdreg $0xC0  }
0xab: {  	_ =	task [dreg:s7], $0x5FFFF  }
0xac: {  	[dreg:$0x1] =	wrdreg $0xFFFFFFFF  }
0xad: {  	[dreg:$0x0] =	wrdreg $0x60  }
0xae: {  	[dreg:$0x2] =	wrdreg s2  }
0xaf: {  	[dreg:$0x3] =	wrdreg s24  }
0xb0: {  	[dreg:$0x4] =	wrdreg $0xA  }
0xb1: {  	_ =	task.clear_ibuf [dreg:s7], $0x5FFFF;
	_ =	strace $0x90000046  }
0xb2: {  	s29 =	simm.s32 $0xA;
	_ =	strace $0x80000048  }
0xb3: {  	_ =	swait.ge [sflag:s29], $0x1  }
0xb4: {  	[sflag:s29] =	ssyncadd.s32 $0xFFFFFFFF  }
0xb5: {  	_ =	strace $0x90000048  }
0xb6: {  	_ =	sfence  }
0xb7: {  	s30 =	sld [smem:$0x0];
	_ =	sdelay $0x2  }
0xb8: {  	s31 =	sshll.u32 s1, $0xD;
	s1 =	sshrl.u32 s1, $0x2  }
0xb9: {  	s3 =	sand.u32 $0x4000, s31;
	s1 =	sadd.s32 s1, s30  }
0xba: {  	s0 =	sor.u32 s3, s0;
	s1 =	sshll.u32 s1, $0x11  }
0xbb: {  	s0 =	sor.u32 s1, s0  }
0xbc: {  	s0 =	sadd.s32 $0x8F2B, s0  }
0xbd: {  	[sflag:s0] =	ssyncadd.remote.s32 $0x1  }
0xbe: {  	_ =	sfence.sel $0xFFFF  }
0xbf: {  	[dreg:$0x0] =	wrdreg $0xFFFFFFFF;
	(pc) =	sbr.abs _section_cstart, $3  }
0xc0: {  	[dreg:$0x1] =	wrdreg $0xFFFFFFFF  }
0xc1: {  	_ =	task.clear_ibuf [dreg:s7], $0x2FFFF;
	_ =	strace $0x9FFFFFFF  }
0xc2: {  	(tm) =	ssettm $0x7FFFFFFF  }
0xc3: {  	_ =	shalt  }
tec
execute0_lowered:
.L_overlay_start_1:
0x0: {  	(tag) =	ssettag $0x1  }
0x1: {  	s2 =	rddreg [dreg:$0x0]  }
0x2: {  	s0 =	srdreg.scid;
	s11 =	stileid.u32  }
0x3: {  	s1 =	rddreg [dreg:$0x1];
	s3 =	simm.s32 $0x0;
	s14 =	simm.s32 $0x40  }
0x4: {  	s15 =	simm.s32 $0x2800;
	s16 =	simm.s32 $0xA800;
	s17 =	simm.s32 $0x4800  }
0x5: {  	s19 =	simm.s32 $0xC800;
	s21 =	simm.s32 $0x6800;
	s28 =	simm.s32 $0x10800  }
0x6: {  	s29 =	simm.s32 $0x1;
	s30 =	simm.s32 $0x2;
	s31 =	simm.s32 $0x3  }
0x7: {  	s20 =	simm.s32 $0x7;
	s22 =	simm.s32 $0x8;
	s6 =	smul.u32 $0x140000, s11  }
0x8: {  	s0 =	sand.u32 $0x1, s0;
	s4 =	sshll.u32 s11, $0x1;
	s11 =	smul.u32 $0x28000, s11  }
0x9: {  	[smem:$0x7FF] =	sst s3;
	s10 =	sadd.s32 $0x36200, s1;
	s8 =	smul.u32 $0xA0000, s0  }
0xa: {  	s4 =	sor.u32 s0, s4;
	s7 =	ssub.s32 $0x2, s0;
	s0 =	smul.u32 $0x14000, s0  }
0xb: {  	_ =	strace $0x80000047;
	s5 =	smul.u32 $0x1400, s4;
	s4 =	sadd.s32 $0xF000, s1  }
0xc: {  	s9 =	sshrl.u32 s7, $0x1;
	s26 =	sadd.s32 s11, s10;
	s8 =	sadd.s32 s8, s6  }
0xd: {  	s7 =	ssub.s32 s7, s9;
	s5 =	sshrl.u32 s5, $0x3;
	s24 =	sshrl.u32 s8, $0x3  }
0xe: {  	s25 =	smax.u32 s7, $0x1;
	s5 =	sadd.s32 s5, s1;
	s1 =	sadd.s32 $0x2B6200, s1  }
.Ltmp0:
0xf: {  	[dreg:$0x5] =	wrdreg s25;
	s9 =	sadd.s32 s24, s10;
	(pc) =	sbr.rel .LBB2_1-.Ltmp0, $4  }
0x10: {  	s10 =	sadd.s32 s0, s26;
	s25 =	simm.s32 $0x8800;
	s23 =	sadd.s32 $0xA000, s5  }
0x11: {  	s5 =	sadd.s32 $0x5000, s5;
	s8 =	sadd.s32 s24, s1;
	[dreg:$0x3] =	wrdreg s23  }
0x12: {  	s1 =	sadd.s32 s11, s1;
	s24 =	simm.s32 $0x0;
	[dreg:$0x4] =	wrdreg s5  }
0x13: {  	s11 =	sadd.s32 s0, s1;
	s23 =	simm.s32 $0xE800;
	s1 =	simm.s32 $0x4  }
.LBB2_4:
0x14: {  	s0 =	simm.s32 $0x5  }
0x15: {  	_ =	swait.ge [sflag:s0], $0x2000  }
0x16: {  	[sflag:s0] =	ssyncset.done $0x0  }
0x17: {  	[sflag:s0] =	ssyncadd.s32 $0xFFFFE000  }
0x18: {  	_ =	swait.ge [sflag:s0], $0x2000  }
0x19: {  	[sflag:s0] =	ssyncset.done $0x0  }
0x1a: {  	s18 =	simm.s32 $0x6;
	[sflag:s0] =	ssyncadd.s32 $0xFFFFE000  }
0x1b: {  	_ =	swait.ge [sflag:s18], $0x2000  }
0x1c: {  	[sflag:s18] =	ssyncset.done $0x0  }
0x1d: {  	[sflag:s18] =	ssyncadd.s32 $0xFFFFE000  }
0x1e: {  	_ =	swait.ge [sflag:s18], $0x2000  }
0x1f: {  	[sflag:s18] =	ssyncset.done $0x0  }
0x20: {  	[sflag:s18] =	ssyncadd.s32 $0xFFFFE000  }
0x21: {  	_ =	swait.ge [sflag:s20], $0x2000  }
0x22: {  	[sflag:s20] =	ssyncset.done $0x0  }
0x23: {  	[sflag:s20] =	ssyncadd.s32 $0xFFFFE000  }
0x24: {  	_ =	swait.ge [sflag:s20], $0x2000  }
0x25: {  	[sflag:s20] =	ssyncset.done $0x0  }
0x26: {  	[sflag:s20] =	ssyncadd.s32 $0xFFFFE000  }
0x27: {  	_ =	swait.ge [sflag:s22], $0x2000  }
0x28: {  	[sflag:s22] =	ssyncset.done $0x0  }
0x29: {  	[sflag:s22] =	ssyncadd.s32 $0xFFFFE000  }
0x2a: {  	_ =	swait.ge [sflag:s22], $0x2000  }
0x2b: {  	s24 =	sadd.s32 $0x1, s24;
	s26 =	rddreg [dreg:$0x5]  }
0x2c: {  	p0 =	sne.s32 s24, s26  }
.Ltmp1:
0x2d: {  	_ = 	snop;
	(pc) =	sbr.rel @!p0 .LBB2_5-.Ltmp1, $3  }
0x2e: {  	_ =	sdelay $0x1  }
0x2f: {  	[sflag:s22] =	ssyncset.done $0x0  }
0x30: {  	[sflag:s22] =	ssyncadd.s32 $0xFFFFE000  }
.LBB2_1:
0x31: {  	s0 =	rddreg [dreg:$0x3];
	s5 =	simm.s32 $0x9  }
0x32: {  	[tilespmem:s3], [sflag:$0x9] =	stream.linear.gather [hbm4b:s0+s3], $0x1400, $0x38;
	[tilespmem:$0x12800] =	vst v63  }
0x33: {  	_ =	swait.ge [sflag:s5], $0x1400  }
0x34: {  	[sflag:s5] =	ssyncset.done $0x0  }
0x35: {  	s6 =	simm.s32 $0x1400;
	s26 =	rddreg [dreg:$0x4];
	[sflag:s5] =	ssyncadd.s32 $0xFFFFEC00  }
0x36: {  	[tilespmem:s6], [sflag:$0x9] =	stream.linear.gather [hbm4b:s26+s3], $0x1400, $0x38;
	[tilespmem:$0x12800] =	vst v63  }
0x37: {  	_ =	swait.ge [sflag:s5], $0x1400  }
0x38: {  	[sflag:s5] =	ssyncset.done $0x0  }
0x39: {  	[sflag:s5] =	ssyncadd.s32 $0xFFFFEC00  }
0x3a: {  	[tilespmem:s15], [sflag:$0x1] =	stream.indirect.gather [hbm4b:s2+s14], $0x80, s3, s14, $0xb8;
	[tilespmem:$0x12800] =	vst v63  }
0x3b: {  	_ = 	snop  }
0x3c: {  	[tilespmem:s16], [sflag:$0x1] =	stream.indirect.gather [hbm4b:s4+s14], $0x80, s6, s14, $0xb8;
	[tilespmem:$0x12800] =	vst v63  }
0x3d: {  	_ = 	snop  }
0x3e: {  	[tilespmem:s17], [sflag:$0x2] =	stream.indirect.gather [hbm4b:s2+s14], $0x80, s14, s14, $0xb8;
	[tilespmem:$0x12800] =	vst v63  }
0x3f: {  	s7 =	simm.s32 $0x1440  }
0x40: {  	[tilespmem:s19], [sflag:$0x2] =	stream.indirect.gather [hbm4b:s4+s14], $0x80, s7, s14, $0xb8;
	[tilespmem:$0x12800] =	vst v63  }
0x41: {  	s12 =	simm.s32 $0x80  }
0x42: {  	[tilespmem:s21], [sflag:$0x3] =	stream.indirect.gather [hbm4b:s2+s14], $0x80, s12, s14, $0xb8;
	[tilespmem:$0x12800] =	vst v63  }
0x43: {  	s13 =	simm.s32 $0x1480  }
0x44: {  	[tilespmem:s23], [sflag:$0x3] =	stream.indirect.gather [hbm4b:s4+s14], $0x80, s13, s14, $0xb8;
	[tilespmem:$0x12800] =	vst v63  }
0x45: {  	s18 =	simm.s32 $0xC0  }
0x46: {  	[tilespmem:s25], [sflag:$0x4] =	stream.indirect.gather [hbm4b:s2+s14], $0x80, s18, s14, $0xb8;
	[tilespmem:$0x12800] =	vst v63  }
0x47: {  	s26 =	simm.s32 $0x14C0  }
0x48: {  	[tilespmem:s28], [sflag:$0x4] =	stream.indirect.gather [hbm4b:s4+s14], $0x80, s26, s14, $0xb8;
	[tilespmem:$0x12800] =	vst v63  }
0x49: {  	s5 =	simm.s32 $0x0;
	s26 =	simm.s32 $0x0  }
.LBB2_2:
0x4a: {  	_ =	swait.ge [sflag:s29], $0x2000  }
0x4b: {  	[sflag:s29] =	ssyncset.done $0x0  }
0x4c: {  	[sflag:s29] =	ssyncadd.s32 $0xFFFFE000  }
0x4d: {  	_ =	swait.ge [sflag:s29], $0x2000  }
0x4e: {  	[sflag:s29] =	ssyncset.done $0x0  }
0x4f: {  	s6 =	sadd.s32 s5, s9;
	p0 =	seq.s32 s5, $0x13000;
	[sflag:s29] =	ssyncadd.s32 $0xFFFFE000  }
0x50: {  	[hbm4b:s6+s3] =	stream.linear.scatter [tilespmem:s15], [sflag:$0x5], $0x2000, $0x38;
	[tilespmem:$0x12800] =	vst v63  }
0x51: {  	s18 =	sadd.s32 s5, s8;
	s6 =	simm.s32 @!p0 $0x5  }
0x52: {  	[hbm4b:s18+s3] =	stream.linear.scatter [tilespmem:s16], [sflag:$0x5], $0x2000, $0x38;
	[tilespmem:$0x12800] =	vst v63  }
0x53: {  	_ =	swait.ge @!p0 [sflag:s6], $0x2000  }
0x54: {  	[sflag:s6] =	ssyncset.done @!p0 $0x0  }
0x55: {  	[sflag:s6] =	ssyncadd.s32 @!p0 $0xFFFFE000  }
0x56: {  	_ =	swait.ge @!p0 [sflag:s6], $0x2000  }
0x57: {  	[sflag:s6] =	ssyncset.done @!p0 $0x0  }
0x58: {  	[sflag:s6] =	ssyncadd.s32 @!p0 $0xFFFFE000;
	s6 =	sshra.s32 @!p0 s26, $0x2  }
0x59: {  	s13 =	simm.s32 @!p0 $0x40;
	s12 =	simm.s32 @!p0 $0x2800;
	s7 =	sadd.s32 @!p0 $0x100, s6  }
0x5a: {  	[tilespmem:s12], [sflag:$0x1] =	stream.indirect.gather @!p0 [hbm4b:s2+s13], $0x80, s7, s13, $0xb8;
	[tilespmem:$0x12800] =	vst v63  }
0x5b: {  	s7 =	sadd.s32 @!p0 $0x1500, s6;
	s12 =	simm.s32 @!p0 $0xA800  }
0x5c: {  	[tilespmem:s12], [sflag:$0x1] =	stream.indirect.gather @!p0 [hbm4b:s4+s13], $0x80, s7, s13, $0xb8;
	[tilespmem:$0x12800] =	vst v63  }
0x5d: {  	_ =	swait.ge [sflag:s30], $0x2000  }
0x5e: {  	[sflag:s30] =	ssyncset.done $0x0  }
0x5f: {  	[sflag:s30] =	ssyncadd.s32 $0xFFFFE000  }
0x60: {  	_ =	swait.ge [sflag:s30], $0x2000  }
0x61: {  	s7 =	sadd.s32 s5, s10;
	[sflag:s30] =	ssyncset.done $0x0  }
0x62: {  	s12 =	sadd.s32 s5, s11;
	s0 =	sadd.s32 $0x400, s7;
	[sflag:s30] =	ssyncadd.s32 $0xFFFFE000  }
0x63: {  	[hbm4b:s0+s3] =	stream.linear.scatter [tilespmem:s17], [sflag:$0x6], $0x2000, $0x38;
	[tilespmem:$0x12800] =	vst v63  }
0x64: {  	s0 =	sadd.s32 $0x400, s12  }
0x65: {  	[hbm4b:s0+s3] =	stream.linear.scatter [tilespmem:s19], [sflag:$0x6], $0x2000, $0x38;
	[tilespmem:$0x12800] =	vst v63  }
0x66: {  	s0 =	simm.s32 @!p0 $0x6  }
0x67: {  	_ =	swait.ge @!p0 [sflag:s0], $0x2000  }
0x68: {  	[sflag:s0] =	ssyncset.done @!p0 $0x0  }
0x69: {  	[sflag:s0] =	ssyncadd.s32 @!p0 $0xFFFFE000  }
0x6a: {  	_ =	swait.ge @!p0 [sflag:s0], $0x2000  }
0x6b: {  	[sflag:s0] =	ssyncset.done @!p0 $0x0  }
0x6c: {  	s18 =	simm.s32 @!p0 $0x4800;
	[sflag:s0] =	ssyncadd.s32 @!p0 $0xFFFFE000;
	s0 =	sadd.s32 @!p0 $0x140, s6  }
0x6d: {  	[tilespmem:s18], [sflag:$0x2] =	stream.indirect.gather @!p0 [hbm4b:s2+s13], $0x80, s0, s13, $0xb8;
	[tilespmem:$0x12800] =	vst v63  }
0x6e: {  	s0 =	sadd.s32 @!p0 $0x1540, s6;
	s18 =	simm.s32 @!p0 $0xC800  }
0x6f: {  	[tilespmem:s18], [sflag:$0x2] =	stream.indirect.gather @!p0 [hbm4b:s4+s13], $0x80, s0, s13, $0xb8;
	[tilespmem:$0x12800] =	vst v63  }
0x70: {  	_ =	swait.ge [sflag:s31], $0x2000  }
0x71: {  	[sflag:s31] =	ssyncset.done $0x0  }
0x72: {  	[sflag:s31] =	ssyncadd.s32 $0xFFFFE000  }
0x73: {  	_ =	swait.ge [sflag:s31], $0x2000  }
0x74: {  	[sflag:s31] =	ssyncset.done $0x0  }
0x75: {  	s18 =	sadd.s32 $0x800, s7;
	[sflag:s31] =	ssyncadd.s32 $0xFFFFE000  }
0x76: {  	[hbm4b:s18+s3] =	stream.linear.scatter [tilespmem:s21], [sflag:$0x7], $0x2000, $0x38;
	[tilespmem:$0x12800] =	vst v63  }
0x77: {  	s0 =	simm.s32 @!p0 $0x7;
	s18 =	sadd.s32 $0x800, s12  }
0x78: {  	[hbm4b:s18+s3] =	stream.linear.scatter [tilespmem:s23], [sflag:$0x7], $0x2000, $0x38;
	[tilespmem:$0x12800] =	vst v63  }
0x79: {  	_ =	swait.ge @!p0 [sflag:s0], $0x2000  }
0x7a: {  	[sflag:s0] =	ssyncset.done @!p0 $0x0  }
0x7b: {  	[sflag:s0] =	ssyncadd.s32 @!p0 $0xFFFFE000  }
0x7c: {  	_ =	swait.ge @!p0 [sflag:s0], $0x2000  }
0x7d: {  	[sflag:s0] =	ssyncset.done @!p0 $0x0  }
0x7e: {  	s18 =	simm.s32 @!p0 $0x6800;
	[sflag:s0] =	ssyncadd.s32 @!p0 $0xFFFFE000;
	s0 =	sadd.s32 @!p0 $0x180, s6  }
0x7f: {  	[tilespmem:s18], [sflag:$0x3] =	stream.indirect.gather @!p0 [hbm4b:s2+s13], $0x80, s0, s13, $0xb8;
	[tilespmem:$0x12800] =	vst v63  }
0x80: {  	s0 =	sadd.s32 @!p0 $0x1580, s6;
	s6 =	simm.s32 @!p0 $0xE800  }
0x81: {  	[tilespmem:s6], [sflag:$0x3] =	stream.indirect.gather @!p0 [hbm4b:s4+s13], $0x80, s0, s13, $0xb8;
	[tilespmem:$0x12800] =	vst v63  }
0x82: {  	_ =	swait.ge [sflag:s1], $0x2000  }
0x83: {  	[sflag:s1] =	ssyncset.done $0x0  }
0x84: {  	[sflag:s1] =	ssyncadd.s32 $0xFFFFE000  }
0x85: {  	_ =	swait.ge [sflag:s1], $0x2000  }
.Ltmp2:
0x86: {  	[sflag:s1] =	ssyncset.done $0x0;
	(pc) =	sbr.rel @p0 .LBB2_4-.Ltmp2, $4  }
0x87: {  	s13 =	sadd.s32 $0xC00, s7;
	[sflag:s1] =	ssyncadd.s32 $0xFFFFE000  }
0x88: {  	[hbm4b:s13+s3] =	stream.linear.scatter [tilespmem:s25], [sflag:$0x8], $0x2000, $0x38;
	[tilespmem:$0x12800] =	vst v63  }
0x89: {  	s18 =	sadd.s32 $0xC00, s12  }
0x8a: {  	[hbm4b:s18+s3] =	stream.linear.scatter [tilespmem:s28], [sflag:$0x8], $0x2000, $0x38;
	[tilespmem:$0x12800] =	vst v63  }
0x8b: {  	_ =	swait.ge [sflag:s22], $0x2000  }
0x8c: {  	[sflag:s22] =	ssyncset.done $0x0  }
0x8d: {  	[sflag:s22] =	ssyncadd.s32 $0xFFFFE000  }
0x8e: {  	_ =	swait.ge [sflag:s22], $0x2000  }
.Ltmp3:
0x8f: {  	s0 =	sshra.s32 s26, $0x2;
	[sflag:s22] =	ssyncset.done $0x0;
	(pc) =	sbr.rel .LBB2_2-.Ltmp3, $4  }
0x90: {  	s6 =	sadd.s32 $0x1C0, s0;
	[sflag:s22] =	ssyncadd.s32 $0xFFFFE000  }
0x91: {  	[tilespmem:s25], [sflag:$0x4] =	stream.indirect.gather [hbm4b:s2+s14], $0x80, s6, s14, $0xb8;
	[tilespmem:$0x12800] =	vst v63  }
0x92: {  	s5 =	sadd.s32 $0x1000, s5;
	s26 =	sadd.s32 $0x400, s26;
	s0 =	sadd.s32 $0x15C0, s0  }
0x93: {  	[tilespmem:s28], [sflag:$0x4] =	stream.indirect.gather [hbm4b:s4+s14], $0x80, s0, s14, $0xb8;
	[tilespmem:$0x12800] =	vst v63  }
.LBB2_5:
0x94: {  	_ =	sfence.sel $0x180000  }
0x95: {  	[bflag:$0x0] =	sbarrier.arrive $0xFFFF  }
0x96: {  	_ =	strace $0x90000047  }
0x97: {  	s0 =	stileid.u32;
	[bflag:$0x2] =	sbarrier.arrive $0xFFFF  }
0x98: {  	p0 =	sne.s32 s0, $0x0;
	s0 =	rddreg [dreg:$0x2]  }
0x99: {  	s0 =	sadd.s32 @!p0 $0x100000, s0  }
0x9a: {  	[sflag:s0] =	ssyncadd.tile.s32 @!p0 $0x1;
	_ =	shalt  }
.Lfunc_end2:
_tile_overlayer_lowered:
.L_overlay_start_2:
0x9b: {  	(tag) =	ssettag $0x2  }
0x9c: {  	s0 =	rddreg [dreg:$0x0];
	s2 =	stileid.u32  }
0x9d: {  	s1 =	rddreg [dreg:$0x1];
	p0 =	sne.s32 s2, $0x0  }
0x9e: {  	s3 =	rddreg [dreg:$0x2];
	[bflag:$0x3] =	sbarrier.arrive $0xFFFF;
	s2 =	simm.s32 @!p0 $0x1C09  }
0x9f: {  	[timem:s3], [sflag:s2] =	dma.local @!p0 [hbm:s0], s1  }
0xa0: {  	s0 =	simm.s32 @!p0 $0x9  }
0xa1: {  	_ =	swait.ge @!p0 [sflag:s0], s1  }
0xa2: {  	s1 =	ssub.s32 @!p0 $0x0, s1;
	[sflag:s0] =	ssyncset.done @!p0 $0x0  }
0xa3: {  	[sflag:s0] =	ssyncadd.s32 @!p0 s1  }
0xa4: {  	[bflag:$0x3] =	sbarrier.arrive $0xFFFF  }
0xa5: {  	_ =	shalt  }

// kernel: kernel.15.cloned.1.call-start
scs
__scs_entry_jumppad:
0x0: {  	(pc) =	sbr.rel $0x88, $3  }
0x1: {  	(tag) =	ssettag $0x0;
	lr =	simm.s32 $0x1  }
0x2: {  	[smem:$0x3F96] =	sst lr;
	_ =	strace $0xD0000000  }
0x3: {  	_ = 	snop  }
0x4: {  	_ = 	snop  }
0x5: {  	_ = 	snop  }
0x6: {  	_ = 	snop  }
0x7: {  	_ = 	snop  }
__scs_overlays_trampoline_lowered:
0x8: {  	[smem:$0x3FA5] =	sst s0  }
0x9: {  	[smem:$0x3FA6] =	sst s1  }
0xa: {  	[smem:$0x3FA7] =	sst s2  }
0xb: {  	[smem:$0x3FA8] =	sst s3  }
0xc: {  	[smem:$0x3FA9] =	sst s4  }
0xd: {  	[smem:$0x3FAA] =	sst s5  }
0xe: {  	[smem:$0x3FAB] =	sst s6  }
0xf: {  	[smem:$0x3FAC] =	sst s7  }
0x10: {  	[smem:$0x3FAD] =	sst s8  }
0x11: {  	[smem:$0x3FAE] =	sst s9;
	s0 =	simm.s32 @!p0 $0x0  }
0x12: {  	s1 =	sld [smem:$0x3F94];
	s0 =	simm.s32 @p0 $0x1  }
0x13: {  	[smem:$0x3FAF] =	sst s0;
	s0 =	simm.s32 @!p1 $0x0  }
0x14: {  	s2 =	sld [smem:$0x3F93];
	s0 =	simm.s32 @p1 $0x1  }
0x15: {  	[smem:$0x3FB0] =	sst s0;
	s0 =	simm.s32 @!p2 $0x0  }
0x16: {  	s3 =	sld [smem:$0x3FDB];
	s0 =	simm.s32 @p2 $0x1  }
0x17: {  	s4 =	simm.s32 $0x1BF5;
	[smem:$0x3FB2] =	sst s0  }
0x18: {  	s0 =	sld [smem:$0x3F95];
	_ =	swait.ge [sflag:s4], $0x0  }
0x19: {  	s7 =	sld [smem:$0x3F96]  }
0x1a: {  	s8 =	sadd.s32 $0xFFFFE003, lr  }
0x1b: {  	s9 =	sadd.s32 $0xFFFFFEF7, lr;
	s5 =	simm.s32 $0xFFFFFFFF;
	p2 =	slt.u32 s8, $0xFFFFF086  }
0x1c: {  	p1 =	slt.u32 s9, $0xF7A;
	s5 =	simm.s32 @!p2 $0x0  }
0x1d: {  	s5 =	simm.s32 @p1 $0x1;
	p0 =	seq.s32 s7, s2  }
0x1e: {  	s7 =	smul.u32 @!p0 $0xF7A, s2;
	p2 =	seq.s32 @!p0 s5, $0x0  }
0x1f: {  	s9 =	smul.u32 $0xF7A, s1;
	s8 =	simm.s32 @!p0 $0x1BF5;
	p2 =	por !p2, p0  }
0x20: {  	[sflag:s8] =	ssyncset.s32 @!p0 $0xFFFFF086;
	s6 =	sadd.s32 @!p0 s3, s7;
	s7 =	simm.s32 @!p0 $0x108  }
0x21: {  	s3 =	sadd.s32 s3, s9;
	s6 =	sadd.s32 @!p0 $0x88, s6;
	s7 =	simm.s32 @p2 $0x1082  }
0x22: {  	[simem:s7], [sflag:s8] =	dma.local @!p0 [hbm:s6], $0xF7A  }
0x23: {  	s9 =	sor.u32 $0xD0000000, s2;
	s6 =	simm.s32 $0x108;
	_ =	swait.ge @!p0 [sflag:s8], $0x0  }
0x24: {  	s3 =	sadd.s32 $0x88, s3;
	s6 =	simm.s32 @!p1 $0x1082;
	[sflag:s4] =	ssyncset.s32 $0xFFFFF086  }
0x25: {  	[simem:s6], [sflag:s4] =	dma.local [hbm:s3], $0xF7A  }
0x26: {  	[smem:$0x3F96] =	sst s1;
	(tag) =	ssettag s2;
	_ =	strace s9  }
0x27: {  	s1 =	sld [smem:$0x3FA6]  }
0x28: {  	s2 =	sld [smem:$0x3FA7]  }
0x29: {  	s4 =	sld [smem:$0x3FA9]  }
0x2a: {  	p0 =	seq.s32 s5, $0x0;
	s5 =	sld [smem:$0x3FAA]  }
0x2b: {  	s6 =	sld [smem:$0x3FAB]  }
0x2c: {  	s7 =	sld [smem:$0x3FAC]  }
0x2d: {  	s3 =	simm.s32 $0x108;
	s8 =	sld [smem:$0x3FAD]  }
0x2e: {  	s3 =	simm.s32 @!p0 $0x1082;
	s9 =	sld [smem:$0x3FAE]  }
0x2f: {  	lr =	sadd.s32 s0, s3;
	s0 =	sld [smem:$0x3FA5]  }
0x30: {  	s3 =	sld [smem:$0x3FA8]  }
0x31: {  	[smem:$0x3FB1] =	sst s10  }
0x32: {  	s10 =	sld [smem:$0x3FAF];
	_ =	sdelay $0x3  }
0x33: {  	p0 =	seq.s32 s10, $0x1;
	s10 =	sld [smem:$0x3FB1];
	_ =	sdelay $0x3  }
0x34: {  	[smem:$0x3FB1] =	sst s10  }
0x35: {  	s10 =	sld [smem:$0x3FB0];
	_ =	sdelay $0x3  }
0x36: {  	p1 =	seq.s32 s10, $0x1;
	s10 =	sld [smem:$0x3FB1];
	_ =	sdelay $0x3  }
0x37: {  	[smem:$0x3FB1] =	sst s10  }
0x38: {  	s10 =	sld [smem:$0x3FB2]  }
0x39: {  	_ = 	snop;
	(pc) =	sbr.ind lr, $3  }
0x3a: {  	_ = 	snop  }
0x3b: {  	_ = 	snop  }
0x3c: {  	p2 =	seq.s32 s10, $0x1;
	s10 =	sld [smem:$0x3FB1]  }
0x3d: {  	_ =	shalt  }
0x3e: {  	_ =	shalt  }
0x3f: {  	_ =	shalt  }
0x40: {  	_ =	shalt  }
0x41: {  	_ =	shalt  }
0x42: {  	_ =	shalt  }
0x43: {  	_ =	shalt  }
0x44: {  	_ =	shalt  }
0x45: {  	_ =	shalt  }
0x46: {  	_ =	shalt  }
0x47: {  	_ =	shalt  }
0x48: {  	_ =	shalt  }
0x49: {  	_ =	shalt  }
0x4a: {  	_ =	shalt  }
0x4b: {  	_ =	shalt  }
0x4c: {  	_ =	shalt  }
0x4d: {  	_ =	shalt  }
0x4e: {  	_ =	shalt  }
0x4f: {  	_ =	shalt  }
0x50: {  	_ =	shalt  }
0x51: {  	_ =	shalt  }
0x52: {  	_ =	shalt  }
0x53: {  	_ =	shalt  }
0x54: {  	_ =	shalt  }
0x55: {  	_ =	shalt  }
0x56: {  	_ =	shalt  }
0x57: {  	_ =	shalt  }
0x58: {  	_ =	shalt  }
0x59: {  	_ =	shalt  }
0x5a: {  	_ =	shalt  }
0x5b: {  	_ =	shalt  }
0x5c: {  	_ =	shalt  }
0x5d: {  	_ =	shalt  }
0x5e: {  	_ =	shalt  }
0x5f: {  	_ =	shalt  }
0x60: {  	_ =	shalt  }
0x61: {  	_ =	shalt  }
0x62: {  	_ =	shalt  }
0x63: {  	_ =	shalt  }
0x64: {  	_ =	shalt  }
0x65: {  	_ =	shalt  }
0x66: {  	_ =	shalt  }
0x67: {  	_ =	shalt  }
0x68: {  	_ =	shalt  }
0x69: {  	_ =	shalt  }
0x6a: {  	_ =	shalt  }
0x6b: {  	_ =	shalt  }
0x6c: {  	_ =	shalt  }
0x6d: {  	_ =	shalt  }
0x6e: {  	_ =	shalt  }
0x6f: {  	_ =	shalt  }
0x70: {  	_ =	shalt  }
0x71: {  	_ =	shalt  }
0x72: {  	_ =	shalt  }
0x73: {  	_ =	shalt  }
0x74: {  	_ =	shalt  }
0x75: {  	_ =	shalt  }
0x76: {  	_ =	shalt  }
0x77: {  	_ =	shalt  }
0x78: {  	_ =	shalt  }
0x79: {  	_ =	shalt  }
0x7a: {  	_ =	shalt  }
0x7b: {  	_ =	shalt  }
0x7c: {  	_ =	shalt  }
0x7d: {  	_ =	shalt  }
0x7e: {  	_ =	shalt  }
0x7f: {  	_ =	shalt  }
0x80: {  	_ =	shalt  }
0x81: {  	_ =	shalt  }
0x82: {  	_ =	shalt  }
0x83: {  	_ =	shalt  }
0x84: {  	_ =	shalt  }
0x85: {  	_ =	shalt  }
0x86: {  	_ =	shalt  }
0x87: {  	_ =	shalt  }
.Lfunc_end0:
.L_simem_size_0:
called_computation.2_lowered:
.L_overlay_start_0:
0x88: {  	s2 =	sld [smem:$0x3FD9]  }
0x89: {  	s3 =	sld [smem:$0x3FFE];
	_ =	sdelay $0x1  }
0x8a: {  	s1 =	srdreg.scid  }
0x8b: {  	s0 =	sand.u32 $0x1, s1  }
0x8c: {  	s16 =	sshll.u32 s0, $0xA;
	s2 =	sadd.s32 s3, s2  }
0x8d: {  	s2 =	sadd.s32 s2, s16  }
0x8e: {  	[smem:$0x3FBD] =	sst s2  }
0x8f: {  	_ = 	snop  }
0x90: {  	(tm) =	ssettm $0x1  }
0x91: {  	s17 =	sld [smem:$0x3FFB];
	_ =	sdelay $0x3  }
0x92: {  	_ =	strace s17  }
0x93: {  	s2 =	sld [smem:$0x3FFC];
	_ =	sdelay $0x3  }
0x94: {  	_ =	strace s2  }
0x95: {  	s2 =	sld [smem:$0x3FFD];
	_ =	sdelay $0x3  }
0x96: {  	_ =	strace s2  }
0x97: {  	_ =	strace $0x8FFFFFFF  }
0x98: {  	s18 =	sld [smem:$0x3FDB];
	_ =	sdelay $0x1  }
0x99: {  	s19 =	simm.s32 $_scs_section_size  }
0x9a: {  	s4 =	simm.s32 $_size__tile_overlayer_lowered;
	s5 =	simm.s32 $_tile_overlayer_lowered  }
0x9b: {  	s22 =	simm.s32 $0x1BFF;
	s21 =	sshll.u32 s5, $0x1;
	s2 =	sadd.s32 s19, s18  }
0x9c: {  	s6 =	simm.s32 $0x0;
	s20 =	sshll.u32 s4, $0x1;
	s4 =	sadd.s32 s21, s2  }
0x9d: {  	[timem:s6], [sflag:s22] =	dma.local [hbm:s4], s20  }
0x9e: {  	_ =	swait.ge [sflag:s22], s20  }
0x9f: {  	s3 =	ssub.s32 $0x0, s20;
	[sflag:s22] =	ssyncset.done $0x0  }
0xa0: {  	[sflag:s22] =	ssyncadd.s32 s3;
	_ =	sdelay $0x1  }
0xa1: {  	s23 =	simm.s32 $0x1B8B  }
0xa2: {  	_ =	swait.ge [sflag:s23], $0x1  }
0xa3: {  	[sflag:s23] =	ssyncset.done $0x0  }
0xa4: {  	s25 =	simm.s32 $0x1B8E;
	s24 =	sld [smem:$0x3FFE];
	[sflag:s23] =	ssyncadd.s32 $0xFFFFFFFF  }
0xa5: {  	s26 =	simm.s32 $execute0_lowered;
	[smem:$0x3FD2] =	sst s25  }
0xa6: {  	s4 =	sshll.u32 s26, $0x1;
	_ =	strace $0x8000004C;
	[dreg:$0x1] =	wrdreg $0xFFFFFFFF  }
0xa7: {  	s28 =	simm.s32 $_size_execute0_lowered;
	s2 =	sadd.s32 s2, s4;
	[dreg:$0x0] =	wrdreg $0x0  }
0xa8: {  	s4 =	sshll.u32 s28, $0x1;
	[dreg:$0x2] =	wrdreg s2  }
0xa9: {  	[dreg:$0x3] =	wrdreg s4  }
0xaa: {  	[dreg:$0x4] =	wrdreg $0xC0  }
0xab: {  	_ =	task [dreg:s6], $0x5FFFF  }
0xac: {  	[dreg:$0x1] =	wrdreg $0xFFFFFFFF  }
0xad: {  	[dreg:$0x0] =	wrdreg $0x60  }
0xae: {  	[dreg:$0x2] =	wrdreg s24  }
0xaf: {  	[dreg:$0x3] =	wrdreg $0xB0000  }
0xb0: {  	[dreg:$0x4] =	wrdreg $0x9  }
0xb1: {  	_ =	task.clear_ibuf [dreg:s6], $0x5FFFF;
	_ =	strace $0x9000004C  }
0xb2: {  	s29 =	simm.s32 $0x9;
	_ =	strace $0x8000004E  }
0xb3: {  	_ =	swait.ge [sflag:s29], $0x1  }
0xb4: {  	[sflag:s29] =	ssyncadd.s32 $0xFFFFFFFF  }
0xb5: {  	_ =	strace $0x9000004E  }
0xb6: {  	_ =	sfence  }
0xb7: {  	s30 =	sld [smem:$0x0];
	_ =	sdelay $0x2  }
0xb8: {  	s31 =	sshll.u32 s1, $0xD;
	s1 =	sshrl.u32 s1, $0x2  }
0xb9: {  	s3 =	sand.u32 $0x4000, s31;
	s1 =	sadd.s32 s1, s30  }
0xba: {  	s0 =	sor.u32 s3, s0;
	s1 =	sshll.u32 s1, $0x11  }
0xbb: {  	s0 =	sor.u32 s1, s0  }
0xbc: {  	s0 =	sadd.s32 $0x8F2B, s0  }
0xbd: {  	[sflag:s0] =	ssyncadd.remote.s32 $0x1  }
0xbe: {  	_ =	sfence.sel $0xFFFF  }
0xbf: {  	[dreg:$0x0] =	wrdreg $0xFFFFFFFF;
	(pc) =	sbr.abs _section_cstart, $3  }
0xc0: {  	[dreg:$0x1] =	wrdreg $0xFFFFFFFF  }
0xc1: {  	_ =	task.clear_ibuf [dreg:s6], $0x2FFFF;
	_ =	strace $0x9FFFFFFF  }
0xc2: {  	(tm) =	ssettm $0x7FFFFFFF  }
0xc3: {  	_ =	shalt  }
tec
execute0_lowered:
.L_overlay_start_1:
0x0: {  	(tag) =	ssettag $0x1  }
0x1: {  	s0 =	rddreg [dreg:$0x0]  }
0x2: {  	s1 =	rddreg [dreg:$0x1];
	s3 =	simm.s32 $0x0;
	s12 =	stileid.u32  }
0x3: {  	s2 =	srdreg.scid;
	s18 =	simm.s32 $0x3;
	s4 =	smul.u32 $0x14000, s12  }
0x4: {  	s28 =	simm.s32 $0x2B00;
	s15 =	sadd.s32 $0xF2C800, s0;
	s11 =	smul.u32 $0x50000, s12  }
0x5: {  	s2 =	sand.u32 $0x1, s2;
	s6 =	sshll.u32 s12, $0x1;
	s12 =	smul.u32 $0x140000, s12  }
0x6: {  	s29 =	simm.s32 $0x2B80;
	s17 =	sadd.s32 $0xA40200, s0;
	s5 =	smul.u32 $0x140000, s2  }
0x7: {  	s6 =	sor.u32 s2, s6;
	s9 =	ssub.s32 $0x2, s2;
	s2 =	smul.u32 $0xA0000, s2  }
0x8: {  	[smem:$0x7FF] =	sst s3;
	s7 =	sadd.s32 $0xF22600, s0;
	s20 =	smul.u32 $0x280, s6  }
0x9: {  	s30 =	simm.s32 $0x0;
	_ =	strace $0x8000004D;
	s10 =	smul.u32 $0x1400, s6  }
0xa: {  	s8 =	sshrl.u32 s4, $0x3;
	s21 =	sshrl.u32 s9, $0x1;
	s23 =	smul.u32 $0x14000, s6  }
0xb: {  	s25 =	sshrl.u32 s11, $0x2;
	s8 =	sadd.s32 s8, s0;
	s4 =	sadd.s32 s4, s5  }
0xc: {  	s13 =	ssub.s32 s9, s21;
	s6 =	sadd.s32 s25, s1;
	s2 =	sadd.s32 s2, s12  }
0xd: {  	s21 =	simm.s32 $0x7000;
	s4 =	sshrl.u32 s4, $0x3;
	s22 =	sshrl.u32 s10, $0x3  }
0xe: {  	s26 =	sor.u32 $0x800, s23;
	s10 =	sadd.s32 s17, s23;
	s14 =	sor.u32 $0xC000, s2  }
0xf: {  	s2 =	sor.u32 $0x8000, s2;
	s13 =	smax.u32 s13, $0x1;
	s0 =	sadd.s32 s4, s0  }
0x10: {  	s4 =	sadd.s32 s7, s20;
	s24 =	sadd.s32 s7, s22;
	s7 =	sadd.s32 $0xCC0200, s8  }
0x11: {  	s8 =	sadd.s32 s15, s23;
	s9 =	sadd.s32 s15, s26;
	s11 =	sadd.s32 s17, s26  }
0x12: {  	s31 =	sshrl.u32 s14, $0x3;
	s2 =	sshrl.u32 s2, $0x3;
	s20 =	simm.s32 $0x3000  }
0x13: {  	s22 =	simm.s32 $0x1;
	s23 =	simm.s32 $0x80;
	s5 =	sadd.s32 $0x5000, s24  }
0x14: {  	s12 =	sadd.s32 $0xCE8200, s0;
	s14 =	sadd.s32 s31, s15;
	s15 =	sadd.s32 s2, s15  }
0x15: {  	s16 =	sadd.s32 s31, s17;
	s17 =	sadd.s32 s2, s17;
	s24 =	simm.s32 $0x2  }
.LBB2_1:
0x16: {  	[tilespmem:s3], [sflag:$0x3] =	stream.linear.gather [hbm4b:s4+s3], $0x1800, $0x38;
	[tilespmem:$0x1F000] =	vst v63  }
0x17: {  	_ =	swait.ge [sflag:s18], $0x1800  }
0x18: {  	[sflag:s18] =	ssyncset.done $0x0  }
0x19: {  	s0 =	simm.s32 $0x1800;
	[sflag:s18] =	ssyncadd.s32 $0xFFFFE800  }
0x1a: {  	[tilespmem:s0], [sflag:$0x3] =	stream.linear.gather [hbm4b:s5+s3], $0x1800, $0x38;
	[tilespmem:$0x1F000] =	vst v63  }
0x1b: {  	s25 =	stileid.u32;
	_ =	swait.ge [sflag:s18], $0x1800  }
0x1c: {  	s0 =	sshll.u32 s25, $0x6;
	[sflag:s18] =	ssyncset.done $0x0  }
0x1d: {  	s31 =	sor.u32 $0x1C03, s0;
	s0 =	sshrl.u32 s6, $0x3;
	[sflag:s18] =	ssyncadd.s32 $0xFFFFE800  }
0x1e: {  	[spmem:s0], [sflag:s31] =	dma.local [hbm:s7], $0x2800  }
0x1f: {  	_ =	swait.ge [sflag:s18], $0x2800  }
0x20: {  	[sflag:s18] =	ssyncset.done $0x0  }
0x21: {  	[sflag:s18] =	ssyncadd.s32 $0xFFFFD800  }
0x22: {  	[bflag:$0x0] =	sbarrier.arrive $0xFFFF  }
0x23: {  	[tilespmem:s20], [sflag:$0x1] =	stream.linear.gather [hbm4b:s8+s3], $0x4000, $0x38;
	[tilespmem:$0x1F000] =	vst v63  }
0x24: {  	_ = 	snop  }
0x25: {  	[tilespmem:s21], [sflag:$0x2] =	stream.linear.gather [hbm4b:s9+s3], $0x4000, $0x38;
	[tilespmem:$0x1F000] =	vst v63  }
0x26: {  	_ =	swait.ge [sflag:s22], $0x4000  }
0x27: {  	[sflag:s22] =	ssyncset.done $0x0  }
0x28: {  	s2 =	simm.s32 $0x0;
	[sflag:s22] =	ssyncadd.s32 $0xFFFFC000  }
0x29: {  	[spmem:s1] =	stream.indirect.scatter.add.f32 [tilespmem:s20], [sflag:$0x3], $0x80, s2, s23, $0xb8;
	[tilespmem:$0x1F000] =	vst v63  }
0x2a: {  	_ =	swait.ge [sflag:s18], $0x4000  }
0x2b: {  	[sflag:s18] =	ssyncset.done $0x0  }
0x2c: {  	s26 =	sadd.s32 $0x0, s15;
	[sflag:s18] =	ssyncadd.s32 $0xFFFFC000  }
0x2d: {  	[tilespmem:s20], [sflag:$0x1] =	stream.linear.gather [hbm4b:s26+s3], $0x4000, $0x38;
	[tilespmem:$0x1F000] =	vst v63  }
0x2e: {  	_ =	swait.ge [sflag:s24], $0x4000  }
0x2f: {  	[sflag:s24] =	ssyncset.done $0x0  }
0x30: {  	[sflag:s24] =	ssyncadd.s32 $0xFFFFC000  }
0x31: {  	[spmem:s1] =	stream.indirect.scatter.add.f32 [tilespmem:s21], [sflag:$0x3], $0x80, s23, s23, $0xb8;
	[tilespmem:$0x1F000] =	vst v63  }
0x32: {  	_ =	swait.ge [sflag:s18], $0x4000  }
0x33: {  	s19 =	simm.s32 $0x180;
	[sflag:s18] =	ssyncset.done $0x0  }
0x34: {  	s25 =	sadd.s32 $0x0, s14;
	s2 =	simm.s32 $0x1000;
	[sflag:s18] =	ssyncadd.s32 $0xFFFFC000  }
.LBB2_2:
0x35: {  	[tilespmem:s21], [sflag:$0x2] =	stream.linear.gather [hbm4b:s25+s3], $0x4000, $0x38;
	[tilespmem:$0x1F000] =	vst v63  }
0x36: {  	s25 =	smov.u32 s2  }
0x37: {  	p0 =	sne.s32 s2, $0x12000;
	s2 =	sadd.s32 $0x1000, s2;
	_ =	swait.ge [sflag:s22], $0x4000  }
0x38: {  	[sflag:s22] =	ssyncset.done $0x0  }
0x39: {  	s26 =	sadd.s32 $0xFFFFFF80, s19;
	[sflag:s22] =	ssyncadd.s32 $0xFFFFC000  }
0x3a: {  	[spmem:s1] =	stream.indirect.scatter.add.f32 [tilespmem:s20], [sflag:$0x3], $0x80, s26, s23, $0xb8;
	[tilespmem:$0x1F000] =	vst v63  }
0x3b: {  	_ =	swait.ge [sflag:s18], $0x4000  }
0x3c: {  	[sflag:s18] =	ssyncset.done $0x0  }
0x3d: {  	s26 =	sadd.s32 s25, s15;
	[sflag:s18] =	ssyncadd.s32 $0xFFFFC000  }
0x3e: {  	[tilespmem:s20], [sflag:$0x1] =	stream.linear.gather [hbm4b:s26+s3], $0x4000, $0x38;
	[tilespmem:$0x1F000] =	vst v63  }
0x3f: {  	_ =	swait.ge [sflag:s24], $0x4000  }
0x40: {  	[sflag:s24] =	ssyncset.done $0x0  }
.Ltmp0:
0x41: {  	[sflag:s24] =	ssyncadd.s32 $0xFFFFC000;
	(pc) =	sbr.rel @p0 .LBB2_2-.Ltmp0, $4  }
0x42: {  	[spmem:s1] =	stream.indirect.scatter.add.f32 [tilespmem:s21], [sflag:$0x3], $0x80, s19, s23, $0xb8;
	[tilespmem:$0x1F000] =	vst v63  }
0x43: {  	_ =	swait.ge [sflag:s18], $0x4000  }
0x44: {  	[sflag:s18] =	ssyncset.done $0x0  }
0x45: {  	s25 =	sadd.s32 s25, s14;
	s19 =	sadd.s32 $0x100, s19;
	[sflag:s18] =	ssyncadd.s32 $0xFFFFC000  }
0x46: {  	[tilespmem:s21], [sflag:$0x2] =	stream.linear.gather [hbm4b:s25+s3], $0x4000, $0x38;
	[tilespmem:$0x1F000] =	vst v63  }
0x47: {  	_ =	swait.ge [sflag:s22], $0x4000  }
0x48: {  	[sflag:s22] =	ssyncset.done $0x0  }
0x49: {  	s2 =	simm.s32 $0x1300;
	[sflag:s22] =	ssyncadd.s32 $0xFFFFC000  }
0x4a: {  	[spmem:s1] =	stream.indirect.scatter.add.f32 [tilespmem:s20], [sflag:$0x3], $0x80, s2, s23, $0xb8;
	[tilespmem:$0x1F000] =	vst v63  }
0x4b: {  	_ =	swait.ge [sflag:s18], $0x4000  }
0x4c: {  	[sflag:s18] =	ssyncset.done $0x0  }
0x4d: {  	[sflag:s18] =	ssyncadd.s32 $0xFFFFC000  }
0x4e: {  	_ =	swait.ge [sflag:s24], $0x4000  }
0x4f: {  	[sflag:s24] =	ssyncset.done $0x0  }
0x50: {  	s25 =	simm.s32 $0x1380;
	[sflag:s24] =	ssyncadd.s32 $0xFFFFC000  }
0x51: {  	[spmem:s1] =	stream.indirect.scatter.add.f32 [tilespmem:s21], [sflag:$0x3], $0x80, s25, s23, $0xb8;
	[tilespmem:$0x1F000] =	vst v63  }
0x52: {  	_ =	swait.ge [sflag:s18], $0x4000  }
0x53: {  	[sflag:s18] =	ssyncset.done $0x0  }
0x54: {  	s26 =	simm.s32 $0x0;
	[sflag:s18] =	ssyncadd.s32 $0xFFFFC000  }
0x55: {  	[tilespmem:s20], [sflag:$0x1] =	stream.linear.gather [hbm4b:s10+s26], $0x4000, $0x38;
	[tilespmem:$0x1F000] =	vst v63  }
0x56: {  	_ = 	snop  }
0x57: {  	[tilespmem:s21], [sflag:$0x2] =	stream.linear.gather [hbm4b:s11+s26], $0x4000, $0x38;
	[tilespmem:$0x1F000] =	vst v63  }
0x58: {  	_ =	swait.ge [sflag:s22], $0x4000  }
0x59: {  	[sflag:s22] =	ssyncset.done $0x0  }
0x5a: {  	s19 =	simm.s32 $0x1800;
	[sflag:s22] =	ssyncadd.s32 $0xFFFFC000  }
0x5b: {  	[spmem:s1] =	stream.indirect.scatter.add.f32 [tilespmem:s20], [sflag:$0x3], $0x80, s19, s23, $0xb8;
	[tilespmem:$0x1F000] =	vst v63  }
0x5c: {  	_ =	swait.ge [sflag:s18], $0x4000  }
0x5d: {  	[sflag:s18] =	ssyncset.done $0x0  }
0x5e: {  	s25 =	sadd.s32 $0x0, s17;
	[sflag:s18] =	ssyncadd.s32 $0xFFFFC000  }
0x5f: {  	[tilespmem:s20], [sflag:$0x1] =	stream.linear.gather [hbm4b:s25+s3], $0x4000, $0x38;
	[tilespmem:$0x1F000] =	vst v63  }
0x60: {  	_ =	swait.ge [sflag:s24], $0x4000  }
0x61: {  	[sflag:s24] =	ssyncset.done $0x0  }
0x62: {  	s26 =	simm.s32 $0x1880;
	[sflag:s24] =	ssyncadd.s32 $0xFFFFC000  }
0x63: {  	[spmem:s1] =	stream.indirect.scatter.add.f32 [tilespmem:s21], [sflag:$0x3], $0x80, s26, s23, $0xb8;
	[tilespmem:$0x1F000] =	vst v63  }
0x64: {  	_ =	swait.ge [sflag:s18], $0x4000  }
0x65: {  	s2 =	simm.s32 $0x1000;
	[sflag:s18] =	ssyncset.done $0x0  }
0x66: {  	s19 =	simm.s32 $0x1980;
	s25 =	sadd.s32 $0x0, s16;
	[sflag:s18] =	ssyncadd.s32 $0xFFFFC000  }
.LBB2_4:
0x67: {  	[tilespmem:s21], [sflag:$0x2] =	stream.linear.gather [hbm4b:s25+s3], $0x4000, $0x38;
	[tilespmem:$0x1F000] =	vst v63  }
0x68: {  	s25 =	smov.u32 s2  }
0x69: {  	p0 =	sne.s32 s2, $0x12000;
	s2 =	sadd.s32 $0x1000, s2;
	_ =	swait.ge [sflag:s22], $0x4000  }
0x6a: {  	[sflag:s22] =	ssyncset.done $0x0  }
0x6b: {  	s26 =	sadd.s32 $0xFFFFFF80, s19;
	[sflag:s22] =	ssyncadd.s32 $0xFFFFC000  }
0x6c: {  	[spmem:s1] =	stream.indirect.scatter.add.f32 [tilespmem:s20], [sflag:$0x3], $0x80, s26, s23, $0xb8;
	[tilespmem:$0x1F000] =	vst v63  }
0x6d: {  	_ =	swait.ge [sflag:s18], $0x4000  }
0x6e: {  	[sflag:s18] =	ssyncset.done $0x0  }
0x6f: {  	s26 =	sadd.s32 s25, s17;
	[sflag:s18] =	ssyncadd.s32 $0xFFFFC000  }
0x70: {  	[tilespmem:s20], [sflag:$0x1] =	stream.linear.gather [hbm4b:s26+s3], $0x4000, $0x38;
	[tilespmem:$0x1F000] =	vst v63  }
0x71: {  	_ =	swait.ge [sflag:s24], $0x4000  }
0x72: {  	[sflag:s24] =	ssyncset.done $0x0  }
.Ltmp1:
0x73: {  	[sflag:s24] =	ssyncadd.s32 $0xFFFFC000;
	(pc) =	sbr.rel @p0 .LBB2_4-.Ltmp1, $4  }
0x74: {  	[spmem:s1] =	stream.indirect.scatter.add.f32 [tilespmem:s21], [sflag:$0x3], $0x80, s19, s23, $0xb8;
	[tilespmem:$0x1F000] =	vst v63  }
0x75: {  	_ =	swait.ge [sflag:s18], $0x4000  }
0x76: {  	[sflag:s18] =	ssyncset.done $0x0  }
0x77: {  	s25 =	sadd.s32 s25, s16;
	s19 =	sadd.s32 $0x100, s19;
	[sflag:s18] =	ssyncadd.s32 $0xFFFFC000  }
0x78: {  	[tilespmem:s21], [sflag:$0x2] =	stream.linear.gather [hbm4b:s25+s3], $0x4000, $0x38;
	[tilespmem:$0x1F000] =	vst v63  }
0x79: {  	_ =	swait.ge [sflag:s22], $0x4000  }
0x7a: {  	[sflag:s22] =	ssyncset.done $0x0  }
0x7b: {  	[sflag:s22] =	ssyncadd.s32 $0xFFFFC000  }
0x7c: {  	[spmem:s1] =	stream.indirect.scatter.add.f32 [tilespmem:s20], [sflag:$0x3], $0x80, s28, s23, $0xb8;
	[tilespmem:$0x1F000] =	vst v63  }
0x7d: {  	_ =	swait.ge [sflag:s18], $0x4000  }
0x7e: {  	[sflag:s18] =	ssyncset.done $0x0  }
0x7f: {  	[sflag:s18] =	ssyncadd.s32 $0xFFFFC000  }
0x80: {  	_ =	swait.ge [sflag:s24], $0x4000  }
0x81: {  	[sflag:s24] =	ssyncset.done $0x0  }
0x82: {  	[sflag:s24] =	ssyncadd.s32 $0xFFFFC000  }
0x83: {  	[spmem:s1] =	stream.indirect.scatter.add.f32 [tilespmem:s21], [sflag:$0x3], $0x80, s29, s23, $0xb8;
	[tilespmem:$0x1F000] =	vst v63  }
0x84: {  	_ =	swait.ge [sflag:s18], $0x4000  }
0x85: {  	s30 =	sadd.s32 $0x1, s30;
	[sflag:s18] =	ssyncset.done $0x0  }
0x86: {  	p0 =	sne.s32 s30, s13;
	[sflag:s18] =	ssyncadd.s32 $0xFFFFC000  }
.Ltmp2:
0x87: {  	[bflag:$0x0] =	sbarrier.arrive $0xFFFF;
	(pc) =	sbr.rel @p0 .LBB2_1-.Ltmp2, $4  }
0x88: {  	[hbm:s12], [sflag:s31] =	dma.local [spmem:s0], $0x2800  }
0x89: {  	_ =	swait.ge [sflag:s18], $0x2800  }
0x8a: {  	[sflag:s18] =	ssyncset.done $0x0  }
0x8b: {  	[sflag:s18] =	ssyncadd.s32 $0xFFFFD800  }
0x8c: {  	_ =	sfence.sel $0x180000  }
0x8d: {  	[bflag:$0x0] =	sbarrier.arrive $0xFFFF  }
0x8e: {  	_ =	strace $0x9000004D  }
0x8f: {  	s0 =	stileid.u32;
	[bflag:$0x2] =	sbarrier.arrive $0xFFFF  }
0x90: {  	p0 =	sne.s32 s0, $0x0;
	s0 =	rddreg [dreg:$0x2]  }
0x91: {  	s0 =	sadd.s32 @!p0 $0x100000, s0  }
0x92: {  	[sflag:s0] =	ssyncadd.tile.s32 @!p0 $0x1;
	_ =	shalt  }
.Lfunc_end2:
_tile_overlayer_lowered:
.L_overlay_start_2:
0x93: {  	(tag) =	ssettag $0x2  }
0x94: {  	s0 =	rddreg [dreg:$0x0];
	s2 =	stileid.u32  }
0x95: {  	s1 =	rddreg [dreg:$0x1];
	p0 =	sne.s32 s2, $0x0  }
0x96: {  	s3 =	rddreg [dreg:$0x2];
	[bflag:$0x3] =	sbarrier.arrive $0xFFFF;
	s2 =	simm.s32 @!p0 $0x1C03  }
0x97: {  	[timem:s3], [sflag:s2] =	dma.local @!p0 [hbm:s0], s1  }
0x98: {  	s0 =	simm.s32 @!p0 $0x3  }
0x99: {  	_ =	swait.ge @!p0 [sflag:s0], s1  }
0x9a: {  	s1 =	ssub.s32 @!p0 $0x0, s1;
	[sflag:s0] =	ssyncset.done @!p0 $0x0  }
0x9b: {  	[sflag:s0] =	ssyncadd.s32 @!p0 s1  }
0x9c: {  	[bflag:$0x3] =	sbarrier.arrive $0xFFFF  }
0x9d: {  	_ =	shalt  }

// kernel: kernel.9.cloned.1.call-start
scs
__scs_entry_jumppad:
0x0: {  	(pc) =	sbr.rel $0x88, $3  }
0x1: {  	(tag) =	ssettag $0x0;
	lr =	simm.s32 $0x1  }
0x2: {  	[smem:$0x3F96] =	sst lr;
	_ =	strace $0xD0000000  }
0x3: {  	_ = 	snop  }
0x4: {  	_ = 	snop  }
0x5: {  	_ = 	snop  }
0x6: {  	_ = 	snop  }
0x7: {  	_ = 	snop  }
__scs_overlays_trampoline_lowered:
0x8: {  	[smem:$0x3FA5] =	sst s0  }
0x9: {  	[smem:$0x3FA6] =	sst s1  }
0xa: {  	[smem:$0x3FA7] =	sst s2  }
0xb: {  	[smem:$0x3FA8] =	sst s3  }
0xc: {  	[smem:$0x3FA9] =	sst s4  }
0xd: {  	[smem:$0x3FAA] =	sst s5  }
0xe: {  	[smem:$0x3FAB] =	sst s6  }
0xf: {  	[smem:$0x3FAC] =	sst s7  }
0x10: {  	[smem:$0x3FAD] =	sst s8  }
0x11: {  	[smem:$0x3FAE] =	sst s9;
	s0 =	simm.s32 @!p0 $0x0  }
0x12: {  	s1 =	sld [smem:$0x3F94];
	s0 =	simm.s32 @p0 $0x1  }
0x13: {  	[smem:$0x3FAF] =	sst s0;
	s0 =	simm.s32 @!p1 $0x0  }
0x14: {  	s2 =	sld [smem:$0x3F93];
	s0 =	simm.s32 @p1 $0x1  }
0x15: {  	[smem:$0x3FB0] =	sst s0;
	s0 =	simm.s32 @!p2 $0x0  }
0x16: {  	s3 =	sld [smem:$0x3FDB];
	s0 =	simm.s32 @p2 $0x1  }
0x17: {  	s4 =	simm.s32 $0x1BF5;
	[smem:$0x3FB2] =	sst s0  }
0x18: {  	s0 =	sld [smem:$0x3F95];
	_ =	swait.ge [sflag:s4], $0x0  }
0x19: {  	s7 =	sld [smem:$0x3F96]  }
0x1a: {  	s8 =	sadd.s32 $0xFFFFE003, lr  }
0x1b: {  	s9 =	sadd.s32 $0xFFFFFEF7, lr;
	s5 =	simm.s32 $0xFFFFFFFF;
	p2 =	slt.u32 s8, $0xFFFFF086  }
0x1c: {  	p1 =	slt.u32 s9, $0xF7A;
	s5 =	simm.s32 @!p2 $0x0  }
0x1d: {  	s5 =	simm.s32 @p1 $0x1;
	p0 =	seq.s32 s7, s2  }
0x1e: {  	s7 =	smul.u32 @!p0 $0xF7A, s2;
	p2 =	seq.s32 @!p0 s5, $0x0  }
0x1f: {  	s9 =	smul.u32 $0xF7A, s1;
	s8 =	simm.s32 @!p0 $0x1BF5;
	p2 =	por !p2, p0  }
0x20: {  	[sflag:s8] =	ssyncset.s32 @!p0 $0xFFFFF086;
	s6 =	sadd.s32 @!p0 s3, s7;
	s7 =	simm.s32 @!p0 $0x108  }
0x21: {  	s3 =	sadd.s32 s3, s9;
	s6 =	sadd.s32 @!p0 $0x88, s6;
	s7 =	simm.s32 @p2 $0x1082  }
0x22: {  	[simem:s7], [sflag:s8] =	dma.local @!p0 [hbm:s6], $0xF7A  }
0x23: {  	s9 =	sor.u32 $0xD0000000, s2;
	s6 =	simm.s32 $0x108;
	_ =	swait.ge @!p0 [sflag:s8], $0x0  }
0x24: {  	s3 =	sadd.s32 $0x88, s3;
	s6 =	simm.s32 @!p1 $0x1082;
	[sflag:s4] =	ssyncset.s32 $0xFFFFF086  }
0x25: {  	[simem:s6], [sflag:s4] =	dma.local [hbm:s3], $0xF7A  }
0x26: {  	[smem:$0x3F96] =	sst s1;
	(tag) =	ssettag s2;
	_ =	strace s9  }
0x27: {  	s1 =	sld [smem:$0x3FA6]  }
0x28: {  	s2 =	sld [smem:$0x3FA7]  }
0x29: {  	s4 =	sld [smem:$0x3FA9]  }
0x2a: {  	p0 =	seq.s32 s5, $0x0;
	s5 =	sld [smem:$0x3FAA]  }
0x2b: {  	s6 =	sld [smem:$0x3FAB]  }
0x2c: {  	s7 =	sld [smem:$0x3FAC]  }
0x2d: {  	s3 =	simm.s32 $0x108;
	s8 =	sld [smem:$0x3FAD]  }
0x2e: {  	s3 =	simm.s32 @!p0 $0x1082;
	s9 =	sld [smem:$0x3FAE]  }
0x2f: {  	lr =	sadd.s32 s0, s3;
	s0 =	sld [smem:$0x3FA5]  }
0x30: {  	s3 =	sld [smem:$0x3FA8]  }
0x31: {  	[smem:$0x3FB1] =	sst s10  }
0x32: {  	s10 =	sld [smem:$0x3FAF];
	_ =	sdelay $0x3  }
0x33: {  	p0 =	seq.s32 s10, $0x1;
	s10 =	sld [smem:$0x3FB1];
	_ =	sdelay $0x3  }
0x34: {  	[smem:$0x3FB1] =	sst s10  }
0x35: {  	s10 =	sld [smem:$0x3FB0];
	_ =	sdelay $0x3  }
0x36: {  	p1 =	seq.s32 s10, $0x1;
	s10 =	sld [smem:$0x3FB1];
	_ =	sdelay $0x3  }
0x37: {  	[smem:$0x3FB1] =	sst s10  }
0x38: {  	s10 =	sld [smem:$0x3FB2]  }
0x39: {  	_ = 	snop;
	(pc) =	sbr.ind lr, $3  }
0x3a: {  	_ = 	snop  }
0x3b: {  	_ = 	snop  }
0x3c: {  	p2 =	seq.s32 s10, $0x1;
	s10 =	sld [smem:$0x3FB1]  }
0x3d: {  	_ =	shalt  }
0x3e: {  	_ =	shalt  }
0x3f: {  	_ =	shalt  }
0x40: {  	_ =	shalt  }
0x41: {  	_ =	shalt  }
0x42: {  	_ =	shalt  }
0x43: {  	_ =	shalt  }
0x44: {  	_ =	shalt  }
0x45: {  	_ =	shalt  }
0x46: {  	_ =	shalt  }
0x47: {  	_ =	shalt  }
0x48: {  	_ =	shalt  }
0x49: {  	_ =	shalt  }
0x4a: {  	_ =	shalt  }
0x4b: {  	_ =	shalt  }
0x4c: {  	_ =	shalt  }
0x4d: {  	_ =	shalt  }
0x4e: {  	_ =	shalt  }
0x4f: {  	_ =	shalt  }
0x50: {  	_ =	shalt  }
0x51: {  	_ =	shalt  }
0x52: {  	_ =	shalt  }
0x53: {  	_ =	shalt  }
0x54: {  	_ =	shalt  }
0x55: {  	_ =	shalt  }
0x56: {  	_ =	shalt  }
0x57: {  	_ =	shalt  }
0x58: {  	_ =	shalt  }
0x59: {  	_ =	shalt  }
0x5a: {  	_ =	shalt  }
0x5b: {  	_ =	shalt  }
0x5c: {  	_ =	shalt  }
0x5d: {  	_ =	shalt  }
0x5e: {  	_ =	shalt  }
0x5f: {  	_ =	shalt  }
0x60: {  	_ =	shalt  }
0x61: {  	_ =	shalt  }
0x62: {  	_ =	shalt  }
0x63: {  	_ =	shalt  }
0x64: {  	_ =	shalt  }
0x65: {  	_ =	shalt  }
0x66: {  	_ =	shalt  }
0x67: {  	_ =	shalt  }
0x68: {  	_ =	shalt  }
0x69: {  	_ =	shalt  }
0x6a: {  	_ =	shalt  }
0x6b: {  	_ =	shalt  }
0x6c: {  	_ =	shalt  }
0x6d: {  	_ =	shalt  }
0x6e: {  	_ =	shalt  }
0x6f: {  	_ =	shalt  }
0x70: {  	_ =	shalt  }
0x71: {  	_ =	shalt  }
0x72: {  	_ =	shalt  }
0x73: {  	_ =	shalt  }
0x74: {  	_ =	shalt  }
0x75: {  	_ =	shalt  }
0x76: {  	_ =	shalt  }
0x77: {  	_ =	shalt  }
0x78: {  	_ =	shalt  }
0x79: {  	_ =	shalt  }
0x7a: {  	_ =	shalt  }
0x7b: {  	_ =	shalt  }
0x7c: {  	_ =	shalt  }
0x7d: {  	_ =	shalt  }
0x7e: {  	_ =	shalt  }
0x7f: {  	_ =	shalt  }
0x80: {  	_ =	shalt  }
0x81: {  	_ =	shalt  }
0x82: {  	_ =	shalt  }
0x83: {  	_ =	shalt  }
0x84: {  	_ =	shalt  }
0x85: {  	_ =	shalt  }
0x86: {  	_ =	shalt  }
0x87: {  	_ =	shalt  }
.Lfunc_end0:
.L_simem_size_0:
called_computation_lowered:
.L_overlay_start_0:
0x88: {  	s2 =	sld [smem:$0x3FD9]  }
0x89: {  	s3 =	sld [smem:$0x3FFE];
	_ =	sdelay $0x1  }
0x8a: {  	s1 =	srdreg.scid  }
0x8b: {  	s0 =	sand.u32 $0x1, s1  }
0x8c: {  	s17 =	sshll.u32 s0, $0xA;
	s2 =	sadd.s32 s3, s2  }
0x8d: {  	s2 =	sadd.s32 s2, s17  }
0x8e: {  	[smem:$0x3FBD] =	sst s2  }
0x8f: {  	_ = 	snop  }
0x90: {  	s18 =	sld [smem:$0x3FD0];
	(tm) =	ssettm $0x1  }
0x91: {  	s19 =	sld [smem:$0x3FFB];
	_ =	sdelay $0x3  }
0x92: {  	_ =	strace s19  }
0x93: {  	s2 =	sld [smem:$0x3FFC];
	_ =	sdelay $0x3  }
0x94: {  	_ =	strace s2  }
0x95: {  	s2 =	sld [smem:$0x3FFD];
	_ =	sdelay $0x3  }
0x96: {  	_ =	strace s2  }
0x97: {  	_ =	strace $0x8FFFFFFF  }
0x98: {  	s20 =	sld [smem:$0x3FDB];
	_ =	sdelay $0x1  }
0x99: {  	s4 =	simm.s32 $_scs_section_size  }
0x9a: {  	s5 =	simm.s32 $_size__tile_overlayer_lowered;
	s6 =	simm.s32 $_tile_overlayer_lowered  }
0x9b: {  	s7 =	simm.s32 $0x1BFF;
	s21 =	sshll.u32 s6, $0x1;
	s4 =	sadd.s32 s4, s20  }
0x9c: {  	s22 =	simm.s32 $0x0;
	s5 =	sshll.u32 s5, $0x1;
	s6 =	sadd.s32 s21, s4  }
0x9d: {  	[timem:s22], [sflag:s7] =	dma.local [hbm:s6], s5  }
0x9e: {  	_ =	swait.ge [sflag:s7], s5  }
0x9f: {  	s5 =	ssub.s32 $0x0, s5;
	[sflag:s7] =	ssyncset.done $0x0  }
0xa0: {  	[sflag:s7] =	ssyncadd.s32 s5;
	_ =	sdelay $0x1  }
0xa1: {  	s23 =	simm.s32 $0x1B8B  }
0xa2: {  	_ =	swait.ge [sflag:s23], $0x1  }
0xa3: {  	[sflag:s23] =	ssyncset.done $0x0  }
0xa4: {  	[sflag:s23] =	ssyncadd.s32 $0xFFFFFFFF  }
0xa5: {  	s5 =	sld [smem:$0x0]  }
0xa6: {  	s6 =	sand.u32 $0xFFFFFFFE, s1  }
0xa7: {  	p0 =	sne.s32 s1, s6  }
0xa8: {  	s6 =	sshll.u32 @p0 s6, $0xE  }
0xa9: {  	s6 =	sadd.s32 @p0 $0x11B8D, s6;
	s7 =	sshll.u32 @p0 s5, $0x11  }
0xaa: {  	s6 =	sor.u32 @p0 s7, s6  }
0xab: {  	[sflag:s6] =	ssyncadd.remote.s32 @p0 $0x1;
	_ =	sdelay $0x1  }
0xac: {  	s6 =	simm.s32 @p0 $0x1B8D  }
0xad: {  	_ =	swait.eq @p0 [sflag:s6], $0x1  }
0xae: {  	[sflag:s6] =	ssyncadd.s32 @p0 $0xFFFFFFFF  }
0xaf: {  	s7 =	sshll.u32 @!p0 s1, $0xE  }
0xb0: {  	s7 =	sor.u32 @!p0 $0x4000, s7;
	s6 =	simm.s32 @!p0 $0x1B8D  }
0xb1: {  	s5 =	sshll.u32 @!p0 s5, $0x11;
	s7 =	sadd.s32 @!p0 $0x11B8D, s7;
	_ =	swait.eq @!p0 [sflag:s6], $0x1  }
0xb2: {  	s5 =	sor.u32 @!p0 s5, s7;
	[sflag:s6] =	ssyncadd.s32 @!p0 $0xFFFFFFFF  }
0xb3: {  	s25 =	simm.s32 $0x1B8E;
	s24 =	sld [smem:$0x3FFE];
	[sflag:s5] =	ssyncadd.remote.s32 @!p0 $0x1  }
0xb4: {  	s26 =	simm.s32 $execute0_lowered;
	[smem:$0x3FD2] =	sst s25  }
0xb5: {  	s6 =	sshll.u32 s26, $0x1;
	_ =	strace $0x80000049;
	[dreg:$0x1] =	wrdreg $0xFFFFFFFF  }
0xb6: {  	s28 =	simm.s32 $_size_execute0_lowered;
	s4 =	sadd.s32 s4, s6;
	[dreg:$0x0] =	wrdreg $0x0  }
0xb7: {  	s6 =	sshll.u32 s28, $0x1;
	[dreg:$0x2] =	wrdreg s4  }
0xb8: {  	[dreg:$0x3] =	wrdreg s6  }
0xb9: {  	[dreg:$0x4] =	wrdreg $0xC0  }
0xba: {  	_ =	task [dreg:s22], $0x5FFFF  }
0xbb: {  	[dreg:$0x1] =	wrdreg $0xFFFFFFFF  }
0xbc: {  	[dreg:$0x0] =	wrdreg $0x60  }
0xbd: {  	[dreg:$0x2] =	wrdreg s18  }
0xbe: {  	[dreg:$0x3] =	wrdreg s24  }
0xbf: {  	[dreg:$0x4] =	wrdreg $0x9  }
0xc0: {  	_ =	task.clear_ibuf [dreg:s22], $0x5FFFF;
	_ =	strace $0x90000049  }
0xc1: {  	s29 =	simm.s32 $0x9;
	_ =	strace $0x8000004B  }
0xc2: {  	_ =	swait.ge [sflag:s29], $0x1  }
0xc3: {  	[sflag:s29] =	ssyncadd.s32 $0xFFFFFFFF  }
0xc4: {  	_ =	strace $0x9000004B  }
0xc5: {  	_ =	sfence  }
0xc6: {  	s30 =	sld [smem:$0x0];
	_ =	sdelay $0x2  }
0xc7: {  	s31 =	sshll.u32 s1, $0xD;
	s1 =	sshrl.u32 s1, $0x2  }
0xc8: {  	s4 =	sand.u32 $0x4000, s31;
	s1 =	sadd.s32 s1, s30  }
0xc9: {  	s0 =	sor.u32 s4, s0;
	s1 =	sshll.u32 s1, $0x11  }
0xca: {  	s0 =	sor.u32 s1, s0  }
0xcb: {  	s0 =	sadd.s32 $0x8F2B, s0  }
0xcc: {  	[sflag:s0] =	ssyncadd.remote.s32 $0x1  }
0xcd: {  	_ =	sfence.sel $0xFFFF  }
0xce: {  	[dreg:$0x0] =	wrdreg $0xFFFFFFFF;
	(pc) =	sbr.abs _section_cstart, $3  }
0xcf: {  	[dreg:$0x1] =	wrdreg $0xFFFFFFFF  }
0xd0: {  	_ =	task.clear_ibuf [dreg:s22], $0x2FFFF;
	_ =	strace $0x9FFFFFFF  }
0xd1: {  	(tm) =	ssettm $0x7FFFFFFF  }
tec
execute0_lowered:
.L_overlay_start_1:
0x0: {  	(tag) =	ssettag $0x1  }
0x1: {  	s2 =	rddreg [dreg:$0x0]  }
0x2: {  	s0 =	srdreg.scid;
	s11 =	stileid.u32  }
0x3: {  	s1 =	rddreg [dreg:$0x1];
	s3 =	simm.s32 $0x0;
	s14 =	simm.s32 $0x40  }
0x4: {  	s15 =	simm.s32 $0x2800;
	s16 =	simm.s32 $0xA800;
	s17 =	simm.s32 $0x4800  }
0x5: {  	s19 =	simm.s32 $0xC800;
	s21 =	simm.s32 $0x6800;
	s28 =	simm.s32 $0x10800  }
0x6: {  	s29 =	simm.s32 $0x1;
	s30 =	simm.s32 $0x2;
	s31 =	simm.s32 $0x3  }
0x7: {  	s20 =	simm.s32 $0x7;
	s22 =	simm.s32 $0x8;
	s6 =	smul.u32 $0x140000, s11  }
0x8: {  	s0 =	sand.u32 $0x1, s0;
	s4 =	sshll.u32 s11, $0x1;
	s11 =	smul.u32 $0x28000, s11  }
0x9: {  	[smem:$0x7FF] =	sst s3;
	s10 =	sadd.s32 $0x540200, s1;
	s8 =	smul.u32 $0xA0000, s0  }
0xa: {  	s4 =	sor.u32 s0, s4;
	s7 =	ssub.s32 $0x2, s0;
	s0 =	smul.u32 $0x14000, s0  }
0xb: {  	_ =	strace $0x8000004A;
	s5 =	smul.u32 $0x1400, s4;
	s4 =	sadd.s32 $0xF000, s1  }
0xc: {  	s9 =	sshrl.u32 s7, $0x1;
	s26 =	sadd.s32 s11, s10;
	s8 =	sadd.s32 s8, s6  }
0xd: {  	s7 =	ssub.s32 s7, s9;
	s5 =	sshrl.u32 s5, $0x3;
	s24 =	sshrl.u32 s8, $0x3  }
0xe: {  	s25 =	smax.u32 s7, $0x1;
	s5 =	sadd.s32 s5, s1;
	s1 =	sadd.s32 $0x7C0200, s1  }
.Ltmp0:
0xf: {  	[dreg:$0x5] =	wrdreg s25;
	s9 =	sadd.s32 s24, s10;
	(pc) =	sbr.rel .LBB2_1-.Ltmp0, $4  }
0x10: {  	s10 =	sadd.s32 s0, s26;
	s25 =	simm.s32 $0x8800;
	s23 =	sadd.s32 $0x53B200, s5  }
0x11: {  	s5 =	sadd.s32 $0x536200, s5;
	s8 =	sadd.s32 s24, s1;
	[dreg:$0x3] =	wrdreg s23  }
0x12: {  	s1 =	sadd.s32 s11, s1;
	s24 =	simm.s32 $0x0;
	[dreg:$0x4] =	wrdreg s5  }
0x13: {  	s11 =	sadd.s32 s0, s1;
	s23 =	simm.s32 $0xE800;
	s1 =	simm.s32 $0x4  }
.LBB2_4:
0x14: {  	s0 =	simm.s32 $0x5  }
0x15: {  	_ =	swait.ge [sflag:s0], $0x2000  }
0x16: {  	[sflag:s0] =	ssyncset.done $0x0  }
0x17: {  	[sflag:s0] =	ssyncadd.s32 $0xFFFFE000  }
0x18: {  	_ =	swait.ge [sflag:s0], $0x2000  }
0x19: {  	[sflag:s0] =	ssyncset.done $0x0  }
0x1a: {  	s18 =	simm.s32 $0x6;
	[sflag:s0] =	ssyncadd.s32 $0xFFFFE000  }
0x1b: {  	_ =	swait.ge [sflag:s18], $0x2000  }
0x1c: {  	[sflag:s18] =	ssyncset.done $0x0  }
0x1d: {  	[sflag:s18] =	ssyncadd.s32 $0xFFFFE000  }
0x1e: {  	_ =	swait.ge [sflag:s18], $0x2000  }
0x1f: {  	[sflag:s18] =	ssyncset.done $0x0  }
0x20: {  	[sflag:s18] =	ssyncadd.s32 $0xFFFFE000  }
0x21: {  	_ =	swait.ge [sflag:s20], $0x2000  }
0x22: {  	[sflag:s20] =	ssyncset.done $0x0  }
0x23: {  	[sflag:s20] =	ssyncadd.s32 $0xFFFFE000  }
0x24: {  	_ =	swait.ge [sflag:s20], $0x2000  }
0x25: {  	[sflag:s20] =	ssyncset.done $0x0  }
0x26: {  	[sflag:s20] =	ssyncadd.s32 $0xFFFFE000  }
0x27: {  	_ =	swait.ge [sflag:s22], $0x2000  }
0x28: {  	[sflag:s22] =	ssyncset.done $0x0  }
0x29: {  	[sflag:s22] =	ssyncadd.s32 $0xFFFFE000  }
0x2a: {  	_ =	swait.ge [sflag:s22], $0x2000  }
0x2b: {  	s24 =	sadd.s32 $0x1, s24;
	s26 =	rddreg [dreg:$0x5]  }
0x2c: {  	p0 =	sne.s32 s24, s26  }
.Ltmp1:
0x2d: {  	_ = 	snop;
	(pc) =	sbr.rel @!p0 .LBB2_5-.Ltmp1, $3  }
0x2e: {  	_ =	sdelay $0x1  }
0x2f: {  	[sflag:s22] =	ssyncset.done $0x0  }
0x30: {  	[sflag:s22] =	ssyncadd.s32 $0xFFFFE000  }
.LBB2_1:
0x31: {  	s0 =	rddreg [dreg:$0x3];
	s5 =	simm.s32 $0x9  }
0x32: {  	[tilespmem:s3], [sflag:$0x9] =	stream.linear.gather [hbm4b:s0+s3], $0x1400, $0x38;
	[tilespmem:$0x12800] =	vst v63  }
0x33: {  	_ =	swait.ge [sflag:s5], $0x1400  }
0x34: {  	[sflag:s5] =	ssyncset.done $0x0  }
0x35: {  	s6 =	simm.s32 $0x1400;
	s26 =	rddreg [dreg:$0x4];
	[sflag:s5] =	ssyncadd.s32 $0xFFFFEC00  }
0x36: {  	[tilespmem:s6], [sflag:$0x9] =	stream.linear.gather [hbm4b:s26+s3], $0x1400, $0x38;
	[tilespmem:$0x12800] =	vst v63  }
0x37: {  	_ =	swait.ge [sflag:s5], $0x1400  }
0x38: {  	[sflag:s5] =	ssyncset.done $0x0  }
0x39: {  	[sflag:s5] =	ssyncadd.s32 $0xFFFFEC00  }
0x3a: {  	[tilespmem:s15], [sflag:$0x1] =	stream.indirect.gather [hbm4b:s2+s14], $0x80, s3, s14, $0xb8;
	[tilespmem:$0x12800] =	vst v63  }
0x3b: {  	_ = 	snop  }
0x3c: {  	[tilespmem:s16], [sflag:$0x1] =	stream.indirect.gather [hbm4b:s4+s14], $0x80, s6, s14, $0xb8;
	[tilespmem:$0x12800] =	vst v63  }
0x3d: {  	_ = 	snop  }
0x3e: {  	[tilespmem:s17], [sflag:$0x2] =	stream.indirect.gather [hbm4b:s2+s14], $0x80, s14, s14, $0xb8;
	[tilespmem:$0x12800] =	vst v63  }
0x3f: {  	s7 =	simm.s32 $0x1440  }
0x40: {  	[tilespmem:s19], [sflag:$0x2] =	stream.indirect.gather [hbm4b:s4+s14], $0x80, s7, s14, $0xb8;
	[tilespmem:$0x12800] =	vst v63  }
0x41: {  	s12 =	simm.s32 $0x80  }
0x42: {  	[tilespmem:s21], [sflag:$0x3] =	stream.indirect.gather [hbm4b:s2+s14], $0x80, s12, s14, $0xb8;
	[tilespmem:$0x12800] =	vst v63  }
0x43: {  	s13 =	simm.s32 $0x1480  }
0x44: {  	[tilespmem:s23], [sflag:$0x3] =	stream.indirect.gather [hbm4b:s4+s14], $0x80, s13, s14, $0xb8;
	[tilespmem:$0x12800] =	vst v63  }
0x45: {  	s18 =	simm.s32 $0xC0  }
0x46: {  	[tilespmem:s25], [sflag:$0x4] =	stream.indirect.gather [hbm4b:s2+s14], $0x80, s18, s14, $0xb8;
	[tilespmem:$0x12800] =	vst v63  }
0x47: {  	s26 =	simm.s32 $0x14C0  }
0x48: {  	[tilespmem:s28], [sflag:$0x4] =	stream.indirect.gather [hbm4b:s4+s14], $0x80, s26, s14, $0xb8;
	[tilespmem:$0x12800] =	vst v63  }
0x49: {  	s5 =	simm.s32 $0x0;
	s26 =	simm.s32 $0x0  }
.LBB2_2:
0x4a: {  	_ =	swait.ge [sflag:s29], $0x2000  }
0x4b: {  	[sflag:s29] =	ssyncset.done $0x0  }
0x4c: {  	[sflag:s29] =	ssyncadd.s32 $0xFFFFE000  }
0x4d: {  	_ =	swait.ge [sflag:s29], $0x2000  }
0x4e: {  	[sflag:s29] =	ssyncset.done $0x0  }
0x4f: {  	s6 =	sadd.s32 s5, s9;
	p0 =	seq.s32 s5, $0x13000;
	[sflag:s29] =	ssyncadd.s32 $0xFFFFE000  }
0x50: {  	[hbm4b:s6+s3] =	stream.linear.scatter [tilespmem:s15], [sflag:$0x5], $0x2000, $0x38;
	[tilespmem:$0x12800] =	vst v63  }
0x51: {  	s18 =	sadd.s32 s5, s8;
	s6 =	simm.s32 @!p0 $0x5  }
0x52: {  	[hbm4b:s18+s3] =	stream.linear.scatter [tilespmem:s16], [sflag:$0x5], $0x2000, $0x38;
	[tilespmem:$0x12800] =	vst v63  }
0x53: {  	_ =	swait.ge @!p0 [sflag:s6], $0x2000  }
0x54: {  	[sflag:s6] =	ssyncset.done @!p0 $0x0  }
0x55: {  	[sflag:s6] =	ssyncadd.s32 @!p0 $0xFFFFE000  }
0x56: {  	_ =	swait.ge @!p0 [sflag:s6], $0x2000  }
0x57: {  	[sflag:s6] =	ssyncset.done @!p0 $0x0  }
0x58: {  	[sflag:s6] =	ssyncadd.s32 @!p0 $0xFFFFE000;
	s6 =	sshra.s32 @!p0 s26, $0x2  }
0x59: {  	s13 =	simm.s32 @!p0 $0x40;
	s12 =	simm.s32 @!p0 $0x2800;
	s7 =	sadd.s32 @!p0 $0x100, s6  }
0x5a: {  	[tilespmem:s12], [sflag:$0x1] =	stream.indirect.gather @!p0 [hbm4b:s2+s13], $0x80, s7, s13, $0xb8;
	[tilespmem:$0x12800] =	vst v63  }
0x5b: {  	s7 =	sadd.s32 @!p0 $0x1500, s6;
	s12 =	simm.s32 @!p0 $0xA800  }
0x5c: {  	[tilespmem:s12], [sflag:$0x1] =	stream.indirect.gather @!p0 [hbm4b:s4+s13], $0x80, s7, s13, $0xb8;
	[tilespmem:$0x12800] =	vst v63  }
0x5d: {  	_ =	swait.ge [sflag:s30], $0x2000  }
0x5e: {  	[sflag:s30] =	ssyncset.done $0x0  }
0x5f: {  	[sflag:s30] =	ssyncadd.s32 $0xFFFFE000  }
0x60: {  	_ =	swait.ge [sflag:s30], $0x2000  }
0x61: {  	s7 =	sadd.s32 s5, s10;
	[sflag:s30] =	ssyncset.done $0x0  }
0x62: {  	s12 =	sadd.s32 s5, s11;
	s0 =	sadd.s32 $0x400, s7;
	[sflag:s30] =	ssyncadd.s32 $0xFFFFE000  }
0x63: {  	[hbm4b:s0+s3] =	stream.linear.scatter [tilespmem:s17], [sflag:$0x6], $0x2000, $0x38;
	[tilespmem:$0x12800] =	vst v63  }
0x64: {  	s0 =	sadd.s32 $0x400, s12  }
0x65: {  	[hbm4b:s0+s3] =	stream.linear.scatter [tilespmem:s19], [sflag:$0x6], $0x2000, $0x38;
	[tilespmem:$0x12800] =	vst v63  }
0x66: {  	s0 =	simm.s32 @!p0 $0x6  }
0x67: {  	_ =	swait.ge @!p0 [sflag:s0], $0x2000  }
0x68: {  	[sflag:s0] =	ssyncset.done @!p0 $0x0  }
0x69: {  	[sflag:s0] =	ssyncadd.s32 @!p0 $0xFFFFE000  }
0x6a: {  	_ =	swait.ge @!p0 [sflag:s0], $0x2000  }
0x6b: {  	[sflag:s0] =	ssyncset.done @!p0 $0x0  }
0x6c: {  	s18 =	simm.s32 @!p0 $0x4800;
	[sflag:s0] =	ssyncadd.s32 @!p0 $0xFFFFE000;
	s0 =	sadd.s32 @!p0 $0x140, s6  }
0x6d: {  	[tilespmem:s18], [sflag:$0x2] =	stream.indirect.gather @!p0 [hbm4b:s2+s13], $0x80, s0, s13, $0xb8;
	[tilespmem:$0x12800] =	vst v63  }
0x6e: {  	s0 =	sadd.s32 @!p0 $0x1540, s6;
	s18 =	simm.s32 @!p0 $0xC800  }
0x6f: {  	[tilespmem:s18], [sflag:$0x2] =	stream.indirect.gather @!p0 [hbm4b:s4+s13], $0x80, s0, s13, $0xb8;
	[tilespmem:$0x12800] =	vst v63  }
0x70: {  	_ =	swait.ge [sflag:s31], $0x2000  }
0x71: {  	[sflag:s31] =	ssyncset.done $0x0  }
0x72: {  	[sflag:s31] =	ssyncadd.s32 $0xFFFFE000  }
0x73: {  	_ =	swait.ge [sflag:s31], $0x2000  }
0x74: {  	[sflag:s31] =	ssyncset.done $0x0  }
0x75: {  	s18 =	sadd.s32 $0x800, s7;
	[sflag:s31] =	ssyncadd.s32 $0xFFFFE000  }
0x76: {  	[hbm4b:s18+s3] =	stream.linear.scatter [tilespmem:s21], [sflag:$0x7], $0x2000, $0x38;
	[tilespmem:$0x12800] =	vst v63  }
0x77: {  	s0 =	simm.s32 @!p0 $0x7;
	s18 =	sadd.s32 $0x800, s12  }
0x78: {  	[hbm4b:s18+s3] =	stream.linear.scatter [tilespmem:s23], [sflag:$0x7], $0x2000, $0x38;
	[tilespmem:$0x12800] =	vst v63  }
0x79: {  	_ =	swait.ge @!p0 [sflag:s0], $0x2000  }
0x7a: {  	[sflag:s0] =	ssyncset.done @!p0 $0x0  }
0x7b: {  	[sflag:s0] =	ssyncadd.s32 @!p0 $0xFFFFE000  }
0x7c: {  	_ =	swait.ge @!p0 [sflag:s0], $0x2000  }
0x7d: {  	[sflag:s0] =	ssyncset.done @!p0 $0x0  }
0x7e: {  	s18 =	simm.s32 @!p0 $0x6800;
	[sflag:s0] =	ssyncadd.s32 @!p0 $0xFFFFE000;
	s0 =	sadd.s32 @!p0 $0x180, s6  }
0x7f: {  	[tilespmem:s18], [sflag:$0x3] =	stream.indirect.gather @!p0 [hbm4b:s2+s13], $0x80, s0, s13, $0xb8;
	[tilespmem:$0x12800] =	vst v63  }
0x80: {  	s0 =	sadd.s32 @!p0 $0x1580, s6;
	s6 =	simm.s32 @!p0 $0xE800  }
0x81: {  	[tilespmem:s6], [sflag:$0x3] =	stream.indirect.gather @!p0 [hbm4b:s4+s13], $0x80, s0, s13, $0xb8;
	[tilespmem:$0x12800] =	vst v63  }
0x82: {  	_ =	swait.ge [sflag:s1], $0x2000  }
0x83: {  	[sflag:s1] =	ssyncset.done $0x0  }
0x84: {  	[sflag:s1] =	ssyncadd.s32 $0xFFFFE000  }
0x85: {  	_ =	swait.ge [sflag:s1], $0x2000  }
.Ltmp2:
0x86: {  	[sflag:s1] =	ssyncset.done $0x0;
	(pc) =	sbr.rel @p0 .LBB2_4-.Ltmp2, $4  }
0x87: {  	s13 =	sadd.s32 $0xC00, s7;
	[sflag:s1] =	ssyncadd.s32 $0xFFFFE000  }
0x88: {  	[hbm4b:s13+s3] =	stream.linear.scatter [tilespmem:s25], [sflag:$0x8], $0x2000, $0x38;
	[tilespmem:$0x12800] =	vst v63  }
0x89: {  	s18 =	sadd.s32 $0xC00, s12  }
0x8a: {  	[hbm4b:s18+s3] =	stream.linear.scatter [tilespmem:s28], [sflag:$0x8], $0x2000, $0x38;
	[tilespmem:$0x12800] =	vst v63  }
0x8b: {  	_ =	swait.ge [sflag:s22], $0x2000  }
0x8c: {  	[sflag:s22] =	ssyncset.done $0x0  }
0x8d: {  	[sflag:s22] =	ssyncadd.s32 $0xFFFFE000  }
0x8e: {  	_ =	swait.ge [sflag:s22], $0x2000  }
.Ltmp3:
0x8f: {  	s0 =	sshra.s32 s26, $0x2;
	[sflag:s22] =	ssyncset.done $0x0;
	(pc) =	sbr.rel .LBB2_2-.Ltmp3, $4  }
0x90: {  	s6 =	sadd.s32 $0x1C0, s0;
	[sflag:s22] =	ssyncadd.s32 $0xFFFFE000  }
0x91: {  	[tilespmem:s25], [sflag:$0x4] =	stream.indirect.gather [hbm4b:s2+s14], $0x80, s6, s14, $0xb8;
	[tilespmem:$0x12800] =	vst v63  }
0x92: {  	s5 =	sadd.s32 $0x1000, s5;
	s26 =	sadd.s32 $0x400, s26;
	s0 =	sadd.s32 $0x15C0, s0  }
0x93: {  	[tilespmem:s28], [sflag:$0x4] =	stream.indirect.gather [hbm4b:s4+s14], $0x80, s0, s14, $0xb8;
	[tilespmem:$0x12800] =	vst v63  }
.LBB2_5:
0x94: {  	_ =	sfence.sel $0x180000  }
0x95: {  	[bflag:$0x0] =	sbarrier.arrive $0xFFFF  }
0x96: {  	_ =	strace $0x9000004A  }
0x97: {  	s0 =	stileid.u32;
	[bflag:$0x2] =	sbarrier.arrive $0xFFFF  }
0x98: {  	p0 =	sne.s32 s0, $0x0;
	s0 =	rddreg [dreg:$0x2]  }
0x99: {  	s0 =	sadd.s32 @!p0 $0x100000, s0  }
0x9a: {  	[sflag:s0] =	ssyncadd.tile.s32 @!p0 $0x1;
	_ =	shalt  }
.Lfunc_end2:
_tile_overlayer_lowered:
.L_overlay_start_2:
0x9b: {  	(tag) =	ssettag $0x2  }
0x9c: {  	s0 =	rddreg [dreg:$0x0];
	s2 =	stileid.u32  }
0x9d: {  	s1 =	rddreg [dreg:$0x1];
	p0 =	sne.s32 s2, $0x0  }
0x9e: {  	s3 =	rddreg [dreg:$0x2];
	[bflag:$0x3] =	sbarrier.arrive $0xFFFF;
	s2 =	simm.s32 @!p0 $0x1C09  }
0x9f: {  	[timem:s3], [sflag:s2] =	dma.local @!p0 [hbm:s0], s1  }
0xa0: {  	s0 =	simm.s32 @!p0 $0x9  }
0xa1: {  	_ =	swait.ge @!p0 [sflag:s0], s1  }
0xa2: {  	s1 =	ssub.s32 @!p0 $0x0, s1;
	[sflag:s0] =	ssyncset.done @!p0 $0x0  }
0xa3: {  	[sflag:s0] =	ssyncadd.s32 @!p0 s1  }
0xa4: {  	[bflag:$0x3] =	sbarrier.arrive $0xFFFF  }
0xa5: {  	_ =	shalt  }

</sc_bundles>
